<compile_context>
chip_gen: v7x
topology: tpu7x:2x2x1
jax: 0.10.2.dev20260603
libtpu: 0.0.44.dev20260713+nightly
codegen_flags: <defaults>
</compile_context>

<pallas_src>
import jax
import jax.numpy as jnp
from jax import lax
from jax.experimental import pallas as pl
from jax.experimental.pallas import tpu as pltpu
from jax.experimental.pallas import tpu_sc as plsc

_C = 80
_K = 300
_QC = 80000
_NV_STREAM = _QC // 16
_CAP_TRIG = 1008
_CAP = 1136
_NV_CAP = _CAP // 16
_GRP = 8
_PAD_W = 384
_NC = 2
_NS = 16
_ROWS_PER_WORKER = 128 // (_NC * _NS)


def _to_ukey(v):
    b = plsc.bitcast(v, jnp.int32)
    sign = lax.shift_right_arithmetic(b, 31)
    return plsc.bitcast(b ^ (sign | jnp.int32(-(2**31))), jnp.uint32)


def _sc_body(logits_hbm, boxes_hbm, out_val, out_lab, out_boxes,
             rowbuf, cval, cidx, cukey, qidx2d, labbuf, boxdest,
             tref, wref, sem):
    iota = lax.iota(jnp.int32, 16)
    neg_inf = jnp.full((16,), -jnp.inf, jnp.float32)
    wid = lax.axis_index("s") * _NC + lax.axis_index("c")

    def compact(wptr):

        def ukbody(j, _):
            cukey[pl.ds(j * 16, 16)] = _to_ukey(cval[pl.ds(j * 16, 16)])
            return 0

        lax.fori_loop(0, _NV_CAP, ukbody, 0)

        def count_ge(ku):
            ks = jnp.full((16,), ku, jnp.uint32)

            def cbody(j, acc):
                uk = cukey[pl.ds(j * 16, 16)]
                valid = (j * 16 + iota) < wptr
                return acc + jnp.where((uk >= ks) & valid, 1, 0)

            acc = lax.fori_loop(0, _NV_CAP, cbody, jnp.zeros((16,), jnp.int32))
            return jnp.sum(acc)

        def dbody(b, K):
            cand = K | (jnp.uint32(1) << (jnp.uint32(31) - b.astype(jnp.uint32)))
            c = count_ge(cand)
            return jnp.where(c >= _K, cand, K)

        K = lax.fori_loop(0, 32, dbody, jnp.uint32(0))
        G = count_ge(K + jnp.uint32(1))
        E = _K - G
        ksplat = jnp.full((16,), K, jnp.uint32)

        def fbody(j, carry):
            nw, eqs = carry
            v = cval[pl.ds(j * 16, 16)]
            ix = cidx[pl.ds(j * 16, 16)]
            uk = cukey[pl.ds(j * 16, 16)]
            valid = (j * 16 + iota) < wptr
            gt = (uk > ksplat) & valid
            eq = (uk == ksplat) & valid
            eqrank = eqs + plsc.cumsum(jnp.where(eq, 1, 0))
            keep = gt | (eq & (eqrank <= E))
            plsc.store_compressed(cval.at[pl.ds(nw, 16)], v, mask=keep)
            plsc.store_compressed(cidx.at[pl.ds(nw, 16)], ix, mask=keep)
            return (nw + plsc.all_reduce_population_count(keep)[0],
                    eqs + plsc.all_reduce_population_count(eq)[0])

        lax.fori_loop(0, _NV_CAP, fbody, (jnp.int32(0), jnp.int32(0)))

        kv = jnp.full((16,), K, jnp.uint32)
        signset = (kv & jnp.uint32(0x80000000)) != jnp.uint32(0)
        bits = jnp.where(signset, kv ^ jnp.uint32(0x80000000), ~kv)
        tref[pl.ds(0, 16)] = plsc.bitcast(bits, jnp.float32)
        wref[0] = jnp.int32(_K)

    def row_body(rr, _):
        r = wid * _ROWS_PER_WORKER + rr
        pltpu.sync_copy(logits_hbm.at[pl.ds(r * _QC, _QC)], rowbuf)
        tref[pl.ds(0, 16)] = neg_inf

        def gbody(g, carry):
            wptr_v, t_v = carry
            for k in range(_GRP):
                i = g * _GRP + k
                v = rowbuf[pl.ds(i * 16, 16)]
                m = v > t_v
                c = plsc.cumsum(jnp.where(m, 1, 0))
                pos = wptr_v + c - 1
                plsc.store_scatter(cval, [pos], v, mask=m)
                plsc.store_scatter(cidx, [pos], i * 16 + iota, mask=m)
                wptr_v = wptr_v + plsc.all_reduce_population_count(m)
            wscal = wptr_v[0]

            @pl.when(wscal >= _CAP_TRIG)
            def _():
                compact(wscal)

            wptr_v = jnp.where(wscal >= _CAP_TRIG,
                               jnp.full((16,), _K, jnp.int32), wptr_v)
            return wptr_v, tref[pl.ds(0, 16)]

        wptr_v, _ = lax.fori_loop(
            0, _NV_STREAM // _GRP, gbody,
            (jnp.zeros((16,), jnp.int32), neg_inf))
        compact(wptr_v[0])

        padmask = iota >= 12
        plsc.store_scatter(cval, [288 + iota], neg_inf, mask=padmask)
        plsc.store_scatter(cidx, [288 + iota], jnp.zeros((16,), jnp.int32),
                           mask=padmask)

        def pbody(j, _):
            cval[pl.ds(j * 16, 16)] = neg_inf
            cidx[pl.ds(j * 16, 16)] = jnp.zeros((16,), jnp.int32)
            return 0

        lax.fori_loop(19, _PAD_W // 16, pbody, 0)

        def qbody(j, _):
            ix = cidx[pl.ds(j * 16, 16)]
            q = ix // _C
            labbuf[pl.ds(j * 16, 16)] = ix - q * _C
            qidx2d[j // 8, pl.ds((j % 8) * 16, 16)] = q + r * 1000
            return 0

        lax.fori_loop(0, _PAD_W // 16, qbody, 0)

        descs = []
        for jj in range(3):
            descs.append(pltpu.async_copy(
                boxes_hbm.at[qidx2d.at[jj]],
                boxdest.at[pl.ds(jj * 128, 128), :], sem))
        for d in descs:
            d.wait()

        pltpu.sync_copy(cval.at[pl.ds(0, _PAD_W)],
                        out_val.at[pl.ds(r * _PAD_W, _PAD_W)])
        pltpu.sync_copy(labbuf, out_lab.at[pl.ds(r * _PAD_W, _PAD_W)])
        pltpu.sync_copy(boxdest, out_boxes.at[pl.ds(r * _PAD_W, _PAD_W), :])
        return 0

    lax.fori_loop(0, _ROWS_PER_WORKER, row_body, 0)


_RB = 8


def _rank_body(pay_ref, sz_ref, sc_ref, lb_ref, bx_ref):
    ii = lax.broadcasted_iota(jnp.int32, (_PAD_W, _PAD_W), 0)
    jj = lax.broadcasted_iota(jnp.int32, (_PAD_W, _PAD_W), 1)
    for r2 in range(_RB):
        pay = pay_ref[r2]
        v = pay[0]
        Vi = v[:, None]
        Vj = v[None, :]
        M = (Vj > Vi) | ((Vj == Vi) & (jj < ii))
        rank = jnp.sum(M.astype(jnp.int32), axis=1)
        P = (rank[:, None] == jj).astype(jnp.float32)
        sortedT = lax.dot_general(pay, P, (((1,), (0,)), ((), ())),
                                  preferred_element_type=jnp.float32,
                                  precision=lax.Precision.HIGHEST)
        sw = sz_ref[r2, 0, 0].astype(jnp.float32)
        sh = sz_ref[r2, 0, 1].astype(jnp.float32)
        sc_ref[r2, 0] = jax.nn.sigmoid(sortedT[0, :_K])
        lb_ref[r2, 0] = sortedT[1, :_K].astype(jnp.int32)
        cx = sortedT[2, :_K]
        cy = sortedT[3, :_K]
        w = sortedT[4, :_K]
        h = sortedT[5, :_K]
        bx_ref[r2, 0] = (cx - 0.5 * w) * sw
        bx_ref[r2, 1] = (cy - 0.5 * h) * sh
        bx_ref[r2, 2] = (cx + 0.5 * w) * sw
        bx_ref[r2, 3] = (cy + 0.5 * h) * sh


def kernel(pred_logits, pred_boxes, orig_target_sizes):
    B, Q, C = pred_logits.shape
    logits_flat = pred_logits.reshape(B * Q * C)
    boxes2d = jnp.pad(pred_boxes.reshape(B * Q, 4), ((0, 0), (0, 12)))

    sc_mesh = plsc.VectorSubcoreMesh(core_axis_name="c", subcore_axis_name="s",
                                     num_cores=_NC, num_subcores=_NS)
    val_flat, lab_flat, boxes_g = pl.kernel(
        _sc_body,
        out_type=(jax.ShapeDtypeStruct((B * _PAD_W,), jnp.float32),
                  jax.ShapeDtypeStruct((B * _PAD_W,), jnp.int32),
                  jax.ShapeDtypeStruct((B * _PAD_W, 16), jnp.float32)),
        mesh=sc_mesh,
        scratch_types=[pltpu.VMEM((_QC,), jnp.float32),
                       pltpu.VMEM((_CAP,), jnp.float32),
                       pltpu.VMEM((_CAP,), jnp.int32),
                       pltpu.VMEM((_CAP,), jnp.uint32),
                       pltpu.VMEM((3, 128), jnp.int32),
                       pltpu.VMEM((_PAD_W,), jnp.int32),
                       pltpu.VMEM((_PAD_W, 16), jnp.float32),
                       pltpu.VMEM((16,), jnp.float32),
                       pltpu.SMEM((1,), jnp.int32),
                       pltpu.SemaphoreType.DMA],
        compiler_params=pltpu.CompilerParams(needs_layout_passes=False,
                                             use_tc_tiling_on_sc=False),
    )(logits_flat, boxes2d)

    out_val = val_flat.reshape(B, _PAD_W)
    out_lab = lab_flat.reshape(B, _PAD_W)
    boxesT = jnp.transpose(
        boxes_g.reshape(B, _PAD_W, 16)[:, :, :4], (0, 2, 1))

    payload = jnp.concatenate(
        [out_val[:, None, :],
         out_lab.astype(jnp.float32)[:, None, :],
         boxesT], axis=1)
    sizes3 = orig_target_sizes[:, None, :]

    scores, labels, boxT = pl.pallas_call(
        _rank_body,
        grid=(B // _RB,),
        in_specs=[pl.BlockSpec((_RB, 6, _PAD_W), lambda r: (r, 0, 0)),
                  pl.BlockSpec((_RB, 1, 2), lambda r: (r, 0, 0))],
        out_specs=[pl.BlockSpec((_RB, 1, _K), lambda r: (r, 0, 0)),
                   pl.BlockSpec((_RB, 1, _K), lambda r: (r, 0, 0)),
                   pl.BlockSpec((_RB, 4, _K), lambda r: (r, 0, 0))],
        out_shape=[jax.ShapeDtypeStruct((B, 1, _K), jnp.float32),
                   jax.ShapeDtypeStruct((B, 1, _K), jnp.int32),
                   jax.ShapeDtypeStruct((B, 4, _K), jnp.float32)],
    )(payload, sizes3)

    boxes = jnp.transpose(boxT, (0, 2, 1))
    return (labels[:, 0, :], boxes, scores[:, 0, :])

# --- scband reference (transcript-rebuilt; emitter-appended) ---
"""Pipeline reference for scband-dfinepost-processor-80041010528718 (READ-ONLY COPY).

The authoritative reference and input builder live on the scoring server;
editing this copy changes nothing except your own understanding.
"""

import jax, jax.numpy as jnp
import numpy as np

NUM_CLASSES = 80
NUM_TOP_QUERIES = 300


def setup_inputs(seed: int = 0) -> dict:
    key = jax.random.key(seed)
    k1, k2, k3 = jax.random.split(key, 3)
    pred_logits = jax.random.normal(k1, (128, 1000, NUM_CLASSES), dtype=jnp.float32)
    pred_boxes = jax.random.uniform(k2, (128, 1000, 4), dtype=jnp.float32)
    orig_target_sizes = jax.random.randint(k3, (128, 2), 0, 1333).astype(jnp.int32)
    return {
        "pred_logits": pred_logits,
        "pred_boxes": pred_boxes,
        "orig_target_sizes": orig_target_sizes,
    }


def reference(pred_logits, pred_boxes, orig_target_sizes):
    B, Q, C = pred_logits.shape
    # box_convert cxcywh -> xyxy
    cxcy = pred_boxes[..., :2]
    wh = pred_boxes[..., 2:]
    b_xyxy = jnp.concatenate([cxcy - 0.5 * wh, cxcy + 0.5 * wh], axis=-1)
    # scale_tensor = orig_target_sizes.repeat(1, 2).unsqueeze(1)
    scale = jnp.tile(orig_target_sizes.astype(jnp.float32), (1, 2))[:, None, :]
    bbox_pred = b_xyxy * scale
    # use_focal_loss path: sigmoid scores, topk over flattened (Q*C)
    scores = jax.nn.sigmoid(pred_logits).reshape(B, Q * C)
    top_scores, index = jax.lax.top_k(scores, NUM_TOP_QUERIES)
    labels = index % C
    qidx = index // C
    gather_idx = jnp.broadcast_to(qidx[:, :, None], (B, NUM_TOP_QUERIES, 4))
    final_boxes = jnp.take_along_axis(bbox_pred, gather_idx, axis=1)
    return (labels, final_boxes, top_scores)

if __name__ == "__main__":
    import jax
    _d = setup_inputs()
    print(jax.jit(kernel)(*tuple(_d.values())))

</pallas_src>

<mosaic_0001>
#map = affine_map<(d0, d1) -> (0)>
#map1 = affine_map<(d0, d1) -> (0, 0)>
module attributes {stable_mosaic.version = 14 : i64} {
  func.func @_sc_body(%arg0: i32, %arg1: i32, %arg2: memref<10240000xf32, #tpu.memory_space<hbm>>, %arg3: memref<128000x16xf32, #tpu.memory_space<hbm>>, %arg4: memref<49152xf32, #tpu.memory_space<hbm>>, %arg5: memref<49152xi32, #tpu.memory_space<hbm>>, %arg6: memref<49152x16xf32, #tpu.memory_space<hbm>>, %arg7: memref<80000xf32, #tpu.memory_space<vmem>>, %arg8: memref<1136xf32, #tpu.memory_space<vmem>>, %arg9: memref<1136xi32, #tpu.memory_space<vmem>>, %arg10: memref<1136xi32, #tpu.memory_space<vmem>>, %arg11: memref<3x128xi32, #tpu.memory_space<vmem>>, %arg12: memref<384xi32, #tpu.memory_space<vmem>>, %arg13: memref<384x16xf32, #tpu.memory_space<vmem>>, %arg14: memref<16xf32, #tpu.memory_space<vmem>>, %arg15: memref<1xi32, #tpu.memory_space<smem>>, %arg16: memref<!tpu.dma_semaphore, #tpu.memory_space<semaphore_mem>>) attributes {dimension_semantics = [#tpu.dimension_semantics<core_parallel>, #tpu.dimension_semantics<subcore_parallel>], iteration_bounds = array<i64: 2, 16>, scalar_prefetch = 0 : i64, scratch_operands = 10 : i64, tpu.core_type = #tpu.core_type<sc_vector_subcore>, window_params = [{transform_indices = #map}, {transform_indices = #map1}, {transform_indices = #map}, {transform_indices = #map}, {transform_indices = #map1}]} {
    %iota3A = tpu.iota {dimensions = array<i32: 0>} : vector<16xi32>
    %broadcast_in_dim3A = arith.constant 0xFF800000 : f32
    %broadcast_in_dim3A_0 = vector.broadcast %broadcast_in_dim3A : f32 to vector<16xf32>
    %mul3A = arith.constant 2 : i32
    %mul3A_1 = arith.muli %arg1, %mul3A : i32
    %add3A = arith.addi %mul3A_1, %arg0 : i32
    %scan3A = arith.constant 0 : i32
    %scan3A_2 = arith.constant 0 : i32
    %scan3A_3 = arith.constant 4 : i32
    %scan3A_4 = arith.addi %scan3A_2, %scan3A_3 : i32
    %scan3A_5 = arith.constant 1 : i32
    %scan3A_6 = scf.for %scan3A_8 = %scan3A_2 to %scan3A_4 step %scan3A_5 iter_args(%scan3A_9 = %scan3A) -> (i32)  : i32 {
      %mul3A_10 = arith.constant 4 : i32
      %mul3A_11 = arith.muli %add3A, %mul3A_10 : i32
      %add3A_12 = arith.addi %mul3A_11, %scan3A_8 : i32
      %mul3A_13 = arith.constant 80000 : i32
      %mul3A_14 = arith.muli %add3A_12, %mul3A_13 : i32
      "tpu.region"() ({
        %run_scoped3A = tpu.sem_alloc : memref<!tpu.dma_semaphore, #tpu.memory_space<semaphore_mem>>
        %dma_start3A_165 = tpu.memref_slice %arg2[%mul3A_14] : memref<10240000xf32, #tpu.memory_space<hbm>> -> memref<80000xf32, #tpu.memory_space<hbm>>
        %dma_start3A_166 = tpu.memref_slice %arg2[%mul3A_14] : memref<10240000xf32, #tpu.memory_space<hbm>> -> memref<80000xf32, #tpu.memory_space<hbm>>
        tpu.enqueue_dma source(%dma_start3A_166 : memref<80000xf32, #tpu.memory_space<hbm>>) target(%arg7 : memref<80000xf32, #tpu.memory_space<vmem>>) target_semaphore(%run_scoped3A : memref<!tpu.dma_semaphore, #tpu.memory_space<semaphore_mem>>)
        %dma_wait3A_167 = tpu.memref_slice %arg2[%mul3A_14] : memref<10240000xf32, #tpu.memory_space<hbm>> -> memref<80000xf32, #tpu.memory_space<hbm>>
        %dma_wait3A_168 = tpu.memref_slice %arg2[%mul3A_14] : memref<10240000xf32, #tpu.memory_space<hbm>> -> memref<80000xf32, #tpu.memory_space<hbm>>
        tpu.wait_dma2 semaphore(%run_scoped3A : memref<!tpu.dma_semaphore, #tpu.memory_space<semaphore_mem>>) src(%dma_wait3A_168 : memref<80000xf32, #tpu.memory_space<hbm>>) dst(%arg7 : memref<80000xf32, #tpu.memory_space<vmem>>)
        tpu.yield
      }) : () -> ()
      %swap3A = arith.constant 0 : index
      %swap3A_15 = tpu.vector_load %arg14[%swap3A] {strides = array<i32>} : memref<16xf32, #tpu.memory_space<vmem>>, vector<16xf32>,
      tpu.vector_store %arg14[%swap3A], %broadcast_in_dim3A_0 {strides = array<i32>} : memref<16xf32, #tpu.memory_space<vmem>>, vector<16xf32>,
      %broadcast_in_dim3A_16 = arith.constant 0 : i32
      %broadcast_in_dim3A_17 = vector.broadcast %broadcast_in_dim3A_16 : i32 to vector<16xi32>
      %scan3A_18 = arith.constant 0 : i32
      %scan3A_19 = arith.constant 625 : i32
      %scan3A_20 = arith.addi %scan3A_18, %scan3A_19 : i32
      %scan3A_21 = arith.constant 1 : i32
      %scan3A_22:2 = scf.for %scan3A_165 = %scan3A_18 to %scan3A_20 step %scan3A_21 iter_args(%scan3A_166 = %broadcast_in_dim3A_17, %scan3A_167 = %broadcast_in_dim3A_0) -> (vector<16xi32>, vector<16xf32>)  : i32 {
        %mul3A_168 = arith.constant 8 : i32
        %mul3A_169 = arith.muli %scan3A_165, %mul3A_168 : i32
        %add3A_170 = arith.constant 0 : i32
        %add3A_171 = arith.addi %mul3A_169, %add3A_170 : i32
        %mul3A_172 = arith.constant 16 : i32
        %mul3A_173 = arith.muli %add3A_171, %mul3A_172 : i32
        %get3A = arith.index_cast %mul3A_173 : i32 to index
        %get3A_174 = tpu.vector_load %arg7[%get3A] {strides = array<i32>} : memref<80000xf32, #tpu.memory_space<vmem>>, vector<16xf32>,
        %gt3A = arith.cmpf ogt, %get3A_174, %scan3A_167 : vector<16xf32>
        %jit3A = arith.constant 1 : i32
        %jit3A_175 = arith.constant 0 : i32
        %broadcast_in_dim3A_176 = vector.broadcast %jit3A : i32 to vector<16xi32>
        %broadcast_in_dim3A_177 = vector.broadcast %jit3A_175 : i32 to vector<16xi32>
        %select_n3A_178 = arith.select %gt3A, %broadcast_in_dim3A_176, %broadcast_in_dim3A_177 : vector<16xi1>, vector<16xi32>
        %broadcast_in_dim3A_179 = arith.constant true
        %broadcast_in_dim3A_180 = vector.broadcast %broadcast_in_dim3A_179 : i1 to vector<16xi1>
        %masked_cumsum3A = tpu.scan <sum>, %select_n3A_178 masked %broadcast_in_dim3A_180 : vector<16xi32>, vector<16xi1> -> vector<16xi32>
        %add3A_181 = arith.addi %scan3A_166, %masked_cumsum3A : vector<16xi32>
        %sub3A_182 = arith.constant 1 : i32
        %sub3A_183 = vector.broadcast %sub3A_182 : i32 to vector<16xi32>
        %sub3A_184 = arith.subi %add3A_181, %sub3A_183 : vector<16xi32>
        tpu.vector_store_idx %arg8[%sub3A_184], %get3A_174 masked %gt3A : memref<1136xf32, #tpu.memory_space<vmem>>[vector<16xi32>], vector<16xf32>, vector<16xi1>
        %mul3A_185 = arith.constant 16 : i32
        %mul3A_186 = arith.muli %add3A_171, %mul3A_185 : i32
        %add3A_187 = vector.broadcast %mul3A_186 : i32 to vector<16xi32>
        %add3A_188 = arith.addi %add3A_187, %iota3A : vector<16xi32>
        tpu.vector_store_idx %arg9[%sub3A_184], %add3A_188 masked %gt3A : memref<1136xi32, #tpu.memory_space<vmem>>[vector<16xi32>], vector<16xi32>, vector<16xi1>
        %all_reduce_population_count3A = tpu.all_reduce %gt3A {dim = 0 : i64, kind = #tpu.reduction_kind<sum>} : vector<16xi1> -> vector<16xi32>
        %add3A_189 = arith.addi %scan3A_166, %all_reduce_population_count3A : vector<16xi32>
        %mul3A_190 = arith.constant 8 : i32
        %mul3A_191 = arith.muli %scan3A_165, %mul3A_190 : i32
        %add3A_192 = arith.constant 1 : i32
        %add3A_193 = arith.addi %mul3A_191, %add3A_192 : i32
        %mul3A_194 = arith.constant 16 : i32
        %mul3A_195 = arith.muli %add3A_193, %mul3A_194 : i32
        %get3A_196 = arith.index_cast %mul3A_195 : i32 to index
        %get3A_197 = tpu.vector_load %arg7[%get3A_196] {strides = array<i32>} : memref<80000xf32, #tpu.memory_space<vmem>>, vector<16xf32>,
        %gt3A_198 = arith.cmpf ogt, %get3A_197, %scan3A_167 : vector<16xf32>
        %jit3A_199 = arith.constant 1 : i32
        %jit3A_200 = arith.constant 0 : i32
        %broadcast_in_dim3A_201 = vector.broadcast %jit3A_199 : i32 to vector<16xi32>
        %broadcast_in_dim3A_202 = vector.broadcast %jit3A_200 : i32 to vector<16xi32>
        %select_n3A_203 = arith.select %gt3A_198, %broadcast_in_dim3A_201, %broadcast_in_dim3A_202 : vector<16xi1>, vector<16xi32>
        %broadcast_in_dim3A_204 = arith.constant true
        %broadcast_in_dim3A_205 = vector.broadcast %broadcast_in_dim3A_204 : i1 to vector<16xi1>
        %masked_cumsum3A_206 = tpu.scan <sum>, %select_n3A_203 masked %broadcast_in_dim3A_205 : vector<16xi32>, vector<16xi1> -> vector<16xi32>
        %add3A_207 = arith.addi %add3A_189, %masked_cumsum3A_206 : vector<16xi32>
        %sub3A_208 = arith.constant 1 : i32
        %sub3A_209 = vector.broadcast %sub3A_208 : i32 to vector<16xi32>
        %sub3A_210 = arith.subi %add3A_207, %sub3A_209 : vector<16xi32>
        tpu.vector_store_idx %arg8[%sub3A_210], %get3A_197 masked %gt3A_198 : memref<1136xf32, #tpu.memory_space<vmem>>[vector<16xi32>], vector<16xf32>, vector<16xi1>
        %mul3A_211 = arith.constant 16 : i32
        %mul3A_212 = arith.muli %add3A_193, %mul3A_211 : i32
        %add3A_213 = vector.broadcast %mul3A_212 : i32 to vector<16xi32>
        %add3A_214 = arith.addi %add3A_213, %iota3A : vector<16xi32>
        tpu.vector_store_idx %arg9[%sub3A_210], %add3A_214 masked %gt3A_198 : memref<1136xi32, #tpu.memory_space<vmem>>[vector<16xi32>], vector<16xi32>, vector<16xi1>
        %all_reduce_population_count3A_215 = tpu.all_reduce %gt3A_198 {dim = 0 : i64, kind = #tpu.reduction_kind<sum>} : vector<16xi1> -> vector<16xi32>
        %add3A_216 = arith.addi %add3A_189, %all_reduce_population_count3A_215 : vector<16xi32>
        %mul3A_217 = arith.constant 8 : i32
        %mul3A_218 = arith.muli %scan3A_165, %mul3A_217 : i32
        %add3A_219 = arith.constant 2 : i32
        %add3A_220 = arith.addi %mul3A_218, %add3A_219 : i32
        %mul3A_221 = arith.constant 16 : i32
        %mul3A_222 = arith.muli %add3A_220, %mul3A_221 : i32
        %get3A_223 = arith.index_cast %mul3A_222 : i32 to index
        %get3A_224 = tpu.vector_load %arg7[%get3A_223] {strides = array<i32>} : memref<80000xf32, #tpu.memory_space<vmem>>, vector<16xf32>,
        %gt3A_225 = arith.cmpf ogt, %get3A_224, %scan3A_167 : vector<16xf32>
        %jit3A_226 = arith.constant 1 : i32
        %jit3A_227 = arith.constant 0 : i32
        %broadcast_in_dim3A_228 = vector.broadcast %jit3A_226 : i32 to vector<16xi32>
        %broadcast_in_dim3A_229 = vector.broadcast %jit3A_227 : i32 to vector<16xi32>
        %select_n3A_230 = arith.select %gt3A_225, %broadcast_in_dim3A_228, %broadcast_in_dim3A_229 : vector<16xi1>, vector<16xi32>
        %broadcast_in_dim3A_231 = arith.constant true
        %broadcast_in_dim3A_232 = vector.broadcast %broadcast_in_dim3A_231 : i1 to vector<16xi1>
        %masked_cumsum3A_233 = tpu.scan <sum>, %select_n3A_230 masked %broadcast_in_dim3A_232 : vector<16xi32>, vector<16xi1> -> vector<16xi32>
        %add3A_234 = arith.addi %add3A_216, %masked_cumsum3A_233 : vector<16xi32>
        %sub3A_235 = arith.constant 1 : i32
        %sub3A_236 = vector.broadcast %sub3A_235 : i32 to vector<16xi32>
        %sub3A_237 = arith.subi %add3A_234, %sub3A_236 : vector<16xi32>
        tpu.vector_store_idx %arg8[%sub3A_237], %get3A_224 masked %gt3A_225 : memref<1136xf32, #tpu.memory_space<vmem>>[vector<16xi32>], vector<16xf32>, vector<16xi1>
        %mul3A_238 = arith.constant 16 : i32
        %mul3A_239 = arith.muli %add3A_220, %mul3A_238 : i32
        %add3A_240 = vector.broadcast %mul3A_239 : i32 to vector<16xi32>
        %add3A_241 = arith.addi %add3A_240, %iota3A : vector<16xi32>
        tpu.vector_store_idx %arg9[%sub3A_237], %add3A_241 masked %gt3A_225 : memref<1136xi32, #tpu.memory_space<vmem>>[vector<16xi32>], vector<16xi32>, vector<16xi1>
        %all_reduce_population_count3A_242 = tpu.all_reduce %gt3A_225 {dim = 0 : i64, kind = #tpu.reduction_kind<sum>} : vector<16xi1> -> vector<16xi32>
        %add3A_243 = arith.addi %add3A_216, %all_reduce_population_count3A_242 : vector<16xi32>
        %mul3A_244 = arith.constant 8 : i32
        %mul3A_245 = arith.muli %scan3A_165, %mul3A_244 : i32
        %add3A_246 = arith.constant 3 : i32
        %add3A_247 = arith.addi %mul3A_245, %add3A_246 : i32
        %mul3A_248 = arith.constant 16 : i32
        %mul3A_249 = arith.muli %add3A_247, %mul3A_248 : i32
        %get3A_250 = arith.index_cast %mul3A_249 : i32 to index
        %get3A_251 = tpu.vector_load %arg7[%get3A_250] {strides = array<i32>} : memref<80000xf32, #tpu.memory_space<vmem>>, vector<16xf32>,
        %gt3A_252 = arith.cmpf ogt, %get3A_251, %scan3A_167 : vector<16xf32>
        %jit3A_253 = arith.constant 1 : i32
        %jit3A_254 = arith.constant 0 : i32
        %broadcast_in_dim3A_255 = vector.broadcast %jit3A_253 : i32 to vector<16xi32>
        %broadcast_in_dim3A_256 = vector.broadcast %jit3A_254 : i32 to vector<16xi32>
        %select_n3A_257 = arith.select %gt3A_252, %broadcast_in_dim3A_255, %broadcast_in_dim3A_256 : vector<16xi1>, vector<16xi32>
        %broadcast_in_dim3A_258 = arith.constant true
        %broadcast_in_dim3A_259 = vector.broadcast %broadcast_in_dim3A_258 : i1 to vector<16xi1>
        %masked_cumsum3A_260 = tpu.scan <sum>, %select_n3A_257 masked %broadcast_in_dim3A_259 : vector<16xi32>, vector<16xi1> -> vector<16xi32>
        %add3A_261 = arith.addi %add3A_243, %masked_cumsum3A_260 : vector<16xi32>
        %sub3A_262 = arith.constant 1 : i32
        %sub3A_263 = vector.broadcast %sub3A_262 : i32 to vector<16xi32>
        %sub3A_264 = arith.subi %add3A_261, %sub3A_263 : vector<16xi32>
        tpu.vector_store_idx %arg8[%sub3A_264], %get3A_251 masked %gt3A_252 : memref<1136xf32, #tpu.memory_space<vmem>>[vector<16xi32>], vector<16xf32>, vector<16xi1>
        %mul3A_265 = arith.constant 16 : i32
        %mul3A_266 = arith.muli %add3A_247, %mul3A_265 : i32
        %add3A_267 = vector.broadcast %mul3A_266 : i32 to vector<16xi32>
        %add3A_268 = arith.addi %add3A_267, %iota3A : vector<16xi32>
        tpu.vector_store_idx %arg9[%sub3A_264], %add3A_268 masked %gt3A_252 : memref<1136xi32, #tpu.memory_space<vmem>>[vector<16xi32>], vector<16xi32>, vector<16xi1>
        %all_reduce_population_count3A_269 = tpu.all_reduce %gt3A_252 {dim = 0 : i64, kind = #tpu.reduction_kind<sum>} : vector<16xi1> -> vector<16xi32>
        %add3A_270 = arith.addi %add3A_243, %all_reduce_population_count3A_269 : vector<16xi32>
        %mul3A_271 = arith.constant 8 : i32
        %mul3A_272 = arith.muli %scan3A_165, %mul3A_271 : i32
        %add3A_273 = arith.constant 4 : i32
        %add3A_274 = arith.addi %mul3A_272, %add3A_273 : i32
        %mul3A_275 = arith.constant 16 : i32
        %mul3A_276 = arith.muli %add3A_274, %mul3A_275 : i32
        %get3A_277 = arith.index_cast %mul3A_276 : i32 to index
        %get3A_278 = tpu.vector_load %arg7[%get3A_277] {strides = array<i32>} : memref<80000xf32, #tpu.memory_space<vmem>>, vector<16xf32>,
        %gt3A_279 = arith.cmpf ogt, %get3A_278, %scan3A_167 : vector<16xf32>
        %jit3A_280 = arith.constant 1 : i32
        %jit3A_281 = arith.constant 0 : i32
        %broadcast_in_dim3A_282 = vector.broadcast %jit3A_280 : i32 to vector<16xi32>
        %broadcast_in_dim3A_283 = vector.broadcast %jit3A_281 : i32 to vector<16xi32>
        %select_n3A_284 = arith.select %gt3A_279, %broadcast_in_dim3A_282, %broadcast_in_dim3A_283 : vector<16xi1>, vector<16xi32>
        %broadcast_in_dim3A_285 = arith.constant true
        %broadcast_in_dim3A_286 = vector.broadcast %broadcast_in_dim3A_285 : i1 to vector<16xi1>
        %masked_cumsum3A_287 = tpu.scan <sum>, %select_n3A_284 masked %broadcast_in_dim3A_286 : vector<16xi32>, vector<16xi1> -> vector<16xi32>
        %add3A_288 = arith.addi %add3A_270, %masked_cumsum3A_287 : vector<16xi32>
        %sub3A_289 = arith.constant 1 : i32
        %sub3A_290 = vector.broadcast %sub3A_289 : i32 to vector<16xi32>
        %sub3A_291 = arith.subi %add3A_288, %sub3A_290 : vector<16xi32>
        tpu.vector_store_idx %arg8[%sub3A_291], %get3A_278 masked %gt3A_279 : memref<1136xf32, #tpu.memory_space<vmem>>[vector<16xi32>], vector<16xf32>, vector<16xi1>
        %mul3A_292 = arith.constant 16 : i32
        %mul3A_293 = arith.muli %add3A_274, %mul3A_292 : i32
        %add3A_294 = vector.broadcast %mul3A_293 : i32 to vector<16xi32>
        %add3A_295 = arith.addi %add3A_294, %iota3A : vector<16xi32>
        tpu.vector_store_idx %arg9[%sub3A_291], %add3A_295 masked %gt3A_279 : memref<1136xi32, #tpu.memory_space<vmem>>[vector<16xi32>], vector<16xi32>, vector<16xi1>
        %all_reduce_population_count3A_296 = tpu.all_reduce %gt3A_279 {dim = 0 : i64, kind = #tpu.reduction_kind<sum>} : vector<16xi1> -> vector<16xi32>
        %add3A_297 = arith.addi %add3A_270, %all_reduce_population_count3A_296 : vector<16xi32>
        %mul3A_298 = arith.constant 8 : i32
        %mul3A_299 = arith.muli %scan3A_165, %mul3A_298 : i32
        %add3A_300 = arith.constant 5 : i32
        %add3A_301 = arith.addi %mul3A_299, %add3A_300 : i32
        %mul3A_302 = arith.constant 16 : i32
        %mul3A_303 = arith.muli %add3A_301, %mul3A_302 : i32
        %get3A_304 = arith.index_cast %mul3A_303 : i32 to index
        %get3A_305 = tpu.vector_load %arg7[%get3A_304] {strides = array<i32>} : memref<80000xf32, #tpu.memory_space<vmem>>, vector<16xf32>,
        %gt3A_306 = arith.cmpf ogt, %get3A_305, %scan3A_167 : vector<16xf32>
        %jit3A_307 = arith.constant 1 : i32
        %jit3A_308 = arith.constant 0 : i32
        %broadcast_in_dim3A_309 = vector.broadcast %jit3A_307 : i32 to vector<16xi32>
        %broadcast_in_dim3A_310 = vector.broadcast %jit3A_308 : i32 to vector<16xi32>
        %select_n3A_311 = arith.select %gt3A_306, %broadcast_in_dim3A_309, %broadcast_in_dim3A_310 : vector<16xi1>, vector<16xi32>
        %broadcast_in_dim3A_312 = arith.constant true
        %broadcast_in_dim3A_313 = vector.broadcast %broadcast_in_dim3A_312 : i1 to vector<16xi1>
        %masked_cumsum3A_314 = tpu.scan <sum>, %select_n3A_311 masked %broadcast_in_dim3A_313 : vector<16xi32>, vector<16xi1> -> vector<16xi32>
        %add3A_315 = arith.addi %add3A_297, %masked_cumsum3A_314 : vector<16xi32>
        %sub3A_316 = arith.constant 1 : i32
        %sub3A_317 = vector.broadcast %sub3A_316 : i32 to vector<16xi32>
        %sub3A_318 = arith.subi %add3A_315, %sub3A_317 : vector<16xi32>
        tpu.vector_store_idx %arg8[%sub3A_318], %get3A_305 masked %gt3A_306 : memref<1136xf32, #tpu.memory_space<vmem>>[vector<16xi32>], vector<16xf32>, vector<16xi1>
        %mul3A_319 = arith.constant 16 : i32
        %mul3A_320 = arith.muli %add3A_301, %mul3A_319 : i32
        %add3A_321 = vector.broadcast %mul3A_320 : i32 to vector<16xi32>
        %add3A_322 = arith.addi %add3A_321, %iota3A : vector<16xi32>
        tpu.vector_store_idx %arg9[%sub3A_318], %add3A_322 masked %gt3A_306 : memref<1136xi32, #tpu.memory_space<vmem>>[vector<16xi32>], vector<16xi32>, vector<16xi1>
        %all_reduce_population_count3A_323 = tpu.all_reduce %gt3A_306 {dim = 0 : i64, kind = #tpu.reduction_kind<sum>} : vector<16xi1> -> vector<16xi32>
        %add3A_324 = arith.addi %add3A_297, %all_reduce_population_count3A_323 : vector<16xi32>
        %mul3A_325 = arith.constant 8 : i32
        %mul3A_326 = arith.muli %scan3A_165, %mul3A_325 : i32
        %add3A_327 = arith.constant 6 : i32
        %add3A_328 = arith.addi %mul3A_326, %add3A_327 : i32
        %mul3A_329 = arith.constant 16 : i32
        %mul3A_330 = arith.muli %add3A_328, %mul3A_329 : i32
        %get3A_331 = arith.index_cast %mul3A_330 : i32 to index
        %get3A_332 = tpu.vector_load %arg7[%get3A_331] {strides = array<i32>} : memref<80000xf32, #tpu.memory_space<vmem>>, vector<16xf32>,
        %gt3A_333 = arith.cmpf ogt, %get3A_332, %scan3A_167 : vector<16xf32>
        %jit3A_334 = arith.constant 1 : i32
        %jit3A_335 = arith.constant 0 : i32
        %broadcast_in_dim3A_336 = vector.broadcast %jit3A_334 : i32 to vector<16xi32>
        %broadcast_in_dim3A_337 = vector.broadcast %jit3A_335 : i32 to vector<16xi32>
        %select_n3A_338 = arith.select %gt3A_333, %broadcast_in_dim3A_336, %broadcast_in_dim3A_337 : vector<16xi1>, vector<16xi32>
        %broadcast_in_dim3A_339 = arith.constant true
        %broadcast_in_dim3A_340 = vector.broadcast %broadcast_in_dim3A_339 : i1 to vector<16xi1>
        %masked_cumsum3A_341 = tpu.scan <sum>, %select_n3A_338 masked %broadcast_in_dim3A_340 : vector<16xi32>, vector<16xi1> -> vector<16xi32>
        %add3A_342 = arith.addi %add3A_324, %masked_cumsum3A_341 : vector<16xi32>
        %sub3A_343 = arith.constant 1 : i32
        %sub3A_344 = vector.broadcast %sub3A_343 : i32 to vector<16xi32>
        %sub3A_345 = arith.subi %add3A_342, %sub3A_344 : vector<16xi32>
        tpu.vector_store_idx %arg8[%sub3A_345], %get3A_332 masked %gt3A_333 : memref<1136xf32, #tpu.memory_space<vmem>>[vector<16xi32>], vector<16xf32>, vector<16xi1>
        %mul3A_346 = arith.constant 16 : i32
        %mul3A_347 = arith.muli %add3A_328, %mul3A_346 : i32
        %add3A_348 = vector.broadcast %mul3A_347 : i32 to vector<16xi32>
        %add3A_349 = arith.addi %add3A_348, %iota3A : vector<16xi32>
        tpu.vector_store_idx %arg9[%sub3A_345], %add3A_349 masked %gt3A_333 : memref<1136xi32, #tpu.memory_space<vmem>>[vector<16xi32>], vector<16xi32>, vector<16xi1>
        %all_reduce_population_count3A_350 = tpu.all_reduce %gt3A_333 {dim = 0 : i64, kind = #tpu.reduction_kind<sum>} : vector<16xi1> -> vector<16xi32>
        %add3A_351 = arith.addi %add3A_324, %all_reduce_population_count3A_350 : vector<16xi32>
        %mul3A_352 = arith.constant 8 : i32
        %mul3A_353 = arith.muli %scan3A_165, %mul3A_352 : i32
        %add3A_354 = arith.constant 7 : i32
        %add3A_355 = arith.addi %mul3A_353, %add3A_354 : i32
        %mul3A_356 = arith.constant 16 : i32
        %mul3A_357 = arith.muli %add3A_355, %mul3A_356 : i32
        %get3A_358 = arith.index_cast %mul3A_357 : i32 to index
        %get3A_359 = tpu.vector_load %arg7[%get3A_358] {strides = array<i32>} : memref<80000xf32, #tpu.memory_space<vmem>>, vector<16xf32>,
        %gt3A_360 = arith.cmpf ogt, %get3A_359, %scan3A_167 : vector<16xf32>
        %jit3A_361 = arith.constant 1 : i32
        %jit3A_362 = arith.constant 0 : i32
        %broadcast_in_dim3A_363 = vector.broadcast %jit3A_361 : i32 to vector<16xi32>
        %broadcast_in_dim3A_364 = vector.broadcast %jit3A_362 : i32 to vector<16xi32>
        %select_n3A_365 = arith.select %gt3A_360, %broadcast_in_dim3A_363, %broadcast_in_dim3A_364 : vector<16xi1>, vector<16xi32>
        %broadcast_in_dim3A_366 = arith.constant true
        %broadcast_in_dim3A_367 = vector.broadcast %broadcast_in_dim3A_366 : i1 to vector<16xi1>
        %masked_cumsum3A_368 = tpu.scan <sum>, %select_n3A_365 masked %broadcast_in_dim3A_367 : vector<16xi32>, vector<16xi1> -> vector<16xi32>
        %add3A_369 = arith.addi %add3A_351, %masked_cumsum3A_368 : vector<16xi32>
        %sub3A_370 = arith.constant 1 : i32
        %sub3A_371 = vector.broadcast %sub3A_370 : i32 to vector<16xi32>
        %sub3A_372 = arith.subi %add3A_369, %sub3A_371 : vector<16xi32>
        tpu.vector_store_idx %arg8[%sub3A_372], %get3A_359 masked %gt3A_360 : memref<1136xf32, #tpu.memory_space<vmem>>[vector<16xi32>], vector<16xf32>, vector<16xi1>
        %mul3A_373 = arith.constant 16 : i32
        %mul3A_374 = arith.muli %add3A_355, %mul3A_373 : i32
        %add3A_375 = vector.broadcast %mul3A_374 : i32 to vector<16xi32>
        %add3A_376 = arith.addi %add3A_375, %iota3A : vector<16xi32>
        tpu.vector_store_idx %arg9[%sub3A_372], %add3A_376 masked %gt3A_360 : memref<1136xi32, #tpu.memory_space<vmem>>[vector<16xi32>], vector<16xi32>, vector<16xi1>
        %all_reduce_population_count3A_377 = tpu.all_reduce %gt3A_360 {dim = 0 : i64, kind = #tpu.reduction_kind<sum>} : vector<16xi1> -> vector<16xi32>
        %add3A_378 = arith.addi %add3A_351, %all_reduce_population_count3A_377 : vector<16xi32>
        %slice3A_379 = vector.extract_strided_slice %add3A_378 {offsets = [0], sizes = [1], strides = [1]} : vector<16xi32> to vector<1xi32>
        %squeeze3A_380 = vector.extract %slice3A_379[0] : i32 from vector<1xi32>
        %ge3A_381 = arith.constant 1008 : i32
        %ge3A_382 = arith.cmpi sge, %squeeze3A_380, %ge3A_381 : i32
        %convert_element_type3A = arith.extui %ge3A_382 : i1 to i32
        %cond3A = arith.constant 0 : i32
        %cond3A_383 = arith.cmpi ne, %convert_element_type3A, %cond3A : i32
        scf.if %cond3A_383 {
          %scan3A_391 = arith.constant 0 : i32
          %scan3A_392 = arith.constant 0 : i32
          %scan3A_393 = arith.constant 71 : i32
          %scan3A_394 = arith.addi %scan3A_392, %scan3A_393 : i32
          %scan3A_395 = arith.constant 1 : i32
          %scan3A_396 = scf.for %scan3A_451 = %scan3A_392 to %scan3A_394 step %scan3A_395 iter_args(%scan3A_452 = %scan3A_391) -> (i32)  : i32 {
            %mul3A_453 = arith.constant 16 : i32
            %mul3A_454 = arith.muli %scan3A_451, %mul3A_453 : i32
            %get3A_455 = arith.index_cast %mul3A_454 : i32 to index
            %get3A_456 = tpu.vector_load %arg8[%get3A_455] {strides = array<i32>} : memref<1136xf32, #tpu.memory_space<vmem>>, vector<16xf32>,
            %bitcast3A_457 = vector.bitcast %get3A_456 : vector<16xf32> to vector<16xi32>
            %shift_right_arithmetic3A = arith.constant 31 : i32
            %shift_right_arithmetic3A_458 = vector.broadcast %shift_right_arithmetic3A : i32 to vector<16xi32>
            %shift_right_arithmetic3A_459 = arith.shrsi %bitcast3A_457, %shift_right_arithmetic3A_458 : vector<16xi32>
            %or3A = arith.constant -2147483648 : i32
            %or3A_460 = vector.broadcast %or3A : i32 to vector<16xi32>
            %or3A_461 = arith.ori %shift_right_arithmetic3A_459, %or3A_460 : vector<16xi32>
            %xor3A_462 = arith.xori %bitcast3A_457, %or3A_461 : vector<16xi32>
            %bitcast3A_463 = vector.bitcast %xor3A_462 : vector<16xi32> to vector<16xi32>
            %mul3A_464 = arith.constant 16 : i32
            %mul3A_465 = arith.muli %scan3A_451, %mul3A_464 : i32
            %swap3A_466 = arith.index_cast %mul3A_465 : i32 to index
            %swap3A_467 = tpu.vector_load %arg10[%swap3A_466] {strides = array<i32>} : memref<1136xi32, #tpu.memory_space<vmem>>, vector<16xi32>,
            tpu.vector_store %arg10[%swap3A_466], %bitcast3A_463 {strides = array<i32>} : memref<1136xi32, #tpu.memory_space<vmem>>, vector<16xi32>,
            %scan3A_468 = arith.constant 0 : i32
            scf.yield %scan3A_468 : i32
          }
          %scan3A_397 = arith.constant 71 : i32
          %scan3A_398 = arith.constant 0 : i32
          %scan3A_399 = arith.constant 0 : i32
          %scan3A_400 = arith.constant 32 : i32
          %scan3A_401 = arith.addi %scan3A_399, %scan3A_400 : i32
          %scan3A_402 = arith.constant 1 : i32
          %scan3A_403 = scf.for %scan3A_451 = %scan3A_399 to %scan3A_401 step %scan3A_402 iter_args(%scan3A_452 = %scan3A_398) -> (i32)  : i32 {
            %sub3A_453 = arith.constant 31 : i32
            %sub3A_454 = arith.subi %sub3A_453, %scan3A_451 : i32
            %shift_left3A = arith.constant 1 : i32
            %shift_left3A_455 = arith.shli %shift_left3A, %sub3A_454 : i32
            %or3A = arith.ori %scan3A_452, %shift_left3A_455 : i32
            %broadcast_in_dim3A_456 = vector.broadcast %or3A : i32 to vector<16xi32>
            %broadcast_in_dim3A_457 = arith.constant 0 : i32
            %broadcast_in_dim3A_458 = vector.broadcast %broadcast_in_dim3A_457 : i32 to vector<16xi32>
            %scan3A_459 = arith.constant 0 : i32
            %scan3A_460 = arith.constant 71 : i32
            %scan3A_461 = arith.addi %scan3A_459, %scan3A_460 : i32
            %scan3A_462 = arith.constant 1 : i32
            %scan3A_463 = scf.for %scan3A_472 = %scan3A_459 to %scan3A_461 step %scan3A_462 iter_args(%scan3A_473 = %broadcast_in_dim3A_458) -> (vector<16xi32>)  : i32 {
              %mul3A_474 = arith.constant 16 : i32
              %mul3A_475 = arith.muli %scan3A_472, %mul3A_474 : i32
              %get3A_476 = arith.index_cast %mul3A_475 : i32 to index
              %get3A_477 = tpu.vector_load %arg10[%get3A_476] {strides = array<i32>} : memref<1136xi32, #tpu.memory_space<vmem>>, vector<16xi32>,
              %mul3A_478 = arith.constant 16 : i32
              %mul3A_479 = arith.muli %scan3A_472, %mul3A_478 : i32
              %add3A_480 = vector.broadcast %mul3A_479 : i32 to vector<16xi32>
              %add3A_481 = arith.addi %add3A_480, %iota3A : vector<16xi32>
              %lt3A = vector.broadcast %squeeze3A_380 : i32 to vector<16xi32>
              %lt3A_482 = arith.cmpi slt, %add3A_481, %lt3A : vector<16xi32>
              %ge3A_483 = arith.cmpi uge, %get3A_477, %broadcast_in_dim3A_456 : vector<16xi32>
              %and3A_484 = arith.andi %ge3A_483, %lt3A_482 : vector<16xi1>
              %jit3A_485 = arith.constant 1 : i32
              %jit3A_486 = arith.constant 0 : i32
              %broadcast_in_dim3A_487 = vector.broadcast %jit3A_485 : i32 to vector<16xi32>
              %broadcast_in_dim3A_488 = vector.broadcast %jit3A_486 : i32 to vector<16xi32>
              %select_n3A_489 = arith.select %and3A_484, %broadcast_in_dim3A_487, %broadcast_in_dim3A_488 : vector<16xi1>, vector<16xi32>
              %add3A_490 = arith.addi %scan3A_473, %select_n3A_489 : vector<16xi32>
              scf.yield %add3A_490 : vector<16xi32>
            }
            %scan3A_464 = arith.constant 71 : i32
            %reduce_sum3A_465 = arith.constant true
            %reduce_sum3A_466 = vector.broadcast %reduce_sum3A_465 : i1 to vector<16xi1>
            %reduce_sum3A_467 = tpu.scan <sum>, %scan3A_463 masked %reduce_sum3A_466 : vector<16xi32>, vector<16xi1> -> vector<16xi32>
            %reduce_sum3A_468 = vector.extract %reduce_sum3A_467[15] : i32 from vector<16xi32>
            %ge3A_469 = arith.constant 300 : i32
            %ge3A_470 = arith.cmpi sge, %reduce_sum3A_468, %ge3A_469 : i32
            %select_n3A_471 = arith.select %ge3A_470, %or3A, %scan3A_452 : i32
            scf.yield %select_n3A_471 : i32
          }
          %scan3A_404 = arith.constant 32 : i32
          %add3A_405 = arith.constant 1 : i32
          %add3A_406 = arith.addi %scan3A_403, %add3A_405 : i32
          %broadcast_in_dim3A_407 = vector.broadcast %add3A_406 : i32 to vector<16xi32>
          %broadcast_in_dim3A_408 = arith.constant 0 : i32
          %broadcast_in_dim3A_409 = vector.broadcast %broadcast_in_dim3A_408 : i32 to vector<16xi32>
          %scan3A_410 = arith.constant 0 : i32
          %scan3A_411 = arith.constant 71 : i32
          %scan3A_412 = arith.addi %scan3A_410, %scan3A_411 : i32
          %scan3A_413 = arith.constant 1 : i32
          %scan3A_414 = scf.for %scan3A_451 = %scan3A_410 to %scan3A_412 step %scan3A_413 iter_args(%scan3A_452 = %broadcast_in_dim3A_409) -> (vector<16xi32>)  : i32 {
            %mul3A_453 = arith.constant 16 : i32
            %mul3A_454 = arith.muli %scan3A_451, %mul3A_453 : i32
            %get3A_455 = arith.index_cast %mul3A_454 : i32 to index
            %get3A_456 = tpu.vector_load %arg10[%get3A_455] {strides = array<i32>} : memref<1136xi32, #tpu.memory_space<vmem>>, vector<16xi32>,
            %mul3A_457 = arith.constant 16 : i32
            %mul3A_458 = arith.muli %scan3A_451, %mul3A_457 : i32
            %add3A_459 = vector.broadcast %mul3A_458 : i32 to vector<16xi32>
            %add3A_460 = arith.addi %add3A_459, %iota3A : vector<16xi32>
            %lt3A = vector.broadcast %squeeze3A_380 : i32 to vector<16xi32>
            %lt3A_461 = arith.cmpi slt, %add3A_460, %lt3A : vector<16xi32>
            %ge3A_462 = arith.cmpi uge, %get3A_456, %broadcast_in_dim3A_407 : vector<16xi32>
            %and3A_463 = arith.andi %ge3A_462, %lt3A_461 : vector<16xi1>
            %jit3A_464 = arith.constant 1 : i32
            %jit3A_465 = arith.constant 0 : i32
            %broadcast_in_dim3A_466 = vector.broadcast %jit3A_464 : i32 to vector<16xi32>
            %broadcast_in_dim3A_467 = vector.broadcast %jit3A_465 : i32 to vector<16xi32>
            %select_n3A_468 = arith.select %and3A_463, %broadcast_in_dim3A_466, %broadcast_in_dim3A_467 : vector<16xi1>, vector<16xi32>
            %add3A_469 = arith.addi %scan3A_452, %select_n3A_468 : vector<16xi32>
            scf.yield %add3A_469 : vector<16xi32>
          }
          %scan3A_415 = arith.constant 71 : i32
          %reduce_sum3A_416 = arith.constant true
          %reduce_sum3A_417 = vector.broadcast %reduce_sum3A_416 : i1 to vector<16xi1>
          %reduce_sum3A_418 = tpu.scan <sum>, %scan3A_414 masked %reduce_sum3A_417 : vector<16xi32>, vector<16xi1> -> vector<16xi32>
          %reduce_sum3A_419 = vector.extract %reduce_sum3A_418[15] : i32 from vector<16xi32>
          %sub3A_420 = arith.constant 300 : i32
          %sub3A_421 = arith.subi %sub3A_420, %reduce_sum3A_419 : i32
          %broadcast_in_dim3A_422 = vector.broadcast %scan3A_403 : i32 to vector<16xi32>
          %scan3A_423 = arith.constant 0 : i32
          %scan3A_424 = arith.constant 0 : i32
          %scan3A_425 = arith.constant 0 : i32
          %scan3A_426 = arith.constant 71 : i32
          %scan3A_427 = arith.addi %scan3A_425, %scan3A_426 : i32
          %scan3A_428 = arith.constant 1 : i32
          %scan3A_429:2 = scf.for %scan3A_451 = %scan3A_425 to %scan3A_427 step %scan3A_428 iter_args(%scan3A_452 = %scan3A_423, %scan3A_453 = %scan3A_424) -> (i32, i32)  : i32 {
            %mul3A_454 = arith.constant 16 : i32
            %mul3A_455 = arith.muli %scan3A_451, %mul3A_454 : i32
            %get3A_456 = arith.index_cast %mul3A_455 : i32 to index
            %get3A_457 = tpu.vector_load %arg8[%get3A_456] {strides = array<i32>} : memref<1136xf32, #tpu.memory_space<vmem>>, vector<16xf32>,
            %mul3A_458 = arith.constant 16 : i32
            %mul3A_459 = arith.muli %scan3A_451, %mul3A_458 : i32
            %get3A_460 = arith.index_cast %mul3A_459 : i32 to index
            %get3A_461 = tpu.vector_load %arg9[%get3A_460] {strides = array<i32>} : memref<1136xi32, #tpu.memory_space<vmem>>, vector<16xi32>,
            %mul3A_462 = arith.constant 16 : i32
            %mul3A_463 = arith.muli %scan3A_451, %mul3A_462 : i32
            %get3A_464 = arith.index_cast %mul3A_463 : i32 to index
            %get3A_465 = tpu.vector_load %arg10[%get3A_464] {strides = array<i32>} : memref<1136xi32, #tpu.memory_space<vmem>>, vector<16xi32>,
            %mul3A_466 = arith.constant 16 : i32
            %mul3A_467 = arith.muli %scan3A_451, %mul3A_466 : i32
            %add3A_468 = vector.broadcast %mul3A_467 : i32 to vector<16xi32>
            %add3A_469 = arith.addi %add3A_468, %iota3A : vector<16xi32>
            %lt3A = vector.broadcast %squeeze3A_380 : i32 to vector<16xi32>
            %lt3A_470 = arith.cmpi slt, %add3A_469, %lt3A : vector<16xi32>
            %gt3A_471 = arith.cmpi ugt, %get3A_465, %broadcast_in_dim3A_422 : vector<16xi32>
            %and3A_472 = arith.andi %gt3A_471, %lt3A_470 : vector<16xi1>
            %eq3A = arith.cmpi eq, %get3A_465, %broadcast_in_dim3A_422 : vector<16xi32>
            %and3A_473 = arith.andi %eq3A, %lt3A_470 : vector<16xi1>
            %jit3A_474 = arith.constant 1 : i32
            %jit3A_475 = arith.constant 0 : i32
            %broadcast_in_dim3A_476 = vector.broadcast %jit3A_474 : i32 to vector<16xi32>
            %broadcast_in_dim3A_477 = vector.broadcast %jit3A_475 : i32 to vector<16xi32>
            %select_n3A_478 = arith.select %and3A_473, %broadcast_in_dim3A_476, %broadcast_in_dim3A_477 : vector<16xi1>, vector<16xi32>
            %broadcast_in_dim3A_479 = arith.constant true
            %broadcast_in_dim3A_480 = vector.broadcast %broadcast_in_dim3A_479 : i1 to vector<16xi1>
            %masked_cumsum3A_481 = tpu.scan <sum>, %select_n3A_478 masked %broadcast_in_dim3A_480 : vector<16xi32>, vector<16xi1> -> vector<16xi32>
            %add3A_482 = vector.broadcast %scan3A_453 : i32 to vector<16xi32>
            %add3A_483 = arith.addi %add3A_482, %masked_cumsum3A_481 : vector<16xi32>
            %le3A = vector.broadcast %sub3A_421 : i32 to vector<16xi32>
            %le3A_484 = arith.cmpi sle, %add3A_483, %le3A : vector<16xi32>
            %and3A_485 = arith.andi %and3A_473, %le3A_484 : vector<16xi1>
            %or3A = arith.ori %and3A_472, %and3A_485 : vector<16xi1>
            %swap3A_486 = arith.index_cast %scan3A_452 : i32 to index
            %swap3A_487 = tpu.vector_load %arg8[%swap3A_486] masked %or3A {strides = array<i32>} : memref<1136xf32, #tpu.memory_space<vmem>>, vector<16xf32>, vector<16xi1>
            tpu.vector_store %arg8[%swap3A_486], %get3A_457 masked %or3A {strides = array<i32>} : memref<1136xf32, #tpu.memory_space<vmem>>, vector<16xf32>, vector<16xi1>
            %swap3A_488 = arith.index_cast %scan3A_452 : i32 to index
            %swap3A_489 = tpu.vector_load %arg9[%swap3A_488] masked %or3A {strides = array<i32>} : memref<1136xi32, #tpu.memory_space<vmem>>, vector<16xi32>, vector<16xi1>
            tpu.vector_store %arg9[%swap3A_488], %get3A_461 masked %or3A {strides = array<i32>} : memref<1136xi32, #tpu.memory_space<vmem>>, vector<16xi32>, vector<16xi1>
            %all_reduce_population_count3A_490 = tpu.all_reduce %or3A {dim = 0 : i64, kind = #tpu.reduction_kind<sum>} : vector<16xi1> -> vector<16xi32>
            %slice3A_491 = vector.extract_strided_slice %all_reduce_population_count3A_490 {offsets = [0], sizes = [1], strides = [1]} : vector<16xi32> to vector<1xi32>
            %squeeze3A_492 = vector.extract %slice3A_491[0] : i32 from vector<1xi32>
            %add3A_493 = arith.addi %scan3A_452, %squeeze3A_492 : i32
            %all_reduce_population_count3A_494 = tpu.all_reduce %and3A_473 {dim = 0 : i64, kind = #tpu.reduction_kind<sum>} : vector<16xi1> -> vector<16xi32>
            %slice3A_495 = vector.extract_strided_slice %all_reduce_population_count3A_494 {offsets = [0], sizes = [1], strides = [1]} : vector<16xi32> to vector<1xi32>
            %squeeze3A_496 = vector.extract %slice3A_495[0] : i32 from vector<1xi32>
            %add3A_497 = arith.addi %scan3A_453, %squeeze3A_496 : i32
            scf.yield %add3A_493, %add3A_497 : i32, i32
          }
          %scan3A_430 = arith.constant 71 : i32
          %broadcast_in_dim3A_431 = vector.broadcast %scan3A_403 : i32 to vector<16xi32>
          %and3A_432 = arith.constant -2147483648 : i32
          %and3A_433 = vector.broadcast %and3A_432 : i32 to vector<16xi32>
          %and3A_434 = arith.andi %broadcast_in_dim3A_431, %and3A_433 : vector<16xi32>
          %ne3A_435 = arith.constant 0 : i32
          %ne3A_436 = vector.broadcast %ne3A_435 : i32 to vector<16xi32>
          %ne3A_437 = arith.cmpi ne, %and3A_434, %ne3A_436 : vector<16xi32>
          %xor3A_438 = arith.constant -2147483648 : i32
          %xor3A_439 = vector.broadcast %xor3A_438 : i32 to vector<16xi32>
          %xor3A_440 = arith.xori %broadcast_in_dim3A_431, %xor3A_439 : vector<16xi32>
          %not3A_441 = arith.constant dense<-1> : vector<16xi32>
          %not3A_442 = arith.xori %broadcast_in_dim3A_431, %not3A_441 : vector<16xi32>
          %select_n3A_443 = arith.select %ne3A_437, %xor3A_440, %not3A_442 : vector<16xi1>, vector<16xi32>
          %bitcast3A_444 = vector.bitcast %select_n3A_443 : vector<16xi32> to vector<16xf32>
          %swap3A_445 = arith.constant 0 : index
          %swap3A_446 = tpu.vector_load %arg14[%swap3A_445] {strides = array<i32>} : memref<16xf32, #tpu.memory_space<vmem>>, vector<16xf32>,
          tpu.vector_store %arg14[%swap3A_445], %bitcast3A_444 {strides = array<i32>} : memref<16xf32, #tpu.memory_space<vmem>>, vector<16xf32>,
          %swap3A_447 = arith.constant 300 : i32
          %swap3A_448 = arith.constant 0 : i32
          %swap3A_449 = arith.index_cast %swap3A_448 : i32 to index
          %swap3A_450 = memref.load %arg15[%swap3A_449] : memref<1xi32, #tpu.memory_space<smem>>
          memref.store %swap3A_447, %arg15[%swap3A_449] : memref<1xi32, #tpu.memory_space<smem>>
        } else {
        }
        %ge3A_384 = arith.constant 1008 : i32
        %ge3A_385 = arith.cmpi sge, %squeeze3A_380, %ge3A_384 : i32
        %broadcast_in_dim3A_386 = arith.constant 300 : i32
        %broadcast_in_dim3A_387 = vector.broadcast %broadcast_in_dim3A_386 : i32 to vector<16xi32>
        %select_n3A_388 = arith.select %ge3A_385, %broadcast_in_dim3A_387, %add3A_378 : vector<16xi32>
        %get3A_389 = arith.constant 0 : index
        %get3A_390 = tpu.vector_load %arg14[%get3A_389] {strides = array<i32>} : memref<16xf32, #tpu.memory_space<vmem>>, vector<16xf32>,
        scf.yield %select_n3A_388, %get3A_390 : vector<16xi32>, vector<16xf32>
      }
      %scan3A_23 = arith.constant 625 : i32
      %slice3A = vector.extract_strided_slice %scan3A_22#0 {offsets = [0], sizes = [1], strides = [1]} : vector<16xi32> to vector<1xi32>
      %squeeze3A = vector.extract %slice3A[0] : i32 from vector<1xi32>
      %scan3A_24 = arith.constant 0 : i32
      %scan3A_25 = arith.constant 0 : i32
      %scan3A_26 = arith.constant 71 : i32
      %scan3A_27 = arith.addi %scan3A_25, %scan3A_26 : i32
      %scan3A_28 = arith.constant 1 : i32
      %scan3A_29 = scf.for %scan3A_165 = %scan3A_25 to %scan3A_27 step %scan3A_28 iter_args(%scan3A_166 = %scan3A_24) -> (i32)  : i32 {
        %mul3A_167 = arith.constant 16 : i32
        %mul3A_168 = arith.muli %scan3A_165, %mul3A_167 : i32
        %get3A = arith.index_cast %mul3A_168 : i32 to index
        %get3A_169 = tpu.vector_load %arg8[%get3A] {strides = array<i32>} : memref<1136xf32, #tpu.memory_space<vmem>>, vector<16xf32>,
        %bitcast3A_170 = vector.bitcast %get3A_169 : vector<16xf32> to vector<16xi32>
        %shift_right_arithmetic3A = arith.constant 31 : i32
        %shift_right_arithmetic3A_171 = vector.broadcast %shift_right_arithmetic3A : i32 to vector<16xi32>
        %shift_right_arithmetic3A_172 = arith.shrsi %bitcast3A_170, %shift_right_arithmetic3A_171 : vector<16xi32>
        %or3A = arith.constant -2147483648 : i32
        %or3A_173 = vector.broadcast %or3A : i32 to vector<16xi32>
        %or3A_174 = arith.ori %shift_right_arithmetic3A_172, %or3A_173 : vector<16xi32>
        %xor3A_175 = arith.xori %bitcast3A_170, %or3A_174 : vector<16xi32>
        %bitcast3A_176 = vector.bitcast %xor3A_175 : vector<16xi32> to vector<16xi32>
        %mul3A_177 = arith.constant 16 : i32
        %mul3A_178 = arith.muli %scan3A_165, %mul3A_177 : i32
        %swap3A_179 = arith.index_cast %mul3A_178 : i32 to index
        %swap3A_180 = tpu.vector_load %arg10[%swap3A_179] {strides = array<i32>} : memref<1136xi32, #tpu.memory_space<vmem>>, vector<16xi32>,
        tpu.vector_store %arg10[%swap3A_179], %bitcast3A_176 {strides = array<i32>} : memref<1136xi32, #tpu.memory_space<vmem>>, vector<16xi32>,
        %scan3A_181 = arith.constant 0 : i32
        scf.yield %scan3A_181 : i32
      }
      %scan3A_30 = arith.constant 71 : i32
      %scan3A_31 = arith.constant 0 : i32
      %scan3A_32 = arith.constant 0 : i32
      %scan3A_33 = arith.constant 32 : i32
      %scan3A_34 = arith.addi %scan3A_32, %scan3A_33 : i32
      %scan3A_35 = arith.constant 1 : i32
      %scan3A_36 = scf.for %scan3A_165 = %scan3A_32 to %scan3A_34 step %scan3A_35 iter_args(%scan3A_166 = %scan3A_31) -> (i32)  : i32 {
        %sub3A_167 = arith.constant 31 : i32
        %sub3A_168 = arith.subi %sub3A_167, %scan3A_165 : i32
        %shift_left3A = arith.constant 1 : i32
        %shift_left3A_169 = arith.shli %shift_left3A, %sub3A_168 : i32
        %or3A = arith.ori %scan3A_166, %shift_left3A_169 : i32
        %broadcast_in_dim3A_170 = vector.broadcast %or3A : i32 to vector<16xi32>
        %broadcast_in_dim3A_171 = arith.constant 0 : i32
        %broadcast_in_dim3A_172 = vector.broadcast %broadcast_in_dim3A_171 : i32 to vector<16xi32>
        %scan3A_173 = arith.constant 0 : i32
        %scan3A_174 = arith.constant 71 : i32
        %scan3A_175 = arith.addi %scan3A_173, %scan3A_174 : i32
        %scan3A_176 = arith.constant 1 : i32
        %scan3A_177 = scf.for %scan3A_186 = %scan3A_173 to %scan3A_175 step %scan3A_176 iter_args(%scan3A_187 = %broadcast_in_dim3A_172) -> (vector<16xi32>)  : i32 {
          %mul3A_188 = arith.constant 16 : i32
          %mul3A_189 = arith.muli %scan3A_186, %mul3A_188 : i32
          %get3A = arith.index_cast %mul3A_189 : i32 to index
          %get3A_190 = tpu.vector_load %arg10[%get3A] {strides = array<i32>} : memref<1136xi32, #tpu.memory_space<vmem>>, vector<16xi32>,
          %mul3A_191 = arith.constant 16 : i32
          %mul3A_192 = arith.muli %scan3A_186, %mul3A_191 : i32
          %add3A_193 = vector.broadcast %mul3A_192 : i32 to vector<16xi32>
          %add3A_194 = arith.addi %add3A_193, %iota3A : vector<16xi32>
          %lt3A = vector.broadcast %squeeze3A : i32 to vector<16xi32>
          %lt3A_195 = arith.cmpi slt, %add3A_194, %lt3A : vector<16xi32>
          %ge3A_196 = arith.cmpi uge, %get3A_190, %broadcast_in_dim3A_170 : vector<16xi32>
          %and3A_197 = arith.andi %ge3A_196, %lt3A_195 : vector<16xi1>
          %jit3A = arith.constant 1 : i32
          %jit3A_198 = arith.constant 0 : i32
          %broadcast_in_dim3A_199 = vector.broadcast %jit3A : i32 to vector<16xi32>
          %broadcast_in_dim3A_200 = vector.broadcast %jit3A_198 : i32 to vector<16xi32>
          %select_n3A_201 = arith.select %and3A_197, %broadcast_in_dim3A_199, %broadcast_in_dim3A_200 : vector<16xi1>, vector<16xi32>
          %add3A_202 = arith.addi %scan3A_187, %select_n3A_201 : vector<16xi32>
          scf.yield %add3A_202 : vector<16xi32>
        }
        %scan3A_178 = arith.constant 71 : i32
        %reduce_sum3A_179 = arith.constant true
        %reduce_sum3A_180 = vector.broadcast %reduce_sum3A_179 : i1 to vector<16xi1>
        %reduce_sum3A_181 = tpu.scan <sum>, %scan3A_177 masked %reduce_sum3A_180 : vector<16xi32>, vector<16xi1> -> vector<16xi32>
        %reduce_sum3A_182 = vector.extract %reduce_sum3A_181[15] : i32 from vector<16xi32>
        %ge3A_183 = arith.constant 300 : i32
        %ge3A_184 = arith.cmpi sge, %reduce_sum3A_182, %ge3A_183 : i32
        %select_n3A_185 = arith.select %ge3A_184, %or3A, %scan3A_166 : i32
        scf.yield %select_n3A_185 : i32
      }
      %scan3A_37 = arith.constant 32 : i32
      %add3A_38 = arith.constant 1 : i32
      %add3A_39 = arith.addi %scan3A_36, %add3A_38 : i32
      %broadcast_in_dim3A_40 = vector.broadcast %add3A_39 : i32 to vector<16xi32>
      %broadcast_in_dim3A_41 = arith.constant 0 : i32
      %broadcast_in_dim3A_42 = vector.broadcast %broadcast_in_dim3A_41 : i32 to vector<16xi32>
      %scan3A_43 = arith.constant 0 : i32
      %scan3A_44 = arith.constant 71 : i32
      %scan3A_45 = arith.addi %scan3A_43, %scan3A_44 : i32
      %scan3A_46 = arith.constant 1 : i32
      %scan3A_47 = scf.for %scan3A_165 = %scan3A_43 to %scan3A_45 step %scan3A_46 iter_args(%scan3A_166 = %broadcast_in_dim3A_42) -> (vector<16xi32>)  : i32 {
        %mul3A_167 = arith.constant 16 : i32
        %mul3A_168 = arith.muli %scan3A_165, %mul3A_167 : i32
        %get3A = arith.index_cast %mul3A_168 : i32 to index
        %get3A_169 = tpu.vector_load %arg10[%get3A] {strides = array<i32>} : memref<1136xi32, #tpu.memory_space<vmem>>, vector<16xi32>,
        %mul3A_170 = arith.constant 16 : i32
        %mul3A_171 = arith.muli %scan3A_165, %mul3A_170 : i32
        %add3A_172 = vector.broadcast %mul3A_171 : i32 to vector<16xi32>
        %add3A_173 = arith.addi %add3A_172, %iota3A : vector<16xi32>
        %lt3A = vector.broadcast %squeeze3A : i32 to vector<16xi32>
        %lt3A_174 = arith.cmpi slt, %add3A_173, %lt3A : vector<16xi32>
        %ge3A_175 = arith.cmpi uge, %get3A_169, %broadcast_in_dim3A_40 : vector<16xi32>
        %and3A_176 = arith.andi %ge3A_175, %lt3A_174 : vector<16xi1>
        %jit3A = arith.constant 1 : i32
        %jit3A_177 = arith.constant 0 : i32
        %broadcast_in_dim3A_178 = vector.broadcast %jit3A : i32 to vector<16xi32>
        %broadcast_in_dim3A_179 = vector.broadcast %jit3A_177 : i32 to vector<16xi32>
        %select_n3A_180 = arith.select %and3A_176, %broadcast_in_dim3A_178, %broadcast_in_dim3A_179 : vector<16xi1>, vector<16xi32>
        %add3A_181 = arith.addi %scan3A_166, %select_n3A_180 : vector<16xi32>
        scf.yield %add3A_181 : vector<16xi32>
      }
      %scan3A_48 = arith.constant 71 : i32
      %reduce_sum3A = arith.constant true
      %reduce_sum3A_49 = vector.broadcast %reduce_sum3A : i1 to vector<16xi1>
      %reduce_sum3A_50 = tpu.scan <sum>, %scan3A_47 masked %reduce_sum3A_49 : vector<16xi32>, vector<16xi1> -> vector<16xi32>
      %reduce_sum3A_51 = vector.extract %reduce_sum3A_50[15] : i32 from vector<16xi32>
      %sub3A = arith.constant 300 : i32
      %sub3A_52 = arith.subi %sub3A, %reduce_sum3A_51 : i32
      %broadcast_in_dim3A_53 = vector.broadcast %scan3A_36 : i32 to vector<16xi32>
      %scan3A_54 = arith.constant 0 : i32
      %scan3A_55 = arith.constant 0 : i32
      %scan3A_56 = arith.constant 0 : i32
      %scan3A_57 = arith.constant 71 : i32
      %scan3A_58 = arith.addi %scan3A_56, %scan3A_57 : i32
      %scan3A_59 = arith.constant 1 : i32
      %scan3A_60:2 = scf.for %scan3A_165 = %scan3A_56 to %scan3A_58 step %scan3A_59 iter_args(%scan3A_166 = %scan3A_54, %scan3A_167 = %scan3A_55) -> (i32, i32)  : i32 {
        %mul3A_168 = arith.constant 16 : i32
        %mul3A_169 = arith.muli %scan3A_165, %mul3A_168 : i32
        %get3A = arith.index_cast %mul3A_169 : i32 to index
        %get3A_170 = tpu.vector_load %arg8[%get3A] {strides = array<i32>} : memref<1136xf32, #tpu.memory_space<vmem>>, vector<16xf32>,
        %mul3A_171 = arith.constant 16 : i32
        %mul3A_172 = arith.muli %scan3A_165, %mul3A_171 : i32
        %get3A_173 = arith.index_cast %mul3A_172 : i32 to index
        %get3A_174 = tpu.vector_load %arg9[%get3A_173] {strides = array<i32>} : memref<1136xi32, #tpu.memory_space<vmem>>, vector<16xi32>,
        %mul3A_175 = arith.constant 16 : i32
        %mul3A_176 = arith.muli %scan3A_165, %mul3A_175 : i32
        %get3A_177 = arith.index_cast %mul3A_176 : i32 to index
        %get3A_178 = tpu.vector_load %arg10[%get3A_177] {strides = array<i32>} : memref<1136xi32, #tpu.memory_space<vmem>>, vector<16xi32>,
        %mul3A_179 = arith.constant 16 : i32
        %mul3A_180 = arith.muli %scan3A_165, %mul3A_179 : i32
        %add3A_181 = vector.broadcast %mul3A_180 : i32 to vector<16xi32>
        %add3A_182 = arith.addi %add3A_181, %iota3A : vector<16xi32>
        %lt3A = vector.broadcast %squeeze3A : i32 to vector<16xi32>
        %lt3A_183 = arith.cmpi slt, %add3A_182, %lt3A : vector<16xi32>
        %gt3A = arith.cmpi ugt, %get3A_178, %broadcast_in_dim3A_53 : vector<16xi32>
        %and3A_184 = arith.andi %gt3A, %lt3A_183 : vector<16xi1>
        %eq3A = arith.cmpi eq, %get3A_178, %broadcast_in_dim3A_53 : vector<16xi32>
        %and3A_185 = arith.andi %eq3A, %lt3A_183 : vector<16xi1>
        %jit3A = arith.constant 1 : i32
        %jit3A_186 = arith.constant 0 : i32
        %broadcast_in_dim3A_187 = vector.broadcast %jit3A : i32 to vector<16xi32>
        %broadcast_in_dim3A_188 = vector.broadcast %jit3A_186 : i32 to vector<16xi32>
        %select_n3A_189 = arith.select %and3A_185, %broadcast_in_dim3A_187, %broadcast_in_dim3A_188 : vector<16xi1>, vector<16xi32>
        %broadcast_in_dim3A_190 = arith.constant true
        %broadcast_in_dim3A_191 = vector.broadcast %broadcast_in_dim3A_190 : i1 to vector<16xi1>
        %masked_cumsum3A = tpu.scan <sum>, %select_n3A_189 masked %broadcast_in_dim3A_191 : vector<16xi32>, vector<16xi1> -> vector<16xi32>
        %add3A_192 = vector.broadcast %scan3A_167 : i32 to vector<16xi32>
        %add3A_193 = arith.addi %add3A_192, %masked_cumsum3A : vector<16xi32>
        %le3A = vector.broadcast %sub3A_52 : i32 to vector<16xi32>
        %le3A_194 = arith.cmpi sle, %add3A_193, %le3A : vector<16xi32>
        %and3A_195 = arith.andi %and3A_185, %le3A_194 : vector<16xi1>
        %or3A = arith.ori %and3A_184, %and3A_195 : vector<16xi1>
        %swap3A_196 = arith.index_cast %scan3A_166 : i32 to index
        %swap3A_197 = tpu.vector_load %arg8[%swap3A_196] masked %or3A {strides = array<i32>} : memref<1136xf32, #tpu.memory_space<vmem>>, vector<16xf32>, vector<16xi1>
        tpu.vector_store %arg8[%swap3A_196], %get3A_170 masked %or3A {strides = array<i32>} : memref<1136xf32, #tpu.memory_space<vmem>>, vector<16xf32>, vector<16xi1>
        %swap3A_198 = arith.index_cast %scan3A_166 : i32 to index
        %swap3A_199 = tpu.vector_load %arg9[%swap3A_198] masked %or3A {strides = array<i32>} : memref<1136xi32, #tpu.memory_space<vmem>>, vector<16xi32>, vector<16xi1>
        tpu.vector_store %arg9[%swap3A_198], %get3A_174 masked %or3A {strides = array<i32>} : memref<1136xi32, #tpu.memory_space<vmem>>, vector<16xi32>, vector<16xi1>
        %all_reduce_population_count3A = tpu.all_reduce %or3A {dim = 0 : i64, kind = #tpu.reduction_kind<sum>} : vector<16xi1> -> vector<16xi32>
        %slice3A_200 = vector.extract_strided_slice %all_reduce_population_count3A {offsets = [0], sizes = [1], strides = [1]} : vector<16xi32> to vector<1xi32>
        %squeeze3A_201 = vector.extract %slice3A_200[0] : i32 from vector<1xi32>
        %add3A_202 = arith.addi %scan3A_166, %squeeze3A_201 : i32
        %all_reduce_population_count3A_203 = tpu.all_reduce %and3A_185 {dim = 0 : i64, kind = #tpu.reduction_kind<sum>} : vector<16xi1> -> vector<16xi32>
        %slice3A_204 = vector.extract_strided_slice %all_reduce_population_count3A_203 {offsets = [0], sizes = [1], strides = [1]} : vector<16xi32> to vector<1xi32>
        %squeeze3A_205 = vector.extract %slice3A_204[0] : i32 from vector<1xi32>
        %add3A_206 = arith.addi %scan3A_167, %squeeze3A_205 : i32
        scf.yield %add3A_202, %add3A_206 : i32, i32
      }
      %scan3A_61 = arith.constant 71 : i32
      %broadcast_in_dim3A_62 = vector.broadcast %scan3A_36 : i32 to vector<16xi32>
      %and3A = arith.constant -2147483648 : i32
      %and3A_63 = vector.broadcast %and3A : i32 to vector<16xi32>
      %and3A_64 = arith.andi %broadcast_in_dim3A_62, %and3A_63 : vector<16xi32>
      %ne3A = arith.constant 0 : i32
      %ne3A_65 = vector.broadcast %ne3A : i32 to vector<16xi32>
      %ne3A_66 = arith.cmpi ne, %and3A_64, %ne3A_65 : vector<16xi32>
      %xor3A = arith.constant -2147483648 : i32
      %xor3A_67 = vector.broadcast %xor3A : i32 to vector<16xi32>
      %xor3A_68 = arith.xori %broadcast_in_dim3A_62, %xor3A_67 : vector<16xi32>
      %not3A = arith.constant dense<-1> : vector<16xi32>
      %not3A_69 = arith.xori %broadcast_in_dim3A_62, %not3A : vector<16xi32>
      %select_n3A = arith.select %ne3A_66, %xor3A_68, %not3A_69 : vector<16xi1>, vector<16xi32>
      %bitcast3A = vector.bitcast %select_n3A : vector<16xi32> to vector<16xf32>
      %swap3A_70 = arith.constant 0 : index
      %swap3A_71 = tpu.vector_load %arg14[%swap3A_70] {strides = array<i32>} : memref<16xf32, #tpu.memory_space<vmem>>, vector<16xf32>,
      tpu.vector_store %arg14[%swap3A_70], %bitcast3A {strides = array<i32>} : memref<16xf32, #tpu.memory_space<vmem>>, vector<16xf32>,
      %swap3A_72 = arith.constant 300 : i32
      %swap3A_73 = arith.constant 0 : i32
      %swap3A_74 = arith.index_cast %swap3A_73 : i32 to index
      %swap3A_75 = memref.load %arg15[%swap3A_74] : memref<1xi32, #tpu.memory_space<smem>>
      memref.store %swap3A_72, %arg15[%swap3A_74] : memref<1xi32, #tpu.memory_space<smem>>
      %ge3A = arith.constant 12 : i32
      %ge3A_76 = vector.broadcast %ge3A : i32 to vector<16xi32>
      %ge3A_77 = arith.cmpi sge, %iota3A, %ge3A_76 : vector<16xi32>
      %add3A_78 = arith.constant 288 : i32
      %add3A_79 = vector.broadcast %add3A_78 : i32 to vector<16xi32>
      %add3A_80 = arith.addi %add3A_79, %iota3A : vector<16xi32>
      tpu.vector_store_idx %arg8[%add3A_80], %broadcast_in_dim3A_0 masked %ge3A_77 : memref<1136xf32, #tpu.memory_space<vmem>>[vector<16xi32>], vector<16xf32>, vector<16xi1>
      %add3A_81 = arith.constant 288 : i32
      %add3A_82 = vector.broadcast %add3A_81 : i32 to vector<16xi32>
      %add3A_83 = arith.addi %add3A_82, %iota3A : vector<16xi32>
      %broadcast_in_dim3A_84 = arith.constant 0 : i32
      %broadcast_in_dim3A_85 = vector.broadcast %broadcast_in_dim3A_84 : i32 to vector<16xi32>
      tpu.vector_store_idx %arg9[%add3A_83], %broadcast_in_dim3A_85 masked %ge3A_77 : memref<1136xi32, #tpu.memory_space<vmem>>[vector<16xi32>], vector<16xi32>, vector<16xi1>
      %scan3A_86 = arith.constant 0 : i32
      %scan3A_87 = arith.constant 19 : i32
      %scan3A_88 = arith.constant 5 : i32
      %scan3A_89 = arith.addi %scan3A_87, %scan3A_88 : i32
      %scan3A_90 = arith.constant 1 : i32
      %scan3A_91 = scf.for %scan3A_165 = %scan3A_87 to %scan3A_89 step %scan3A_90 iter_args(%scan3A_166 = %scan3A_86) -> (i32)  : i32 {
        %mul3A_167 = arith.constant 16 : i32
        %mul3A_168 = arith.muli %scan3A_165, %mul3A_167 : i32
        %swap3A_169 = arith.index_cast %mul3A_168 : i32 to index
        %swap3A_170 = tpu.vector_load %arg8[%swap3A_169] {strides = array<i32>} : memref<1136xf32, #tpu.memory_space<vmem>>, vector<16xf32>,
        tpu.vector_store %arg8[%swap3A_169], %broadcast_in_dim3A_0 {strides = array<i32>} : memref<1136xf32, #tpu.memory_space<vmem>>, vector<16xf32>,
        %broadcast_in_dim3A_171 = arith.constant 0 : i32
        %broadcast_in_dim3A_172 = vector.broadcast %broadcast_in_dim3A_171 : i32 to vector<16xi32>
        %mul3A_173 = arith.constant 16 : i32
        %mul3A_174 = arith.muli %scan3A_165, %mul3A_173 : i32
        %swap3A_175 = arith.index_cast %mul3A_174 : i32 to index
        %swap3A_176 = tpu.vector_load %arg9[%swap3A_175] {strides = array<i32>} : memref<1136xi32, #tpu.memory_space<vmem>>, vector<16xi32>,
        tpu.vector_store %arg9[%swap3A_175], %broadcast_in_dim3A_172 {strides = array<i32>} : memref<1136xi32, #tpu.memory_space<vmem>>, vector<16xi32>,
        %scan3A_177 = arith.constant 0 : i32
        scf.yield %scan3A_177 : i32
      }
      %scan3A_92 = arith.constant 5 : i32
      %scan3A_93 = arith.constant 0 : i32
      %scan3A_94 = arith.constant 0 : i32
      %scan3A_95 = arith.constant 24 : i32
      %scan3A_96 = arith.addi %scan3A_94, %scan3A_95 : i32
      %scan3A_97 = arith.constant 1 : i32
      %scan3A_98 = scf.for %scan3A_165 = %scan3A_94 to %scan3A_96 step %scan3A_97 iter_args(%scan3A_166 = %scan3A_93) -> (i32)  : i32 {
        %mul3A_167 = arith.constant 16 : i32
        %mul3A_168 = arith.muli %scan3A_165, %mul3A_167 : i32
        %get3A = arith.index_cast %mul3A_168 : i32 to index
        %get3A_169 = tpu.vector_load %arg9[%get3A] {strides = array<i32>} : memref<1136xi32, #tpu.memory_space<vmem>>, vector<16xi32>,
        %jit3A = arith.constant 80 : i32
        %div3A = vector.broadcast %jit3A : i32 to vector<16xi32>
        %div3A_170 = arith.divsi %get3A_169, %div3A : vector<16xi32>
        %sign3A = arith.constant 0 : i32
        %sign3A_171 = vector.broadcast %sign3A : i32 to vector<16xi32>
        %sign3A_172 = arith.cmpi sgt, %get3A_169, %sign3A_171 : vector<16xi32>
        %sign3A_173 = arith.extui %sign3A_172 : vector<16xi1> to vector<16xi32>
        %sign3A_174 = arith.constant 0 : i32
        %sign3A_175 = vector.broadcast %sign3A_174 : i32 to vector<16xi32>
        %sign3A_176 = arith.cmpi slt, %get3A_169, %sign3A_175 : vector<16xi32>
        %sign3A_177 = arith.extui %sign3A_176 : vector<16xi1> to vector<16xi32>
        %sign3A_178 = arith.subi %sign3A_173, %sign3A_177 : vector<16xi32>
        %sign3A_179 = arith.constant 0 : i32
        %sign3A_180 = arith.cmpi sgt, %jit3A, %sign3A_179 : i32
        %sign3A_181 = arith.extui %sign3A_180 : i1 to i32
        %sign3A_182 = arith.constant 0 : i32
        %sign3A_183 = arith.cmpi slt, %jit3A, %sign3A_182 : i32
        %sign3A_184 = arith.extui %sign3A_183 : i1 to i32
        %sign3A_185 = arith.subi %sign3A_181, %sign3A_184 : i32
        %ne3A_186 = vector.broadcast %sign3A_185 : i32 to vector<16xi32>
        %ne3A_187 = arith.cmpi ne, %sign3A_178, %ne3A_186 : vector<16xi32>
        %rem3A = vector.broadcast %jit3A : i32 to vector<16xi32>
        %rem3A_188 = arith.remsi %get3A_169, %rem3A : vector<16xi32>
        %ne3A_189 = arith.constant 0 : i32
        %ne3A_190 = vector.broadcast %ne3A_189 : i32 to vector<16xi32>
        %ne3A_191 = arith.cmpi ne, %rem3A_188, %ne3A_190 : vector<16xi32>
        %and3A_192 = arith.andi %ne3A_187, %ne3A_191 : vector<16xi1>
        %sub3A_193 = arith.constant 1 : i32
        %sub3A_194 = vector.broadcast %sub3A_193 : i32 to vector<16xi32>
        %sub3A_195 = arith.subi %div3A_170, %sub3A_194 : vector<16xi32>
        %select_n3A_196 = arith.select %and3A_192, %sub3A_195, %div3A_170 : vector<16xi1>, vector<16xi32>
        %mul3A_197 = arith.constant 80 : i32
        %mul3A_198 = vector.broadcast %mul3A_197 : i32 to vector<16xi32>
        %mul3A_199 = arith.muli %select_n3A_196, %mul3A_198 : vector<16xi32>
        %sub3A_200 = arith.subi %get3A_169, %mul3A_199 : vector<16xi32>
        %mul3A_201 = arith.constant 16 : i32
        %mul3A_202 = arith.muli %scan3A_165, %mul3A_201 : i32
        %swap3A_203 = arith.index_cast %mul3A_202 : i32 to index
        %swap3A_204 = tpu.vector_load %arg12[%swap3A_203] {strides = array<i32>} : memref<384xi32, #tpu.memory_space<vmem>>, vector<16xi32>,
        tpu.vector_store %arg12[%swap3A_203], %sub3A_200 {strides = array<i32>} : memref<384xi32, #tpu.memory_space<vmem>>, vector<16xi32>,
        %mul3A_205 = arith.constant 1000 : i32
        %mul3A_206 = arith.muli %add3A_12, %mul3A_205 : i32
        %add3A_207 = vector.broadcast %mul3A_206 : i32 to vector<16xi32>
        %add3A_208 = arith.addi %select_n3A_196, %add3A_207 : vector<16xi32>
        %jit3A_209 = arith.constant 8 : i32
        %div3A_210 = arith.divsi %scan3A_165, %jit3A_209 : i32
        %sign3A_211 = arith.constant 0 : i32
        %sign3A_212 = arith.cmpi sgt, %scan3A_165, %sign3A_211 : i32
        %sign3A_213 = arith.extui %sign3A_212 : i1 to i32
        %sign3A_214 = arith.constant 0 : i32
        %sign3A_215 = arith.cmpi slt, %scan3A_165, %sign3A_214 : i32
        %sign3A_216 = arith.extui %sign3A_215 : i1 to i32
        %sign3A_217 = arith.subi %sign3A_213, %sign3A_216 : i32
        %sign3A_218 = arith.constant 0 : i32
        %sign3A_219 = arith.cmpi sgt, %jit3A_209, %sign3A_218 : i32
        %sign3A_220 = arith.extui %sign3A_219 : i1 to i32
        %sign3A_221 = arith.constant 0 : i32
        %sign3A_222 = arith.cmpi slt, %jit3A_209, %sign3A_221 : i32
        %sign3A_223 = arith.extui %sign3A_222 : i1 to i32
        %sign3A_224 = arith.subi %sign3A_220, %sign3A_223 : i32
        %ne3A_225 = arith.cmpi ne, %sign3A_217, %sign3A_224 : i32
        %rem3A_226 = arith.remsi %scan3A_165, %jit3A_209 : i32
        %ne3A_227 = arith.constant 0 : i32
        %ne3A_228 = arith.cmpi ne, %rem3A_226, %ne3A_227 : i32
        %and3A_229 = arith.andi %ne3A_225, %ne3A_228 : i1
        %sub3A_230 = arith.constant 1 : i32
        %sub3A_231 = arith.subi %div3A_210, %sub3A_230 : i32
        %select_n3A_232 = arith.select %and3A_229, %sub3A_231, %div3A_210 : i32
        %jit3A_233 = arith.constant 8 : i32
        %eq3A = arith.constant 0 : i32
        %eq3A_234 = arith.cmpi eq, %jit3A_233, %eq3A : i32
        %jit3A_235 = arith.constant 1 : i32
        %select_n3A_236 = arith.select %eq3A_234, %jit3A_235, %jit3A_233 : i32
        %rem3A_237 = arith.remsi %scan3A_165, %select_n3A_236 : i32
        %ne3A_238 = arith.constant 0 : i32
        %ne3A_239 = arith.cmpi ne, %rem3A_237, %ne3A_238 : i32
        %lt3A = arith.constant 0 : i32
        %lt3A_240 = arith.cmpi slt, %rem3A_237, %lt3A : i32
        %lt3A_241 = arith.constant 0 : i32
        %lt3A_242 = arith.cmpi slt, %select_n3A_236, %lt3A_241 : i32
        %ne3A_243 = arith.xori %lt3A_240, %lt3A_242 : i1
        %and3A_244 = arith.andi %ne3A_243, %ne3A_239 : i1
        %add3A_245 = arith.addi %rem3A_237, %select_n3A_236 : i32
        %select_n3A_246 = arith.select %and3A_244, %add3A_245, %rem3A_237 : i32
        %mul3A_247 = arith.constant 16 : i32
        %mul3A_248 = arith.muli %select_n3A_246, %mul3A_247 : i32
        %swap3A_249 = arith.index_cast %select_n3A_232 : i32 to index
        %swap3A_250 = arith.index_cast %mul3A_248 : i32 to index
        %swap3A_251 = tpu.vector_load %arg11[%swap3A_249, %swap3A_250] {strides = array<i32>} : memref<3x128xi32, #tpu.memory_space<vmem>>, vector<16xi32>,
        tpu.vector_store %arg11[%swap3A_249, %swap3A_250], %add3A_208 {strides = array<i32>} : memref<3x128xi32, #tpu.memory_space<vmem>>, vector<16xi32>,
        %scan3A_252 = arith.constant 0 : i32
        scf.yield %scan3A_252 : i32
      }
      %scan3A_99 = arith.constant 24 : i32
      %dma_start3A = arith.constant 0 : i32
      %dma_start3A_100 = arith.constant 0 : i32
      %dma_start3A_101 = arith.constant 0 : i32
      %dma_start3A_102 = tpu.memref_slice %arg13[%dma_start3A_100, %dma_start3A_101] : memref<384x16xf32, #tpu.memory_space<vmem>> -> memref<128x16xf32, #tpu.memory_space<vmem>>
      %dma_start3A_103 = arith.constant 0 : i32
      %dma_start3A_104 = tpu.memref_slice %arg11[%dma_start3A, %dma_start3A_103] : memref<3x128xi32, #tpu.memory_space<vmem>> -> memref<1x128xi32, #tpu.memory_space<vmem>>
      %dma_start3A_105 = tpu.memref_squeeze %dma_start3A_104 : memref<1x128xi32, #tpu.memory_space<vmem>> -> memref<128xi32, #tpu.memory_space<vmem>>
      %dma_start3A_106 = arith.constant 0 : i32
      %dma_start3A_107 = arith.constant 0 : i32
      %dma_start3A_108 = tpu.memref_slice %arg3[%dma_start3A_106, %dma_start3A_107] : memref<128000x16xf32, #tpu.memory_space<hbm>> -> memref<128000x16xf32, #tpu.memory_space<hbm>>
      tpu.enqueue_indirect_dma source(%dma_start3A_108 : memref<128000x16xf32, #tpu.memory_space<hbm>>) target(%dma_start3A_102 : memref<128x16xf32, #tpu.memory_space<vmem>>) offsets(%dma_start3A_105 : memref<128xi32, #tpu.memory_space<vmem>>) semaphore(%arg16 : memref<!tpu.dma_semaphore, #tpu.memory_space<semaphore_mem>>)
      %dma_start3A_109 = arith.constant 1 : i32
      %dma_start3A_110 = arith.constant 128 : i32
      %dma_start3A_111 = arith.constant 0 : i32
      %dma_start3A_112 = tpu.memref_slice %arg13[%dma_start3A_110, %dma_start3A_111] : memref<384x16xf32, #tpu.memory_space<vmem>> -> memref<128x16xf32, #tpu.memory_space<vmem>>
      %dma_start3A_113 = arith.constant 0 : i32
      %dma_start3A_114 = tpu.memref_slice %arg11[%dma_start3A_109, %dma_start3A_113] : memref<3x128xi32, #tpu.memory_space<vmem>> -> memref<1x128xi32, #tpu.memory_space<vmem>>
      %dma_start3A_115 = tpu.memref_squeeze %dma_start3A_114 : memref<1x128xi32, #tpu.memory_space<vmem>> -> memref<128xi32, #tpu.memory_space<vmem>>
      %dma_start3A_116 = arith.constant 0 : i32
      %dma_start3A_117 = arith.constant 0 : i32
      %dma_start3A_118 = tpu.memref_slice %arg3[%dma_start3A_116, %dma_start3A_117] : memref<128000x16xf32, #tpu.memory_space<hbm>> -> memref<128000x16xf32, #tpu.memory_space<hbm>>
      tpu.enqueue_indirect_dma source(%dma_start3A_118 : memref<128000x16xf32, #tpu.memory_space<hbm>>) target(%dma_start3A_112 : memref<128x16xf32, #tpu.memory_space<vmem>>) offsets(%dma_start3A_115 : memref<128xi32, #tpu.memory_space<vmem>>) semaphore(%arg16 : memref<!tpu.dma_semaphore, #tpu.memory_space<semaphore_mem>>)
      %dma_start3A_119 = arith.constant 2 : i32
      %dma_start3A_120 = arith.constant 256 : i32
      %dma_start3A_121 = arith.constant 0 : i32
      %dma_start3A_122 = tpu.memref_slice %arg13[%dma_start3A_120, %dma_start3A_121] : memref<384x16xf32, #tpu.memory_space<vmem>> -> memref<128x16xf32, #tpu.memory_space<vmem>>
      %dma_start3A_123 = arith.constant 0 : i32
      %dma_start3A_124 = tpu.memref_slice %arg11[%dma_start3A_119, %dma_start3A_123] : memref<3x128xi32, #tpu.memory_space<vmem>> -> memref<1x128xi32, #tpu.memory_space<vmem>>
      %dma_start3A_125 = tpu.memref_squeeze %dma_start3A_124 : memref<1x128xi32, #tpu.memory_space<vmem>> -> memref<128xi32, #tpu.memory_space<vmem>>
      %dma_start3A_126 = arith.constant 0 : i32
      %dma_start3A_127 = arith.constant 0 : i32
      %dma_start3A_128 = tpu.memref_slice %arg3[%dma_start3A_126, %dma_start3A_127] : memref<128000x16xf32, #tpu.memory_space<hbm>> -> memref<128000x16xf32, #tpu.memory_space<hbm>>
      tpu.enqueue_indirect_dma source(%dma_start3A_128 : memref<128000x16xf32, #tpu.memory_space<hbm>>) target(%dma_start3A_122 : memref<128x16xf32, #tpu.memory_space<vmem>>) offsets(%dma_start3A_125 : memref<128xi32, #tpu.memory_space<vmem>>) semaphore(%arg16 : memref<!tpu.dma_semaphore, #tpu.memory_space<semaphore_mem>>)
      %dma_wait3A = arith.constant 0 : i32
      %dma_wait3A_129 = arith.constant 0 : i32
      %dma_wait3A_130 = arith.constant 0 : i32
      %dma_wait3A_131 = tpu.memref_slice %arg13[%dma_wait3A_129, %dma_wait3A_130] : memref<384x16xf32, #tpu.memory_space<vmem>> -> memref<128x16xf32, #tpu.memory_space<vmem>>
      %dma_wait3A_132 = arith.constant 0 : i32
      %dma_wait3A_133 = tpu.memref_slice %arg11[%dma_wait3A, %dma_wait3A_132] : memref<3x128xi32, #tpu.memory_space<vmem>> -> memref<1x128xi32, #tpu.memory_space<vmem>>
      %dma_wait3A_134 = tpu.memref_squeeze %dma_wait3A_133 : memref<1x128xi32, #tpu.memory_space<vmem>> -> memref<128xi32, #tpu.memory_space<vmem>>
      %dma_wait3A_135 = arith.constant 0 : i32
      %dma_wait3A_136 = arith.constant 0 : i32
      %dma_wait3A_137 = tpu.memref_slice %arg3[%dma_wait3A_135, %dma_wait3A_136] : memref<128000x16xf32, #tpu.memory_space<hbm>> -> memref<128000x16xf32, #tpu.memory_space<hbm>>
      tpu.wait_indirect_dma semaphore(%arg16 : memref<!tpu.dma_semaphore, #tpu.memory_space<semaphore_mem>>) src(%dma_wait3A_137 : memref<128000x16xf32, #tpu.memory_space<hbm>>) dst(%dma_wait3A_131 : memref<128x16xf32, #tpu.memory_space<vmem>>)
      %dma_wait3A_138 = arith.constant 1 : i32
      %dma_wait3A_139 = arith.constant 128 : i32
      %dma_wait3A_140 = arith.constant 0 : i32
      %dma_wait3A_141 = tpu.memref_slice %arg13[%dma_wait3A_139, %dma_wait3A_140] : memref<384x16xf32, #tpu.memory_space<vmem>> -> memref<128x16xf32, #tpu.memory_space<vmem>>
      %dma_wait3A_142 = arith.constant 0 : i32
      %dma_wait3A_143 = tpu.memref_slice %arg11[%dma_wait3A_138, %dma_wait3A_142] : memref<3x128xi32, #tpu.memory_space<vmem>> -> memref<1x128xi32, #tpu.memory_space<vmem>>
      %dma_wait3A_144 = tpu.memref_squeeze %dma_wait3A_143 : memref<1x128xi32, #tpu.memory_space<vmem>> -> memref<128xi32, #tpu.memory_space<vmem>>
      %dma_wait3A_145 = arith.constant 0 : i32
      %dma_wait3A_146 = arith.constant 0 : i32
      %dma_wait3A_147 = tpu.memref_slice %arg3[%dma_wait3A_145, %dma_wait3A_146] : memref<128000x16xf32, #tpu.memory_space<hbm>> -> memref<128000x16xf32, #tpu.memory_space<hbm>>
      tpu.wait_indirect_dma semaphore(%arg16 : memref<!tpu.dma_semaphore, #tpu.memory_space<semaphore_mem>>) src(%dma_wait3A_147 : memref<128000x16xf32, #tpu.memory_space<hbm>>) dst(%dma_wait3A_141 : memref<128x16xf32, #tpu.memory_space<vmem>>)
      %dma_wait3A_148 = arith.constant 2 : i32
      %dma_wait3A_149 = arith.constant 256 : i32
      %dma_wait3A_150 = arith.constant 0 : i32
      %dma_wait3A_151 = tpu.memref_slice %arg13[%dma_wait3A_149, %dma_wait3A_150] : memref<384x16xf32, #tpu.memory_space<vmem>> -> memref<128x16xf32, #tpu.memory_space<vmem>>
      %dma_wait3A_152 = arith.constant 0 : i32
      %dma_wait3A_153 = tpu.memref_slice %arg11[%dma_wait3A_148, %dma_wait3A_152] : memref<3x128xi32, #tpu.memory_space<vmem>> -> memref<1x128xi32, #tpu.memory_space<vmem>>
      %dma_wait3A_154 = tpu.memref_squeeze %dma_wait3A_153 : memref<1x128xi32, #tpu.memory_space<vmem>> -> memref<128xi32, #tpu.memory_space<vmem>>
      %dma_wait3A_155 = arith.constant 0 : i32
      %dma_wait3A_156 = arith.constant 0 : i32
      %dma_wait3A_157 = tpu.memref_slice %arg3[%dma_wait3A_155, %dma_wait3A_156] : memref<128000x16xf32, #tpu.memory_space<hbm>> -> memref<128000x16xf32, #tpu.memory_space<hbm>>
      tpu.wait_indirect_dma semaphore(%arg16 : memref<!tpu.dma_semaphore, #tpu.memory_space<semaphore_mem>>) src(%dma_wait3A_157 : memref<128000x16xf32, #tpu.memory_space<hbm>>) dst(%dma_wait3A_151 : memref<128x16xf32, #tpu.memory_space<vmem>>)
      %mul3A_158 = arith.constant 384 : i32
      %mul3A_159 = arith.muli %add3A_12, %mul3A_158 : i32
      "tpu.region"() ({
        %run_scoped3A = tpu.sem_alloc : memref<!tpu.dma_semaphore, #tpu.memory_space<semaphore_mem>>
        %dma_start3A_165 = arith.constant 0 : i32
        %dma_start3A_166 = tpu.memref_slice %arg8[%dma_start3A_165] : memref<1136xf32, #tpu.memory_space<vmem>> -> memref<384xf32, #tpu.memory_space<vmem>>
        %dma_start3A_167 = tpu.memref_slice %arg4[%mul3A_159] : memref<49152xf32, #tpu.memory_space<hbm>> -> memref<384xf32, #tpu.memory_space<hbm>>
        %dma_start3A_168 = tpu.memref_slice %arg4[%mul3A_159] : memref<49152xf32, #tpu.memory_space<hbm>> -> memref<384xf32, #tpu.memory_space<hbm>>
        %dma_start3A_169 = arith.constant 0 : i32
        %dma_start3A_170 = tpu.memref_slice %arg8[%dma_start3A_169] : memref<1136xf32, #tpu.memory_space<vmem>> -> memref<384xf32, #tpu.memory_space<vmem>>
        tpu.enqueue_dma source(%dma_start3A_170 : memref<384xf32, #tpu.memory_space<vmem>>) target(%dma_start3A_168 : memref<384xf32, #tpu.memory_space<hbm>>) target_semaphore(%run_scoped3A : memref<!tpu.dma_semaphore, #tpu.memory_space<semaphore_mem>>)
        %dma_wait3A_171 = arith.constant 0 : i32
        %dma_wait3A_172 = tpu.memref_slice %arg8[%dma_wait3A_171] : memref<1136xf32, #tpu.memory_space<vmem>> -> memref<384xf32, #tpu.memory_space<vmem>>
        %dma_wait3A_173 = tpu.memref_slice %arg4[%mul3A_159] : memref<49152xf32, #tpu.memory_space<hbm>> -> memref<384xf32, #tpu.memory_space<hbm>>
        %dma_wait3A_174 = tpu.memref_slice %arg4[%mul3A_159] : memref<49152xf32, #tpu.memory_space<hbm>> -> memref<384xf32, #tpu.memory_space<hbm>>
        %dma_wait3A_175 = arith.constant 0 : i32
        %dma_wait3A_176 = tpu.memref_slice %arg8[%dma_wait3A_175] : memref<1136xf32, #tpu.memory_space<vmem>> -> memref<384xf32, #tpu.memory_space<vmem>>
        tpu.wait_dma2 semaphore(%run_scoped3A : memref<!tpu.dma_semaphore, #tpu.memory_space<semaphore_mem>>) src(%dma_wait3A_176 : memref<384xf32, #tpu.memory_space<vmem>>) dst(%dma_wait3A_174 : memref<384xf32, #tpu.memory_space<hbm>>)
        tpu.yield
      }) : () -> ()
      %mul3A_160 = arith.constant 384 : i32
      %mul3A_161 = arith.muli %add3A_12, %mul3A_160 : i32
      "tpu.region"() ({
        %run_scoped3A = tpu.sem_alloc : memref<!tpu.dma_semaphore, #tpu.memory_space<semaphore_mem>>
        %dma_start3A_165 = tpu.memref_slice %arg5[%mul3A_161] : memref<49152xi32, #tpu.memory_space<hbm>> -> memref<384xi32, #tpu.memory_space<hbm>>
        %dma_start3A_166 = tpu.memref_slice %arg5[%mul3A_161] : memref<49152xi32, #tpu.memory_space<hbm>> -> memref<384xi32, #tpu.memory_space<hbm>>
        tpu.enqueue_dma source(%arg12 : memref<384xi32, #tpu.memory_space<vmem>>) target(%dma_start3A_166 : memref<384xi32, #tpu.memory_space<hbm>>) target_semaphore(%run_scoped3A : memref<!tpu.dma_semaphore, #tpu.memory_space<semaphore_mem>>)
        %dma_wait3A_167 = tpu.memref_slice %arg5[%mul3A_161] : memref<49152xi32, #tpu.memory_space<hbm>> -> memref<384xi32, #tpu.memory_space<hbm>>
        %dma_wait3A_168 = tpu.memref_slice %arg5[%mul3A_161] : memref<49152xi32, #tpu.memory_space<hbm>> -> memref<384xi32, #tpu.memory_space<hbm>>
        tpu.wait_dma2 semaphore(%run_scoped3A : memref<!tpu.dma_semaphore, #tpu.memory_space<semaphore_mem>>) src(%arg12 : memref<384xi32, #tpu.memory_space<vmem>>) dst(%dma_wait3A_168 : memref<384xi32, #tpu.memory_space<hbm>>)
        tpu.yield
      }) : () -> ()
      %mul3A_162 = arith.constant 384 : i32
      %mul3A_163 = arith.muli %add3A_12, %mul3A_162 : i32
      "tpu.region"() ({
        %run_scoped3A = tpu.sem_alloc : memref<!tpu.dma_semaphore, #tpu.memory_space<semaphore_mem>>
        %dma_start3A_165 = arith.constant 0 : i32
        %dma_start3A_166 = tpu.memref_slice %arg6[%mul3A_163, %dma_start3A_165] : memref<49152x16xf32, #tpu.memory_space<hbm>> -> memref<384x16xf32, #tpu.memory_space<hbm>>
        %dma_start3A_167 = arith.constant 0 : i32
        %dma_start3A_168 = tpu.memref_slice %arg6[%mul3A_163, %dma_start3A_167] : memref<49152x16xf32, #tpu.memory_space<hbm>> -> memref<384x16xf32, #tpu.memory_space<hbm>>
        tpu.enqueue_dma source(%arg13 : memref<384x16xf32, #tpu.memory_space<vmem>>) target(%dma_start3A_168 : memref<384x16xf32, #tpu.memory_space<hbm>>) target_semaphore(%run_scoped3A : memref<!tpu.dma_semaphore, #tpu.memory_space<semaphore_mem>>)
        %dma_wait3A_169 = arith.constant 0 : i32
        %dma_wait3A_170 = tpu.memref_slice %arg6[%mul3A_163, %dma_wait3A_169] : memref<49152x16xf32, #tpu.memory_space<hbm>> -> memref<384x16xf32, #tpu.memory_space<hbm>>
        %dma_wait3A_171 = arith.constant 0 : i32
        %dma_wait3A_172 = tpu.memref_slice %arg6[%mul3A_163, %dma_wait3A_171] : memref<49152x16xf32, #tpu.memory_space<hbm>> -> memref<384x16xf32, #tpu.memory_space<hbm>>
        tpu.wait_dma2 semaphore(%run_scoped3A : memref<!tpu.dma_semaphore, #tpu.memory_space<semaphore_mem>>) src(%arg13 : memref<384x16xf32, #tpu.memory_space<vmem>>) dst(%dma_wait3A_172 : memref<384x16xf32, #tpu.memory_space<hbm>>)
        tpu.yield
      }) : () -> ()
      %scan3A_164 = arith.constant 0 : i32
      scf.yield %scan3A_164 : i32
    }
    %scan3A_7 = arith.constant 4 : i32
    return
  }
}

module attributes {stable_mosaic.version = 14 : i64} {
  func.func @_rank_body(%arg0: i32, %arg1: memref<8x6x384xf32, #tpu.memory_space<vmem>>, %arg2: memref<8x1x2xi32, #tpu.memory_space<vmem>>, %arg3: memref<8x1x300xf32, #tpu.memory_space<vmem>>, %arg4: memref<8x1x300xi32, #tpu.memory_space<vmem>>, %arg5: memref<8x4x300xf32, #tpu.memory_space<vmem>>) attributes {dimension_semantics = [#tpu.dimension_semantics<arbitrary>], iteration_bounds = array<i64: 16>, scalar_prefetch = 0 : i64, scratch_operands = 0 : i64, tpu.core_type = #tpu.core_type<tc>, window_params = [{transform_indices = @transform_0, window_bounds = array<i64: 8, 6, 384>}, {transform_indices = @transform_1, window_bounds = array<i64: 8, 1, 2>}, {transform_indices = @transform_2, window_bounds = array<i64: 8, 1, 300>}, {transform_indices = @transform_3, window_bounds = array<i64: 8, 1, 300>}, {transform_indices = @transform_4, window_bounds = array<i64: 8, 4, 300>}]} {
    %iota3A = tpu.iota {dimensions = array<i32: 0>} : vector<384x384xi32>
    %iota3A_0 = tpu.iota {dimensions = array<i32: 1>} : vector<384x384xi32>
    %get3A = arith.constant 0 : index
    %get3A_1 = arith.constant 0 : index
    %get3A_2 = arith.constant 0 : index
    %get3A_3 = vector.load %arg1[%get3A, %get3A_1, %get3A_2] : memref<8x6x384xf32, #tpu.memory_space<vmem>>, vector<1x6x384xf32>
    %get3A_4 = vector.shape_cast %get3A_3 : vector<1x6x384xf32> to vector<6x384xf32>
    %slice3A = vector.extract_strided_slice %get3A_4 {offsets = [0, 0], sizes = [1, 384], strides = [1, 1]} : vector<6x384xf32> to vector<1x384xf32>
    %squeeze3A = vector.shape_cast %slice3A : vector<1x384xf32> to vector<384xf32>
    %broadcast_in_dim3A = vector.shape_cast %squeeze3A : vector<384xf32> to vector<384x1xf32>
    %broadcast_in_dim3A_5 = vector.shape_cast %squeeze3A : vector<384xf32> to vector<1x384xf32>
    %gt3A = vector.broadcast %broadcast_in_dim3A_5 : vector<1x384xf32> to vector<384x384xf32>
    %gt3A_6 = vector.broadcast %broadcast_in_dim3A : vector<384x1xf32> to vector<384x384xf32>
    %gt3A_7 = arith.cmpf ogt, %gt3A, %gt3A_6 : vector<384x384xf32>
    %eq3A = vector.broadcast %broadcast_in_dim3A_5 : vector<1x384xf32> to vector<384x384xf32>
    %eq3A_8 = vector.broadcast %broadcast_in_dim3A : vector<384x1xf32> to vector<384x384xf32>
    %eq3A_9 = arith.cmpf oeq, %eq3A, %eq3A_8 : vector<384x384xf32>
    %lt3A = arith.cmpi slt, %iota3A_0, %iota3A : vector<384x384xi32>
    %and3A = arith.andi %eq3A_9, %lt3A : vector<384x384xi1>
    %or3A = arith.ori %gt3A_7, %and3A : vector<384x384xi1>
    %convert_element_type3A = arith.extui %or3A : vector<384x384xi1> to vector<384x384xi32>
    %reduce_sum3A = arith.constant dense<0> : vector<384xi32>
    %reduce_sum3A_10 = vector.multi_reduction <add>, %convert_element_type3A, %reduce_sum3A [1] : vector<384x384xi32> to vector<384xi32>
    %broadcast_in_dim3A_11 = vector.shape_cast %reduce_sum3A_10 : vector<384xi32> to vector<384x1xi32>
    %eq3A_12 = vector.broadcast %broadcast_in_dim3A_11 : vector<384x1xi32> to vector<384x384xi32>
    %eq3A_13 = arith.cmpi eq, %eq3A_12, %iota3A_0 : vector<384x384xi32>
    %convert_element_type3A_14 = arith.extui %eq3A_13 : vector<384x384xi1> to vector<384x384xi32>
    %convert_element_type3A_15 = arith.sitofp %convert_element_type3A_14 : vector<384x384xi32> to vector<384x384xf32>
    %dot_general3A = arith.constant dense<0.000000e+00> : vector<6x384xf32>
    %dot_general3A_16 = tpu.matmul %get3A_4, %convert_element_type3A_15, %dot_general3A {dimension_numbers = #tpu.dot_dimension_numbers<[1], [0], [0], [1], [0, 0, 1, 1], [], []>, precision = #tpu.contract_precision<fp32>, transpose_lhs_hint = false} : vector<6x384xf32>, vector<384x384xf32>, vector<6x384xf32> -> vector<6x384xf32>
    %get3A_17 = arith.constant 0 : index
    %get3A_18 = arith.constant 0 : index
    %get3A_19 = arith.constant 0 : index
    %get3A_20 = vector.load %arg2[%get3A_17, %get3A_18, %get3A_19] : memref<8x1x2xi32, #tpu.memory_space<vmem>>, vector<1x1x1xi32>
    %get3A_21 = vector.extract %get3A_20[0, 0, 0] : i32 from vector<1x1x1xi32>
    %convert_element_type3A_22 = arith.sitofp %get3A_21 : i32 to f32
    %get3A_23 = arith.constant 0 : index
    %get3A_24 = arith.constant 0 : index
    %get3A_25 = arith.constant 1 : index
    %get3A_26 = vector.load %arg2[%get3A_23, %get3A_24, %get3A_25] : memref<8x1x2xi32, #tpu.memory_space<vmem>>, vector<1x1x1xi32>
    %get3A_27 = vector.extract %get3A_26[0, 0, 0] : i32 from vector<1x1x1xi32>
    %convert_element_type3A_28 = arith.sitofp %get3A_27 : i32 to f32
    %slice3A_29 = vector.extract_strided_slice %dot_general3A_16 {offsets = [0, 0], sizes = [1, 300], strides = [1, 1]} : vector<6x384xf32> to vector<1x300xf32>
    %squeeze3A_30 = vector.shape_cast %slice3A_29 : vector<1x300xf32> to vector<300xf32>
    %logistic3A = arith.negf %squeeze3A_30 : vector<300xf32>
    %logistic3A_31 = math.exp %logistic3A : vector<300xf32>
    %logistic3A_32 = arith.constant 1.000000e+00 : f32
    %logistic3A_33 = vector.broadcast %logistic3A_32 : f32 to vector<300xf32>
    %logistic3A_34 = arith.addf %logistic3A_33, %logistic3A_31 : vector<300xf32>
    %logistic3A_35 = arith.divf %logistic3A_33, %logistic3A_34 : vector<300xf32>
    %swap3A = arith.constant 0 : index
    %swap3A_36 = arith.constant 0 : index
    %swap3A_37 = arith.constant 0 : index
    %swap3A_38 = vector.load %arg3[%swap3A, %swap3A_36, %swap3A_37] : memref<8x1x300xf32, #tpu.memory_space<vmem>>, vector<1x1x300xf32>
    %swap3A_39 = vector.shape_cast %swap3A_38 : vector<1x1x300xf32> to vector<300xf32>
    %swap3A_40 = vector.shape_cast %logistic3A_35 : vector<300xf32> to vector<1x1x300xf32>
    tpu.vector_store %arg3[%swap3A, %swap3A_36, %swap3A_37], %swap3A_40 {strides = array<i32>} : memref<8x1x300xf32, #tpu.memory_space<vmem>>, vector<1x1x300xf32>,
    %slice3A_41 = vector.extract_strided_slice %dot_general3A_16 {offsets = [1, 0], sizes = [1, 300], strides = [1, 1]} : vector<6x384xf32> to vector<1x300xf32>
    %squeeze3A_42 = vector.shape_cast %slice3A_41 : vector<1x300xf32> to vector<300xf32>
    %convert_element_type3A_43 = arith.fptosi %squeeze3A_42 : vector<300xf32> to vector<300xi32>
    %swap3A_44 = arith.constant 0 : index
    %swap3A_45 = arith.constant 0 : index
    %swap3A_46 = arith.constant 0 : index
    %swap3A_47 = vector.load %arg4[%swap3A_44, %swap3A_45, %swap3A_46] : memref<8x1x300xi32, #tpu.memory_space<vmem>>, vector<1x1x300xi32>
    %swap3A_48 = vector.shape_cast %swap3A_47 : vector<1x1x300xi32> to vector<300xi32>
    %swap3A_49 = vector.shape_cast %convert_element_type3A_43 : vector<300xi32> to vector<1x1x300xi32>
    tpu.vector_store %arg4[%swap3A_44, %swap3A_45, %swap3A_46], %swap3A_49 {strides = array<i32>} : memref<8x1x300xi32, #tpu.memory_space<vmem>>, vector<1x1x300xi32>,
    %slice3A_50 = vector.extract_strided_slice %dot_general3A_16 {offsets = [2, 0], sizes = [1, 300], strides = [1, 1]} : vector<6x384xf32> to vector<1x300xf32>
    %squeeze3A_51 = vector.shape_cast %slice3A_50 : vector<1x300xf32> to vector<300xf32>
    %slice3A_52 = vector.extract_strided_slice %dot_general3A_16 {offsets = [3, 0], sizes = [1, 300], strides = [1, 1]} : vector<6x384xf32> to vector<1x300xf32>
    %squeeze3A_53 = vector.shape_cast %slice3A_52 : vector<1x300xf32> to vector<300xf32>
    %slice3A_54 = vector.extract_strided_slice %dot_general3A_16 {offsets = [4, 0], sizes = [1, 300], strides = [1, 1]} : vector<6x384xf32> to vector<1x300xf32>
    %squeeze3A_55 = vector.shape_cast %slice3A_54 : vector<1x300xf32> to vector<300xf32>
    %slice3A_56 = vector.extract_strided_slice %dot_general3A_16 {offsets = [5, 0], sizes = [1, 300], strides = [1, 1]} : vector<6x384xf32> to vector<1x300xf32>
    %squeeze3A_57 = vector.shape_cast %slice3A_56 : vector<1x300xf32> to vector<300xf32>
    %mul3A = arith.constant 5.000000e-01 : f32
    %mul3A_58 = vector.broadcast %mul3A : f32 to vector<300xf32>
    %mul3A_59 = arith.mulf %mul3A_58, %squeeze3A_55 : vector<300xf32>
    %sub3A = arith.subf %squeeze3A_51, %mul3A_59 : vector<300xf32>
    %mul3A_60 = vector.broadcast %convert_element_type3A_22 : f32 to vector<300xf32>
    %mul3A_61 = arith.mulf %sub3A, %mul3A_60 : vector<300xf32>
    %swap3A_62 = arith.constant 0 : index
    %swap3A_63 = arith.constant 0 : index
    %swap3A_64 = arith.constant 0 : index
    %swap3A_65 = vector.load %arg5[%swap3A_62, %swap3A_63, %swap3A_64] : memref<8x4x300xf32, #tpu.memory_space<vmem>>, vector<1x1x300xf32>
    %swap3A_66 = vector.shape_cast %swap3A_65 : vector<1x1x300xf32> to vector<300xf32>
    %swap3A_67 = vector.shape_cast %mul3A_61 : vector<300xf32> to vector<1x1x300xf32>
    tpu.vector_store %arg5[%swap3A_62, %swap3A_63, %swap3A_64], %swap3A_67 {strides = array<i32>} : memref<8x4x300xf32, #tpu.memory_space<vmem>>, vector<1x1x300xf32>,
    %mul3A_68 = arith.constant 5.000000e-01 : f32
    %mul3A_69 = vector.broadcast %mul3A_68 : f32 to vector<300xf32>
    %mul3A_70 = arith.mulf %mul3A_69, %squeeze3A_57 : vector<300xf32>
    %sub3A_71 = arith.subf %squeeze3A_53, %mul3A_70 : vector<300xf32>
    %mul3A_72 = vector.broadcast %convert_element_type3A_28 : f32 to vector<300xf32>
    %mul3A_73 = arith.mulf %sub3A_71, %mul3A_72 : vector<300xf32>
    %swap3A_74 = arith.constant 0 : index
    %swap3A_75 = arith.constant 1 : index
    %swap3A_76 = arith.constant 0 : index
    %swap3A_77 = vector.load %arg5[%swap3A_74, %swap3A_75, %swap3A_76] : memref<8x4x300xf32, #tpu.memory_space<vmem>>, vector<1x1x300xf32>
    %swap3A_78 = vector.shape_cast %swap3A_77 : vector<1x1x300xf32> to vector<300xf32>
    %swap3A_79 = vector.shape_cast %mul3A_73 : vector<300xf32> to vector<1x1x300xf32>
    tpu.vector_store %arg5[%swap3A_74, %swap3A_75, %swap3A_76], %swap3A_79 {strides = array<i32>} : memref<8x4x300xf32, #tpu.memory_space<vmem>>, vector<1x1x300xf32>,
    %mul3A_80 = arith.constant 5.000000e-01 : f32
    %mul3A_81 = vector.broadcast %mul3A_80 : f32 to vector<300xf32>
    %mul3A_82 = arith.mulf %mul3A_81, %squeeze3A_55 : vector<300xf32>
    %add3A = arith.addf %squeeze3A_51, %mul3A_82 : vector<300xf32>
    %mul3A_83 = vector.broadcast %convert_element_type3A_22 : f32 to vector<300xf32>
    %mul3A_84 = arith.mulf %add3A, %mul3A_83 : vector<300xf32>
    %swap3A_85 = arith.constant 0 : index
    %swap3A_86 = arith.constant 2 : index
    %swap3A_87 = arith.constant 0 : index
    %swap3A_88 = vector.load %arg5[%swap3A_85, %swap3A_86, %swap3A_87] : memref<8x4x300xf32, #tpu.memory_space<vmem>>, vector<1x1x300xf32>
    %swap3A_89 = vector.shape_cast %swap3A_88 : vector<1x1x300xf32> to vector<300xf32>
    %swap3A_90 = vector.shape_cast %mul3A_84 : vector<300xf32> to vector<1x1x300xf32>
    tpu.vector_store %arg5[%swap3A_85, %swap3A_86, %swap3A_87], %swap3A_90 {strides = array<i32>} : memref<8x4x300xf32, #tpu.memory_space<vmem>>, vector<1x1x300xf32>,
    %mul3A_91 = arith.constant 5.000000e-01 : f32
    %mul3A_92 = vector.broadcast %mul3A_91 : f32 to vector<300xf32>
    %mul3A_93 = arith.mulf %mul3A_92, %squeeze3A_57 : vector<300xf32>
    %add3A_94 = arith.addf %squeeze3A_53, %mul3A_93 : vector<300xf32>
    %mul3A_95 = vector.broadcast %convert_element_type3A_28 : f32 to vector<300xf32>
    %mul3A_96 = arith.mulf %add3A_94, %mul3A_95 : vector<300xf32>
    %swap3A_97 = arith.constant 0 : index
    %swap3A_98 = arith.constant 3 : index
    %swap3A_99 = arith.constant 0 : index
    %swap3A_100 = vector.load %arg5[%swap3A_97, %swap3A_98, %swap3A_99] : memref<8x4x300xf32, #tpu.memory_space<vmem>>, vector<1x1x300xf32>
    %swap3A_101 = vector.shape_cast %swap3A_100 : vector<1x1x300xf32> to vector<300xf32>
    %swap3A_102 = vector.shape_cast %mul3A_96 : vector<300xf32> to vector<1x1x300xf32>
    tpu.vector_store %arg5[%swap3A_97, %swap3A_98, %swap3A_99], %swap3A_102 {strides = array<i32>} : memref<8x4x300xf32, #tpu.memory_space<vmem>>, vector<1x1x300xf32>,
    %get3A_103 = arith.constant 1 : index
    %get3A_104 = arith.constant 0 : index
    %get3A_105 = arith.constant 0 : index
    %get3A_106 = vector.load %arg1[%get3A_103, %get3A_104, %get3A_105] : memref<8x6x384xf32, #tpu.memory_space<vmem>>, vector<1x6x384xf32>
    %get3A_107 = vector.shape_cast %get3A_106 : vector<1x6x384xf32> to vector<6x384xf32>
    %slice3A_108 = vector.extract_strided_slice %get3A_107 {offsets = [0, 0], sizes = [1, 384], strides = [1, 1]} : vector<6x384xf32> to vector<1x384xf32>
    %squeeze3A_109 = vector.shape_cast %slice3A_108 : vector<1x384xf32> to vector<384xf32>
    %broadcast_in_dim3A_110 = vector.shape_cast %squeeze3A_109 : vector<384xf32> to vector<384x1xf32>
    %broadcast_in_dim3A_111 = vector.shape_cast %squeeze3A_109 : vector<384xf32> to vector<1x384xf32>
    %gt3A_112 = vector.broadcast %broadcast_in_dim3A_111 : vector<1x384xf32> to vector<384x384xf32>
    %gt3A_113 = vector.broadcast %broadcast_in_dim3A_110 : vector<384x1xf32> to vector<384x384xf32>
    %gt3A_114 = arith.cmpf ogt, %gt3A_112, %gt3A_113 : vector<384x384xf32>
    %eq3A_115 = vector.broadcast %broadcast_in_dim3A_111 : vector<1x384xf32> to vector<384x384xf32>
    %eq3A_116 = vector.broadcast %broadcast_in_dim3A_110 : vector<384x1xf32> to vector<384x384xf32>
    %eq3A_117 = arith.cmpf oeq, %eq3A_115, %eq3A_116 : vector<384x384xf32>
    %lt3A_118 = arith.cmpi slt, %iota3A_0, %iota3A : vector<384x384xi32>
    %and3A_119 = arith.andi %eq3A_117, %lt3A_118 : vector<384x384xi1>
    %or3A_120 = arith.ori %gt3A_114, %and3A_119 : vector<384x384xi1>
    %convert_element_type3A_121 = arith.extui %or3A_120 : vector<384x384xi1> to vector<384x384xi32>
    %reduce_sum3A_122 = arith.constant dense<0> : vector<384xi32>
    %reduce_sum3A_123 = vector.multi_reduction <add>, %convert_element_type3A_121, %reduce_sum3A_122 [1] : vector<384x384xi32> to vector<384xi32>
    %broadcast_in_dim3A_124 = vector.shape_cast %reduce_sum3A_123 : vector<384xi32> to vector<384x1xi32>
    %eq3A_125 = vector.broadcast %broadcast_in_dim3A_124 : vector<384x1xi32> to vector<384x384xi32>
    %eq3A_126 = arith.cmpi eq, %eq3A_125, %iota3A_0 : vector<384x384xi32>
    %convert_element_type3A_127 = arith.extui %eq3A_126 : vector<384x384xi1> to vector<384x384xi32>
    %convert_element_type3A_128 = arith.sitofp %convert_element_type3A_127 : vector<384x384xi32> to vector<384x384xf32>
    %dot_general3A_129 = arith.constant dense<0.000000e+00> : vector<6x384xf32>
    %dot_general3A_130 = tpu.matmul %get3A_107, %convert_element_type3A_128, %dot_general3A_129 {dimension_numbers = #tpu.dot_dimension_numbers<[1], [0], [0], [1], [0, 0, 1, 1], [], []>, precision = #tpu.contract_precision<fp32>, transpose_lhs_hint = false} : vector<6x384xf32>, vector<384x384xf32>, vector<6x384xf32> -> vector<6x384xf32>
    %get3A_131 = arith.constant 1 : index
    %get3A_132 = arith.constant 0 : index
    %get3A_133 = arith.constant 0 : index
    %get3A_134 = vector.load %arg2[%get3A_131, %get3A_132, %get3A_133] : memref<8x1x2xi32, #tpu.memory_space<vmem>>, vector<1x1x1xi32>
    %get3A_135 = vector.extract %get3A_134[0, 0, 0] : i32 from vector<1x1x1xi32>
    %convert_element_type3A_136 = arith.sitofp %get3A_135 : i32 to f32
    %get3A_137 = arith.constant 1 : index
    %get3A_138 = arith.constant 0 : index
    %get3A_139 = arith.constant 1 : index
    %get3A_140 = vector.load %arg2[%get3A_137, %get3A_138, %get3A_139] : memref<8x1x2xi32, #tpu.memory_space<vmem>>, vector<1x1x1xi32>
    %get3A_141 = vector.extract %get3A_140[0, 0, 0] : i32 from vector<1x1x1xi32>
    %convert_element_type3A_142 = arith.sitofp %get3A_141 : i32 to f32
    %slice3A_143 = vector.extract_strided_slice %dot_general3A_130 {offsets = [0, 0], sizes = [1, 300], strides = [1, 1]} : vector<6x384xf32> to vector<1x300xf32>
    %squeeze3A_144 = vector.shape_cast %slice3A_143 : vector<1x300xf32> to vector<300xf32>
    %logistic3A_145 = arith.negf %squeeze3A_144 : vector<300xf32>
    %logistic3A_146 = math.exp %logistic3A_145 : vector<300xf32>
    %logistic3A_147 = arith.constant 1.000000e+00 : f32
    %logistic3A_148 = vector.broadcast %logistic3A_147 : f32 to vector<300xf32>
    %logistic3A_149 = arith.addf %logistic3A_148, %logistic3A_146 : vector<300xf32>
    %logistic3A_150 = arith.divf %logistic3A_148, %logistic3A_149 : vector<300xf32>
    %swap3A_151 = arith.constant 1 : index
    %swap3A_152 = arith.constant 0 : index
    %swap3A_153 = arith.constant 0 : index
    %swap3A_154 = vector.load %arg3[%swap3A_151, %swap3A_152, %swap3A_153] : memref<8x1x300xf32, #tpu.memory_space<vmem>>, vector<1x1x300xf32>
    %swap3A_155 = vector.shape_cast %swap3A_154 : vector<1x1x300xf32> to vector<300xf32>
    %swap3A_156 = vector.shape_cast %logistic3A_150 : vector<300xf32> to vector<1x1x300xf32>
    tpu.vector_store %arg3[%swap3A_151, %swap3A_152, %swap3A_153], %swap3A_156 {strides = array<i32>} : memref<8x1x300xf32, #tpu.memory_space<vmem>>, vector<1x1x300xf32>,
    %slice3A_157 = vector.extract_strided_slice %dot_general3A_130 {offsets = [1, 0], sizes = [1, 300], strides = [1, 1]} : vector<6x384xf32> to vector<1x300xf32>
    %squeeze3A_158 = vector.shape_cast %slice3A_157 : vector<1x300xf32> to vector<300xf32>
    %convert_element_type3A_159 = arith.fptosi %squeeze3A_158 : vector<300xf32> to vector<300xi32>
    %swap3A_160 = arith.constant 1 : index
    %swap3A_161 = arith.constant 0 : index
    %swap3A_162 = arith.constant 0 : index
    %swap3A_163 = vector.load %arg4[%swap3A_160, %swap3A_161, %swap3A_162] : memref<8x1x300xi32, #tpu.memory_space<vmem>>, vector<1x1x300xi32>
    %swap3A_164 = vector.shape_cast %swap3A_163 : vector<1x1x300xi32> to vector<300xi32>
    %swap3A_165 = vector.shape_cast %convert_element_type3A_159 : vector<300xi32> to vector<1x1x300xi32>
    tpu.vector_store %arg4[%swap3A_160, %swap3A_161, %swap3A_162], %swap3A_165 {strides = array<i32>} : memref<8x1x300xi32, #tpu.memory_space<vmem>>, vector<1x1x300xi32>,
    %slice3A_166 = vector.extract_strided_slice %dot_general3A_130 {offsets = [2, 0], sizes = [1, 300], strides = [1, 1]} : vector<6x384xf32> to vector<1x300xf32>
    %squeeze3A_167 = vector.shape_cast %slice3A_166 : vector<1x300xf32> to vector<300xf32>
    %slice3A_168 = vector.extract_strided_slice %dot_general3A_130 {offsets = [3, 0], sizes = [1, 300], strides = [1, 1]} : vector<6x384xf32> to vector<1x300xf32>
    %squeeze3A_169 = vector.shape_cast %slice3A_168 : vector<1x300xf32> to vector<300xf32>
    %slice3A_170 = vector.extract_strided_slice %dot_general3A_130 {offsets = [4, 0], sizes = [1, 300], strides = [1, 1]} : vector<6x384xf32> to vector<1x300xf32>
    %squeeze3A_171 = vector.shape_cast %slice3A_170 : vector<1x300xf32> to vector<300xf32>
    %slice3A_172 = vector.extract_strided_slice %dot_general3A_130 {offsets = [5, 0], sizes = [1, 300], strides = [1, 1]} : vector<6x384xf32> to vector<1x300xf32>
    %squeeze3A_173 = vector.shape_cast %slice3A_172 : vector<1x300xf32> to vector<300xf32>
    %mul3A_174 = arith.constant 5.000000e-01 : f32
    %mul3A_175 = vector.broadcast %mul3A_174 : f32 to vector<300xf32>
    %mul3A_176 = arith.mulf %mul3A_175, %squeeze3A_171 : vector<300xf32>
    %sub3A_177 = arith.subf %squeeze3A_167, %mul3A_176 : vector<300xf32>
    %mul3A_178 = vector.broadcast %convert_element_type3A_136 : f32 to vector<300xf32>
    %mul3A_179 = arith.mulf %sub3A_177, %mul3A_178 : vector<300xf32>
    %swap3A_180 = arith.constant 1 : index
    %swap3A_181 = arith.constant 0 : index
    %swap3A_182 = arith.constant 0 : index
    %swap3A_183 = vector.load %arg5[%swap3A_180, %swap3A_181, %swap3A_182] : memref<8x4x300xf32, #tpu.memory_space<vmem>>, vector<1x1x300xf32>
    %swap3A_184 = vector.shape_cast %swap3A_183 : vector<1x1x300xf32> to vector<300xf32>
    %swap3A_185 = vector.shape_cast %mul3A_179 : vector<300xf32> to vector<1x1x300xf32>
    tpu.vector_store %arg5[%swap3A_180, %swap3A_181, %swap3A_182], %swap3A_185 {strides = array<i32>} : memref<8x4x300xf32, #tpu.memory_space<vmem>>, vector<1x1x300xf32>,
    %mul3A_186 = arith.constant 5.000000e-01 : f32
    %mul3A_187 = vector.broadcast %mul3A_186 : f32 to vector<300xf32>
    %mul3A_188 = arith.mulf %mul3A_187, %squeeze3A_173 : vector<300xf32>
    %sub3A_189 = arith.subf %squeeze3A_169, %mul3A_188 : vector<300xf32>
    %mul3A_190 = vector.broadcast %convert_element_type3A_142 : f32 to vector<300xf32>
    %mul3A_191 = arith.mulf %sub3A_189, %mul3A_190 : vector<300xf32>
    %swap3A_192 = arith.constant 1 : index
    %swap3A_193 = arith.constant 1 : index
    %swap3A_194 = arith.constant 0 : index
    %swap3A_195 = vector.load %arg5[%swap3A_192, %swap3A_193, %swap3A_194] : memref<8x4x300xf32, #tpu.memory_space<vmem>>, vector<1x1x300xf32>
    %swap3A_196 = vector.shape_cast %swap3A_195 : vector<1x1x300xf32> to vector<300xf32>
    %swap3A_197 = vector.shape_cast %mul3A_191 : vector<300xf32> to vector<1x1x300xf32>
    tpu.vector_store %arg5[%swap3A_192, %swap3A_193, %swap3A_194], %swap3A_197 {strides = array<i32>} : memref<8x4x300xf32, #tpu.memory_space<vmem>>, vector<1x1x300xf32>,
    %mul3A_198 = arith.constant 5.000000e-01 : f32
    %mul3A_199 = vector.broadcast %mul3A_198 : f32 to vector<300xf32>
    %mul3A_200 = arith.mulf %mul3A_199, %squeeze3A_171 : vector<300xf32>
    %add3A_201 = arith.addf %squeeze3A_167, %mul3A_200 : vector<300xf32>
    %mul3A_202 = vector.broadcast %convert_element_type3A_136 : f32 to vector<300xf32>
    %mul3A_203 = arith.mulf %add3A_201, %mul3A_202 : vector<300xf32>
    %swap3A_204 = arith.constant 1 : index
    %swap3A_205 = arith.constant 2 : index
    %swap3A_206 = arith.constant 0 : index
    %swap3A_207 = vector.load %arg5[%swap3A_204, %swap3A_205, %swap3A_206] : memref<8x4x300xf32, #tpu.memory_space<vmem>>, vector<1x1x300xf32>
    %swap3A_208 = vector.shape_cast %swap3A_207 : vector<1x1x300xf32> to vector<300xf32>
    %swap3A_209 = vector.shape_cast %mul3A_203 : vector<300xf32> to vector<1x1x300xf32>
    tpu.vector_store %arg5[%swap3A_204, %swap3A_205, %swap3A_206], %swap3A_209 {strides = array<i32>} : memref<8x4x300xf32, #tpu.memory_space<vmem>>, vector<1x1x300xf32>,
    %mul3A_210 = arith.constant 5.000000e-01 : f32
    %mul3A_211 = vector.broadcast %mul3A_210 : f32 to vector<300xf32>
    %mul3A_212 = arith.mulf %mul3A_211, %squeeze3A_173 : vector<300xf32>
    %add3A_213 = arith.addf %squeeze3A_169, %mul3A_212 : vector<300xf32>
    %mul3A_214 = vector.broadcast %convert_element_type3A_142 : f32 to vector<300xf32>
    %mul3A_215 = arith.mulf %add3A_213, %mul3A_214 : vector<300xf32>
    %swap3A_216 = arith.constant 1 : index
    %swap3A_217 = arith.constant 3 : index
    %swap3A_218 = arith.constant 0 : index
    %swap3A_219 = vector.load %arg5[%swap3A_216, %swap3A_217, %swap3A_218] : memref<8x4x300xf32, #tpu.memory_space<vmem>>, vector<1x1x300xf32>
    %swap3A_220 = vector.shape_cast %swap3A_219 : vector<1x1x300xf32> to vector<300xf32>
    %swap3A_221 = vector.shape_cast %mul3A_215 : vector<300xf32> to vector<1x1x300xf32>
    tpu.vector_store %arg5[%swap3A_216, %swap3A_217, %swap3A_218], %swap3A_221 {strides = array<i32>} : memref<8x4x300xf32, #tpu.memory_space<vmem>>, vector<1x1x300xf32>,
    %get3A_222 = arith.constant 2 : index
    %get3A_223 = arith.constant 0 : index
    %get3A_224 = arith.constant 0 : index
    %get3A_225 = vector.load %arg1[%get3A_222, %get3A_223, %get3A_224] : memref<8x6x384xf32, #tpu.memory_space<vmem>>, vector<1x6x384xf32>
    %get3A_226 = vector.shape_cast %get3A_225 : vector<1x6x384xf32> to vector<6x384xf32>
    %slice3A_227 = vector.extract_strided_slice %get3A_226 {offsets = [0, 0], sizes = [1, 384], strides = [1, 1]} : vector<6x384xf32> to vector<1x384xf32>
    %squeeze3A_228 = vector.shape_cast %slice3A_227 : vector<1x384xf32> to vector<384xf32>
    %broadcast_in_dim3A_229 = vector.shape_cast %squeeze3A_228 : vector<384xf32> to vector<384x1xf32>
    %broadcast_in_dim3A_230 = vector.shape_cast %squeeze3A_228 : vector<384xf32> to vector<1x384xf32>
    %gt3A_231 = vector.broadcast %broadcast_in_dim3A_230 : vector<1x384xf32> to vector<384x384xf32>
    %gt3A_232 = vector.broadcast %broadcast_in_dim3A_229 : vector<384x1xf32> to vector<384x384xf32>
    %gt3A_233 = arith.cmpf ogt, %gt3A_231, %gt3A_232 : vector<384x384xf32>
    %eq3A_234 = vector.broadcast %broadcast_in_dim3A_230 : vector<1x384xf32> to vector<384x384xf32>
    %eq3A_235 = vector.broadcast %broadcast_in_dim3A_229 : vector<384x1xf32> to vector<384x384xf32>
    %eq3A_236 = arith.cmpf oeq, %eq3A_234, %eq3A_235 : vector<384x384xf32>
    %lt3A_237 = arith.cmpi slt, %iota3A_0, %iota3A : vector<384x384xi32>
    %and3A_238 = arith.andi %eq3A_236, %lt3A_237 : vector<384x384xi1>
    %or3A_239 = arith.ori %gt3A_233, %and3A_238 : vector<384x384xi1>
    %convert_element_type3A_240 = arith.extui %or3A_239 : vector<384x384xi1> to vector<384x384xi32>
    %reduce_sum3A_241 = arith.constant dense<0> : vector<384xi32>
    %reduce_sum3A_242 = vector.multi_reduction <add>, %convert_element_type3A_240, %reduce_sum3A_241 [1] : vector<384x384xi32> to vector<384xi32>
    %broadcast_in_dim3A_243 = vector.shape_cast %reduce_sum3A_242 : vector<384xi32> to vector<384x1xi32>
    %eq3A_244 = vector.broadcast %broadcast_in_dim3A_243 : vector<384x1xi32> to vector<384x384xi32>
    %eq3A_245 = arith.cmpi eq, %eq3A_244, %iota3A_0 : vector<384x384xi32>
    %convert_element_type3A_246 = arith.extui %eq3A_245 : vector<384x384xi1> to vector<384x384xi32>
    %convert_element_type3A_247 = arith.sitofp %convert_element_type3A_246 : vector<384x384xi32> to vector<384x384xf32>
    %dot_general3A_248 = arith.constant dense<0.000000e+00> : vector<6x384xf32>
    %dot_general3A_249 = tpu.matmul %get3A_226, %convert_element_type3A_247, %dot_general3A_248 {dimension_numbers = #tpu.dot_dimension_numbers<[1], [0], [0], [1], [0, 0, 1, 1], [], []>, precision = #tpu.contract_precision<fp32>, transpose_lhs_hint = false} : vector<6x384xf32>, vector<384x384xf32>, vector<6x384xf32> -> vector<6x384xf32>
    %get3A_250 = arith.constant 2 : index
    %get3A_251 = arith.constant 0 : index
    %get3A_252 = arith.constant 0 : index
    %get3A_253 = vector.load %arg2[%get3A_250, %get3A_251, %get3A_252] : memref<8x1x2xi32, #tpu.memory_space<vmem>>, vector<1x1x1xi32>
    %get3A_254 = vector.extract %get3A_253[0, 0, 0] : i32 from vector<1x1x1xi32>
    %convert_element_type3A_255 = arith.sitofp %get3A_254 : i32 to f32
    %get3A_256 = arith.constant 2 : index
    %get3A_257 = arith.constant 0 : index
    %get3A_258 = arith.constant 1 : index
    %get3A_259 = vector.load %arg2[%get3A_256, %get3A_257, %get3A_258] : memref<8x1x2xi32, #tpu.memory_space<vmem>>, vector<1x1x1xi32>
    %get3A_260 = vector.extract %get3A_259[0, 0, 0] : i32 from vector<1x1x1xi32>
    %convert_element_type3A_261 = arith.sitofp %get3A_260 : i32 to f32
    %slice3A_262 = vector.extract_strided_slice %dot_general3A_249 {offsets = [0, 0], sizes = [1, 300], strides = [1, 1]} : vector<6x384xf32> to vector<1x300xf32>
    %squeeze3A_263 = vector.shape_cast %slice3A_262 : vector<1x300xf32> to vector<300xf32>
    %logistic3A_264 = arith.negf %squeeze3A_263 : vector<300xf32>
    %logistic3A_265 = math.exp %logistic3A_264 : vector<300xf32>
    %logistic3A_266 = arith.constant 1.000000e+00 : f32
    %logistic3A_267 = vector.broadcast %logistic3A_266 : f32 to vector<300xf32>
    %logistic3A_268 = arith.addf %logistic3A_267, %logistic3A_265 : vector<300xf32>
    %logistic3A_269 = arith.divf %logistic3A_267, %logistic3A_268 : vector<300xf32>
    %swap3A_270 = arith.constant 2 : index
    %swap3A_271 = arith.constant 0 : index
    %swap3A_272 = arith.constant 0 : index
    %swap3A_273 = vector.load %arg3[%swap3A_270, %swap3A_271, %swap3A_272] : memref<8x1x300xf32, #tpu.memory_space<vmem>>, vector<1x1x300xf32>
    %swap3A_274 = vector.shape_cast %swap3A_273 : vector<1x1x300xf32> to vector<300xf32>
    %swap3A_275 = vector.shape_cast %logistic3A_269 : vector<300xf32> to vector<1x1x300xf32>
    tpu.vector_store %arg3[%swap3A_270, %swap3A_271, %swap3A_272], %swap3A_275 {strides = array<i32>} : memref<8x1x300xf32, #tpu.memory_space<vmem>>, vector<1x1x300xf32>,
    %slice3A_276 = vector.extract_strided_slice %dot_general3A_249 {offsets = [1, 0], sizes = [1, 300], strides = [1, 1]} : vector<6x384xf32> to vector<1x300xf32>
    %squeeze3A_277 = vector.shape_cast %slice3A_276 : vector<1x300xf32> to vector<300xf32>
    %convert_element_type3A_278 = arith.fptosi %squeeze3A_277 : vector<300xf32> to vector<300xi32>
    %swap3A_279 = arith.constant 2 : index
    %swap3A_280 = arith.constant 0 : index
    %swap3A_281 = arith.constant 0 : index
    %swap3A_282 = vector.load %arg4[%swap3A_279, %swap3A_280, %swap3A_281] : memref<8x1x300xi32, #tpu.memory_space<vmem>>, vector<1x1x300xi32>
    %swap3A_283 = vector.shape_cast %swap3A_282 : vector<1x1x300xi32> to vector<300xi32>
    %swap3A_284 = vector.shape_cast %convert_element_type3A_278 : vector<300xi32> to vector<1x1x300xi32>
    tpu.vector_store %arg4[%swap3A_279, %swap3A_280, %swap3A_281], %swap3A_284 {strides = array<i32>} : memref<8x1x300xi32, #tpu.memory_space<vmem>>, vector<1x1x300xi32>,
    %slice3A_285 = vector.extract_strided_slice %dot_general3A_249 {offsets = [2, 0], sizes = [1, 300], strides = [1, 1]} : vector<6x384xf32> to vector<1x300xf32>
    %squeeze3A_286 = vector.shape_cast %slice3A_285 : vector<1x300xf32> to vector<300xf32>
    %slice3A_287 = vector.extract_strided_slice %dot_general3A_249 {offsets = [3, 0], sizes = [1, 300], strides = [1, 1]} : vector<6x384xf32> to vector<1x300xf32>
    %squeeze3A_288 = vector.shape_cast %slice3A_287 : vector<1x300xf32> to vector<300xf32>
    %slice3A_289 = vector.extract_strided_slice %dot_general3A_249 {offsets = [4, 0], sizes = [1, 300], strides = [1, 1]} : vector<6x384xf32> to vector<1x300xf32>
    %squeeze3A_290 = vector.shape_cast %slice3A_289 : vector<1x300xf32> to vector<300xf32>
    %slice3A_291 = vector.extract_strided_slice %dot_general3A_249 {offsets = [5, 0], sizes = [1, 300], strides = [1, 1]} : vector<6x384xf32> to vector<1x300xf32>
    %squeeze3A_292 = vector.shape_cast %slice3A_291 : vector<1x300xf32> to vector<300xf32>
    %mul3A_293 = arith.constant 5.000000e-01 : f32
    %mul3A_294 = vector.broadcast %mul3A_293 : f32 to vector<300xf32>
    %mul3A_295 = arith.mulf %mul3A_294, %squeeze3A_290 : vector<300xf32>
    %sub3A_296 = arith.subf %squeeze3A_286, %mul3A_295 : vector<300xf32>
    %mul3A_297 = vector.broadcast %convert_element_type3A_255 : f32 to vector<300xf32>
    %mul3A_298 = arith.mulf %sub3A_296, %mul3A_297 : vector<300xf32>
    %swap3A_299 = arith.constant 2 : index
    %swap3A_300 = arith.constant 0 : index
    %swap3A_301 = arith.constant 0 : index
    %swap3A_302 = vector.load %arg5[%swap3A_299, %swap3A_300, %swap3A_301] : memref<8x4x300xf32, #tpu.memory_space<vmem>>, vector<1x1x300xf32>
    %swap3A_303 = vector.shape_cast %swap3A_302 : vector<1x1x300xf32> to vector<300xf32>
    %swap3A_304 = vector.shape_cast %mul3A_298 : vector<300xf32> to vector<1x1x300xf32>
    tpu.vector_store %arg5[%swap3A_299, %swap3A_300, %swap3A_301], %swap3A_304 {strides = array<i32>} : memref<8x4x300xf32, #tpu.memory_space<vmem>>, vector<1x1x300xf32>,
    %mul3A_305 = arith.constant 5.000000e-01 : f32
    %mul3A_306 = vector.broadcast %mul3A_305 : f32 to vector<300xf32>
    %mul3A_307 = arith.mulf %mul3A_306, %squeeze3A_292 : vector<300xf32>
    %sub3A_308 = arith.subf %squeeze3A_288, %mul3A_307 : vector<300xf32>
    %mul3A_309 = vector.broadcast %convert_element_type3A_261 : f32 to vector<300xf32>
    %mul3A_310 = arith.mulf %sub3A_308, %mul3A_309 : vector<300xf32>
    %swap3A_311 = arith.constant 2 : index
    %swap3A_312 = arith.constant 1 : index
    %swap3A_313 = arith.constant 0 : index
    %swap3A_314 = vector.load %arg5[%swap3A_311, %swap3A_312, %swap3A_313] : memref<8x4x300xf32, #tpu.memory_space<vmem>>, vector<1x1x300xf32>
    %swap3A_315 = vector.shape_cast %swap3A_314 : vector<1x1x300xf32> to vector<300xf32>
    %swap3A_316 = vector.shape_cast %mul3A_310 : vector<300xf32> to vector<1x1x300xf32>
    tpu.vector_store %arg5[%swap3A_311, %swap3A_312, %swap3A_313], %swap3A_316 {strides = array<i32>} : memref<8x4x300xf32, #tpu.memory_space<vmem>>, vector<1x1x300xf32>,
    %mul3A_317 = arith.constant 5.000000e-01 : f32
    %mul3A_318 = vector.broadcast %mul3A_317 : f32 to vector<300xf32>
    %mul3A_319 = arith.mulf %mul3A_318, %squeeze3A_290 : vector<300xf32>
    %add3A_320 = arith.addf %squeeze3A_286, %mul3A_319 : vector<300xf32>
    %mul3A_321 = vector.broadcast %convert_element_type3A_255 : f32 to vector<300xf32>
    %mul3A_322 = arith.mulf %add3A_320, %mul3A_321 : vector<300xf32>
    %swap3A_323 = arith.constant 2 : index
    %swap3A_324 = arith.constant 2 : index
    %swap3A_325 = arith.constant 0 : index
    %swap3A_326 = vector.load %arg5[%swap3A_323, %swap3A_324, %swap3A_325] : memref<8x4x300xf32, #tpu.memory_space<vmem>>, vector<1x1x300xf32>
    %swap3A_327 = vector.shape_cast %swap3A_326 : vector<1x1x300xf32> to vector<300xf32>
    %swap3A_328 = vector.shape_cast %mul3A_322 : vector<300xf32> to vector<1x1x300xf32>
    tpu.vector_store %arg5[%swap3A_323, %swap3A_324, %swap3A_325], %swap3A_328 {strides = array<i32>} : memref<8x4x300xf32, #tpu.memory_space<vmem>>, vector<1x1x300xf32>,
    %mul3A_329 = arith.constant 5.000000e-01 : f32
    %mul3A_330 = vector.broadcast %mul3A_329 : f32 to vector<300xf32>
    %mul3A_331 = arith.mulf %mul3A_330, %squeeze3A_292 : vector<300xf32>
    %add3A_332 = arith.addf %squeeze3A_288, %mul3A_331 : vector<300xf32>
    %mul3A_333 = vector.broadcast %convert_element_type3A_261 : f32 to vector<300xf32>
    %mul3A_334 = arith.mulf %add3A_332, %mul3A_333 : vector<300xf32>
    %swap3A_335 = arith.constant 2 : index
    %swap3A_336 = arith.constant 3 : index
    %swap3A_337 = arith.constant 0 : index
    %swap3A_338 = vector.load %arg5[%swap3A_335, %swap3A_336, %swap3A_337] : memref<8x4x300xf32, #tpu.memory_space<vmem>>, vector<1x1x300xf32>
    %swap3A_339 = vector.shape_cast %swap3A_338 : vector<1x1x300xf32> to vector<300xf32>
    %swap3A_340 = vector.shape_cast %mul3A_334 : vector<300xf32> to vector<1x1x300xf32>
    tpu.vector_store %arg5[%swap3A_335, %swap3A_336, %swap3A_337], %swap3A_340 {strides = array<i32>} : memref<8x4x300xf32, #tpu.memory_space<vmem>>, vector<1x1x300xf32>,
    %get3A_341 = arith.constant 3 : index
    %get3A_342 = arith.constant 0 : index
    %get3A_343 = arith.constant 0 : index
    %get3A_344 = vector.load %arg1[%get3A_341, %get3A_342, %get3A_343] : memref<8x6x384xf32, #tpu.memory_space<vmem>>, vector<1x6x384xf32>
    %get3A_345 = vector.shape_cast %get3A_344 : vector<1x6x384xf32> to vector<6x384xf32>
    %slice3A_346 = vector.extract_strided_slice %get3A_345 {offsets = [0, 0], sizes = [1, 384], strides = [1, 1]} : vector<6x384xf32> to vector<1x384xf32>
    %squeeze3A_347 = vector.shape_cast %slice3A_346 : vector<1x384xf32> to vector<384xf32>
    %broadcast_in_dim3A_348 = vector.shape_cast %squeeze3A_347 : vector<384xf32> to vector<384x1xf32>
    %broadcast_in_dim3A_349 = vector.shape_cast %squeeze3A_347 : vector<384xf32> to vector<1x384xf32>
    %gt3A_350 = vector.broadcast %broadcast_in_dim3A_349 : vector<1x384xf32> to vector<384x384xf32>
    %gt3A_351 = vector.broadcast %broadcast_in_dim3A_348 : vector<384x1xf32> to vector<384x384xf32>
    %gt3A_352 = arith.cmpf ogt, %gt3A_350, %gt3A_351 : vector<384x384xf32>
    %eq3A_353 = vector.broadcast %broadcast_in_dim3A_349 : vector<1x384xf32> to vector<384x384xf32>
    %eq3A_354 = vector.broadcast %broadcast_in_dim3A_348 : vector<384x1xf32> to vector<384x384xf32>
    %eq3A_355 = arith.cmpf oeq, %eq3A_353, %eq3A_354 : vector<384x384xf32>
    %lt3A_356 = arith.cmpi slt, %iota3A_0, %iota3A : vector<384x384xi32>
    %and3A_357 = arith.andi %eq3A_355, %lt3A_356 : vector<384x384xi1>
    %or3A_358 = arith.ori %gt3A_352, %and3A_357 : vector<384x384xi1>
    %convert_element_type3A_359 = arith.extui %or3A_358 : vector<384x384xi1> to vector<384x384xi32>
    %reduce_sum3A_360 = arith.constant dense<0> : vector<384xi32>
    %reduce_sum3A_361 = vector.multi_reduction <add>, %convert_element_type3A_359, %reduce_sum3A_360 [1] : vector<384x384xi32> to vector<384xi32>
    %broadcast_in_dim3A_362 = vector.shape_cast %reduce_sum3A_361 : vector<384xi32> to vector<384x1xi32>
    %eq3A_363 = vector.broadcast %broadcast_in_dim3A_362 : vector<384x1xi32> to vector<384x384xi32>
    %eq3A_364 = arith.cmpi eq, %eq3A_363, %iota3A_0 : vector<384x384xi32>
    %convert_element_type3A_365 = arith.extui %eq3A_364 : vector<384x384xi1> to vector<384x384xi32>
    %convert_element_type3A_366 = arith.sitofp %convert_element_type3A_365 : vector<384x384xi32> to vector<384x384xf32>
    %dot_general3A_367 = arith.constant dense<0.000000e+00> : vector<6x384xf32>
    %dot_general3A_368 = tpu.matmul %get3A_345, %convert_element_type3A_366, %dot_general3A_367 {dimension_numbers = #tpu.dot_dimension_numbers<[1], [0], [0], [1], [0, 0, 1, 1], [], []>, precision = #tpu.contract_precision<fp32>, transpose_lhs_hint = false} : vector<6x384xf32>, vector<384x384xf32>, vector<6x384xf32> -> vector<6x384xf32>
    %get3A_369 = arith.constant 3 : index
    %get3A_370 = arith.constant 0 : index
    %get3A_371 = arith.constant 0 : index
    %get3A_372 = vector.load %arg2[%get3A_369, %get3A_370, %get3A_371] : memref<8x1x2xi32, #tpu.memory_space<vmem>>, vector<1x1x1xi32>
    %get3A_373 = vector.extract %get3A_372[0, 0, 0] : i32 from vector<1x1x1xi32>
    %convert_element_type3A_374 = arith.sitofp %get3A_373 : i32 to f32
    %get3A_375 = arith.constant 3 : index
    %get3A_376 = arith.constant 0 : index
    %get3A_377 = arith.constant 1 : index
    %get3A_378 = vector.load %arg2[%get3A_375, %get3A_376, %get3A_377] : memref<8x1x2xi32, #tpu.memory_space<vmem>>, vector<1x1x1xi32>
    %get3A_379 = vector.extract %get3A_378[0, 0, 0] : i32 from vector<1x1x1xi32>
    %convert_element_type3A_380 = arith.sitofp %get3A_379 : i32 to f32
    %slice3A_381 = vector.extract_strided_slice %dot_general3A_368 {offsets = [0, 0], sizes = [1, 300], strides = [1, 1]} : vector<6x384xf32> to vector<1x300xf32>
    %squeeze3A_382 = vector.shape_cast %slice3A_381 : vector<1x300xf32> to vector<300xf32>
    %logistic3A_383 = arith.negf %squeeze3A_382 : vector<300xf32>
    %logistic3A_384 = math.exp %logistic3A_383 : vector<300xf32>
    %logistic3A_385 = arith.constant 1.000000e+00 : f32
    %logistic3A_386 = vector.broadcast %logistic3A_385 : f32 to vector<300xf32>
    %logistic3A_387 = arith.addf %logistic3A_386, %logistic3A_384 : vector<300xf32>
    %logistic3A_388 = arith.divf %logistic3A_386, %logistic3A_387 : vector<300xf32>
    %swap3A_389 = arith.constant 3 : index
    %swap3A_390 = arith.constant 0 : index
    %swap3A_391 = arith.constant 0 : index
    %swap3A_392 = vector.load %arg3[%swap3A_389, %swap3A_390, %swap3A_391] : memref<8x1x300xf32, #tpu.memory_space<vmem>>, vector<1x1x300xf32>
    %swap3A_393 = vector.shape_cast %swap3A_392 : vector<1x1x300xf32> to vector<300xf32>
    %swap3A_394 = vector.shape_cast %logistic3A_388 : vector<300xf32> to vector<1x1x300xf32>
    tpu.vector_store %arg3[%swap3A_389, %swap3A_390, %swap3A_391], %swap3A_394 {strides = array<i32>} : memref<8x1x300xf32, #tpu.memory_space<vmem>>, vector<1x1x300xf32>,
    %slice3A_395 = vector.extract_strided_slice %dot_general3A_368 {offsets = [1, 0], sizes = [1, 300], strides = [1, 1]} : vector<6x384xf32> to vector<1x300xf32>
    %squeeze3A_396 = vector.shape_cast %slice3A_395 : vector<1x300xf32> to vector<300xf32>
    %convert_element_type3A_397 = arith.fptosi %squeeze3A_396 : vector<300xf32> to vector<300xi32>
    %swap3A_398 = arith.constant 3 : index
    %swap3A_399 = arith.constant 0 : index
    %swap3A_400 = arith.constant 0 : index
    %swap3A_401 = vector.load %arg4[%swap3A_398, %swap3A_399, %swap3A_400] : memref<8x1x300xi32, #tpu.memory_space<vmem>>, vector<1x1x300xi32>
    %swap3A_402 = vector.shape_cast %swap3A_401 : vector<1x1x300xi32> to vector<300xi32>
    %swap3A_403 = vector.shape_cast %convert_element_type3A_397 : vector<300xi32> to vector<1x1x300xi32>
    tpu.vector_store %arg4[%swap3A_398, %swap3A_399, %swap3A_400], %swap3A_403 {strides = array<i32>} : memref<8x1x300xi32, #tpu.memory_space<vmem>>, vector<1x1x300xi32>,
    %slice3A_404 = vector.extract_strided_slice %dot_general3A_368 {offsets = [2, 0], sizes = [1, 300], strides = [1, 1]} : vector<6x384xf32> to vector<1x300xf32>
    %squeeze3A_405 = vector.shape_cast %slice3A_404 : vector<1x300xf32> to vector<300xf32>
    %slice3A_406 = vector.extract_strided_slice %dot_general3A_368 {offsets = [3, 0], sizes = [1, 300], strides = [1, 1]} : vector<6x384xf32> to vector<1x300xf32>
    %squeeze3A_407 = vector.shape_cast %slice3A_406 : vector<1x300xf32> to vector<300xf32>
    %slice3A_408 = vector.extract_strided_slice %dot_general3A_368 {offsets = [4, 0], sizes = [1, 300], strides = [1, 1]} : vector<6x384xf32> to vector<1x300xf32>
    %squeeze3A_409 = vector.shape_cast %slice3A_408 : vector<1x300xf32> to vector<300xf32>
    %slice3A_410 = vector.extract_strided_slice %dot_general3A_368 {offsets = [5, 0], sizes = [1, 300], strides = [1, 1]} : vector<6x384xf32> to vector<1x300xf32>
    %squeeze3A_411 = vector.shape_cast %slice3A_410 : vector<1x300xf32> to vector<300xf32>
    %mul3A_412 = arith.constant 5.000000e-01 : f32
    %mul3A_413 = vector.broadcast %mul3A_412 : f32 to vector<300xf32>
    %mul3A_414 = arith.mulf %mul3A_413, %squeeze3A_409 : vector<300xf32>
    %sub3A_415 = arith.subf %squeeze3A_405, %mul3A_414 : vector<300xf32>
    %mul3A_416 = vector.broadcast %convert_element_type3A_374 : f32 to vector<300xf32>
    %mul3A_417 = arith.mulf %sub3A_415, %mul3A_416 : vector<300xf32>
    %swap3A_418 = arith.constant 3 : index
    %swap3A_419 = arith.constant 0 : index
    %swap3A_420 = arith.constant 0 : index
    %swap3A_421 = vector.load %arg5[%swap3A_418, %swap3A_419, %swap3A_420] : memref<8x4x300xf32, #tpu.memory_space<vmem>>, vector<1x1x300xf32>
    %swap3A_422 = vector.shape_cast %swap3A_421 : vector<1x1x300xf32> to vector<300xf32>
    %swap3A_423 = vector.shape_cast %mul3A_417 : vector<300xf32> to vector<1x1x300xf32>
    tpu.vector_store %arg5[%swap3A_418, %swap3A_419, %swap3A_420], %swap3A_423 {strides = array<i32>} : memref<8x4x300xf32, #tpu.memory_space<vmem>>, vector<1x1x300xf32>,
    %mul3A_424 = arith.constant 5.000000e-01 : f32
    %mul3A_425 = vector.broadcast %mul3A_424 : f32 to vector<300xf32>
    %mul3A_426 = arith.mulf %mul3A_425, %squeeze3A_411 : vector<300xf32>
    %sub3A_427 = arith.subf %squeeze3A_407, %mul3A_426 : vector<300xf32>
    %mul3A_428 = vector.broadcast %convert_element_type3A_380 : f32 to vector<300xf32>
    %mul3A_429 = arith.mulf %sub3A_427, %mul3A_428 : vector<300xf32>
    %swap3A_430 = arith.constant 3 : index
    %swap3A_431 = arith.constant 1 : index
    %swap3A_432 = arith.constant 0 : index
    %swap3A_433 = vector.load %arg5[%swap3A_430, %swap3A_431, %swap3A_432] : memref<8x4x300xf32, #tpu.memory_space<vmem>>, vector<1x1x300xf32>
    %swap3A_434 = vector.shape_cast %swap3A_433 : vector<1x1x300xf32> to vector<300xf32>
    %swap3A_435 = vector.shape_cast %mul3A_429 : vector<300xf32> to vector<1x1x300xf32>
    tpu.vector_store %arg5[%swap3A_430, %swap3A_431, %swap3A_432], %swap3A_435 {strides = array<i32>} : memref<8x4x300xf32, #tpu.memory_space<vmem>>, vector<1x1x300xf32>,
    %mul3A_436 = arith.constant 5.000000e-01 : f32
    %mul3A_437 = vector.broadcast %mul3A_436 : f32 to vector<300xf32>
    %mul3A_438 = arith.mulf %mul3A_437, %squeeze3A_409 : vector<300xf32>
    %add3A_439 = arith.addf %squeeze3A_405, %mul3A_438 : vector<300xf32>
    %mul3A_440 = vector.broadcast %convert_element_type3A_374 : f32 to vector<300xf32>
    %mul3A_441 = arith.mulf %add3A_439, %mul3A_440 : vector<300xf32>
    %swap3A_442 = arith.constant 3 : index
    %swap3A_443 = arith.constant 2 : index
    %swap3A_444 = arith.constant 0 : index
    %swap3A_445 = vector.load %arg5[%swap3A_442, %swap3A_443, %swap3A_444] : memref<8x4x300xf32, #tpu.memory_space<vmem>>, vector<1x1x300xf32>
    %swap3A_446 = vector.shape_cast %swap3A_445 : vector<1x1x300xf32> to vector<300xf32>
    %swap3A_447 = vector.shape_cast %mul3A_441 : vector<300xf32> to vector<1x1x300xf32>
    tpu.vector_store %arg5[%swap3A_442, %swap3A_443, %swap3A_444], %swap3A_447 {strides = array<i32>} : memref<8x4x300xf32, #tpu.memory_space<vmem>>, vector<1x1x300xf32>,
    %mul3A_448 = arith.constant 5.000000e-01 : f32
    %mul3A_449 = vector.broadcast %mul3A_448 : f32 to vector<300xf32>
    %mul3A_450 = arith.mulf %mul3A_449, %squeeze3A_411 : vector<300xf32>
    %add3A_451 = arith.addf %squeeze3A_407, %mul3A_450 : vector<300xf32>
    %mul3A_452 = vector.broadcast %convert_element_type3A_380 : f32 to vector<300xf32>
    %mul3A_453 = arith.mulf %add3A_451, %mul3A_452 : vector<300xf32>
    %swap3A_454 = arith.constant 3 : index
    %swap3A_455 = arith.constant 3 : index
    %swap3A_456 = arith.constant 0 : index
    %swap3A_457 = vector.load %arg5[%swap3A_454, %swap3A_455, %swap3A_456] : memref<8x4x300xf32, #tpu.memory_space<vmem>>, vector<1x1x300xf32>
    %swap3A_458 = vector.shape_cast %swap3A_457 : vector<1x1x300xf32> to vector<300xf32>
    %swap3A_459 = vector.shape_cast %mul3A_453 : vector<300xf32> to vector<1x1x300xf32>
    tpu.vector_store %arg5[%swap3A_454, %swap3A_455, %swap3A_456], %swap3A_459 {strides = array<i32>} : memref<8x4x300xf32, #tpu.memory_space<vmem>>, vector<1x1x300xf32>,
    %get3A_460 = arith.constant 4 : index
    %get3A_461 = arith.constant 0 : index
    %get3A_462 = arith.constant 0 : index
    %get3A_463 = vector.load %arg1[%get3A_460, %get3A_461, %get3A_462] : memref<8x6x384xf32, #tpu.memory_space<vmem>>, vector<1x6x384xf32>
    %get3A_464 = vector.shape_cast %get3A_463 : vector<1x6x384xf32> to vector<6x384xf32>
    %slice3A_465 = vector.extract_strided_slice %get3A_464 {offsets = [0, 0], sizes = [1, 384], strides = [1, 1]} : vector<6x384xf32> to vector<1x384xf32>
    %squeeze3A_466 = vector.shape_cast %slice3A_465 : vector<1x384xf32> to vector<384xf32>
    %broadcast_in_dim3A_467 = vector.shape_cast %squeeze3A_466 : vector<384xf32> to vector<384x1xf32>
    %broadcast_in_dim3A_468 = vector.shape_cast %squeeze3A_466 : vector<384xf32> to vector<1x384xf32>
    %gt3A_469 = vector.broadcast %broadcast_in_dim3A_468 : vector<1x384xf32> to vector<384x384xf32>
    %gt3A_470 = vector.broadcast %broadcast_in_dim3A_467 : vector<384x1xf32> to vector<384x384xf32>
    %gt3A_471 = arith.cmpf ogt, %gt3A_469, %gt3A_470 : vector<384x384xf32>
    %eq3A_472 = vector.broadcast %broadcast_in_dim3A_468 : vector<1x384xf32> to vector<384x384xf32>
    %eq3A_473 = vector.broadcast %broadcast_in_dim3A_467 : vector<384x1xf32> to vector<384x384xf32>
    %eq3A_474 = arith.cmpf oeq, %eq3A_472, %eq3A_473 : vector<384x384xf32>
    %lt3A_475 = arith.cmpi slt, %iota3A_0, %iota3A : vector<384x384xi32>
    %and3A_476 = arith.andi %eq3A_474, %lt3A_475 : vector<384x384xi1>
    %or3A_477 = arith.ori %gt3A_471, %and3A_476 : vector<384x384xi1>
    %convert_element_type3A_478 = arith.extui %or3A_477 : vector<384x384xi1> to vector<384x384xi32>
    %reduce_sum3A_479 = arith.constant dense<0> : vector<384xi32>
    %reduce_sum3A_480 = vector.multi_reduction <add>, %convert_element_type3A_478, %reduce_sum3A_479 [1] : vector<384x384xi32> to vector<384xi32>
    %broadcast_in_dim3A_481 = vector.shape_cast %reduce_sum3A_480 : vector<384xi32> to vector<384x1xi32>
    %eq3A_482 = vector.broadcast %broadcast_in_dim3A_481 : vector<384x1xi32> to vector<384x384xi32>
    %eq3A_483 = arith.cmpi eq, %eq3A_482, %iota3A_0 : vector<384x384xi32>
    %convert_element_type3A_484 = arith.extui %eq3A_483 : vector<384x384xi1> to vector<384x384xi32>
    %convert_element_type3A_485 = arith.sitofp %convert_element_type3A_484 : vector<384x384xi32> to vector<384x384xf32>
    %dot_general3A_486 = arith.constant dense<0.000000e+00> : vector<6x384xf32>
    %dot_general3A_487 = tpu.matmul %get3A_464, %convert_element_type3A_485, %dot_general3A_486 {dimension_numbers = #tpu.dot_dimension_numbers<[1], [0], [0], [1], [0, 0, 1, 1], [], []>, precision = #tpu.contract_precision<fp32>, transpose_lhs_hint = false} : vector<6x384xf32>, vector<384x384xf32>, vector<6x384xf32> -> vector<6x384xf32>
    %get3A_488 = arith.constant 4 : index
    %get3A_489 = arith.constant 0 : index
    %get3A_490 = arith.constant 0 : index
    %get3A_491 = vector.load %arg2[%get3A_488, %get3A_489, %get3A_490] : memref<8x1x2xi32, #tpu.memory_space<vmem>>, vector<1x1x1xi32>
    %get3A_492 = vector.extract %get3A_491[0, 0, 0] : i32 from vector<1x1x1xi32>
    %convert_element_type3A_493 = arith.sitofp %get3A_492 : i32 to f32
    %get3A_494 = arith.constant 4 : index
    %get3A_495 = arith.constant 0 : index
    %get3A_496 = arith.constant 1 : index
    %get3A_497 = vector.load %arg2[%get3A_494, %get3A_495, %get3A_496] : memref<8x1x2xi32, #tpu.memory_space<vmem>>, vector<1x1x1xi32>
    %get3A_498 = vector.extract %get3A_497[0, 0, 0] : i32 from vector<1x1x1xi32>
    %convert_element_type3A_499 = arith.sitofp %get3A_498 : i32 to f32
    %slice3A_500 = vector.extract_strided_slice %dot_general3A_487 {offsets = [0, 0], sizes = [1, 300], strides = [1, 1]} : vector<6x384xf32> to vector<1x300xf32>
    %squeeze3A_501 = vector.shape_cast %slice3A_500 : vector<1x300xf32> to vector<300xf32>
    %logistic3A_502 = arith.negf %squeeze3A_501 : vector<300xf32>
    %logistic3A_503 = math.exp %logistic3A_502 : vector<300xf32>
    %logistic3A_504 = arith.constant 1.000000e+00 : f32
    %logistic3A_505 = vector.broadcast %logistic3A_504 : f32 to vector<300xf32>
    %logistic3A_506 = arith.addf %logistic3A_505, %logistic3A_503 : vector<300xf32>
    %logistic3A_507 = arith.divf %logistic3A_505, %logistic3A_506 : vector<300xf32>
    %swap3A_508 = arith.constant 4 : index
    %swap3A_509 = arith.constant 0 : index
    %swap3A_510 = arith.constant 0 : index
    %swap3A_511 = vector.load %arg3[%swap3A_508, %swap3A_509, %swap3A_510] : memref<8x1x300xf32, #tpu.memory_space<vmem>>, vector<1x1x300xf32>
    %swap3A_512 = vector.shape_cast %swap3A_511 : vector<1x1x300xf32> to vector<300xf32>
    %swap3A_513 = vector.shape_cast %logistic3A_507 : vector<300xf32> to vector<1x1x300xf32>
    tpu.vector_store %arg3[%swap3A_508, %swap3A_509, %swap3A_510], %swap3A_513 {strides = array<i32>} : memref<8x1x300xf32, #tpu.memory_space<vmem>>, vector<1x1x300xf32>,
    %slice3A_514 = vector.extract_strided_slice %dot_general3A_487 {offsets = [1, 0], sizes = [1, 300], strides = [1, 1]} : vector<6x384xf32> to vector<1x300xf32>
    %squeeze3A_515 = vector.shape_cast %slice3A_514 : vector<1x300xf32> to vector<300xf32>
    %convert_element_type3A_516 = arith.fptosi %squeeze3A_515 : vector<300xf32> to vector<300xi32>
    %swap3A_517 = arith.constant 4 : index
    %swap3A_518 = arith.constant 0 : index
    %swap3A_519 = arith.constant 0 : index
    %swap3A_520 = vector.load %arg4[%swap3A_517, %swap3A_518, %swap3A_519] : memref<8x1x300xi32, #tpu.memory_space<vmem>>, vector<1x1x300xi32>
    %swap3A_521 = vector.shape_cast %swap3A_520 : vector<1x1x300xi32> to vector<300xi32>
    %swap3A_522 = vector.shape_cast %convert_element_type3A_516 : vector<300xi32> to vector<1x1x300xi32>
    tpu.vector_store %arg4[%swap3A_517, %swap3A_518, %swap3A_519], %swap3A_522 {strides = array<i32>} : memref<8x1x300xi32, #tpu.memory_space<vmem>>, vector<1x1x300xi32>,
    %slice3A_523 = vector.extract_strided_slice %dot_general3A_487 {offsets = [2, 0], sizes = [1, 300], strides = [1, 1]} : vector<6x384xf32> to vector<1x300xf32>
    %squeeze3A_524 = vector.shape_cast %slice3A_523 : vector<1x300xf32> to vector<300xf32>
    %slice3A_525 = vector.extract_strided_slice %dot_general3A_487 {offsets = [3, 0], sizes = [1, 300], strides = [1, 1]} : vector<6x384xf32> to vector<1x300xf32>
    %squeeze3A_526 = vector.shape_cast %slice3A_525 : vector<1x300xf32> to vector<300xf32>
    %slice3A_527 = vector.extract_strided_slice %dot_general3A_487 {offsets = [4, 0], sizes = [1, 300], strides = [1, 1]} : vector<6x384xf32> to vector<1x300xf32>
    %squeeze3A_528 = vector.shape_cast %slice3A_527 : vector<1x300xf32> to vector<300xf32>
    %slice3A_529 = vector.extract_strided_slice %dot_general3A_487 {offsets = [5, 0], sizes = [1, 300], strides = [1, 1]} : vector<6x384xf32> to vector<1x300xf32>
    %squeeze3A_530 = vector.shape_cast %slice3A_529 : vector<1x300xf32> to vector<300xf32>
    %mul3A_531 = arith.constant 5.000000e-01 : f32
    %mul3A_532 = vector.broadcast %mul3A_531 : f32 to vector<300xf32>
    %mul3A_533 = arith.mulf %mul3A_532, %squeeze3A_528 : vector<300xf32>
    %sub3A_534 = arith.subf %squeeze3A_524, %mul3A_533 : vector<300xf32>
    %mul3A_535 = vector.broadcast %convert_element_type3A_493 : f32 to vector<300xf32>
    %mul3A_536 = arith.mulf %sub3A_534, %mul3A_535 : vector<300xf32>
    %swap3A_537 = arith.constant 4 : index
    %swap3A_538 = arith.constant 0 : index
    %swap3A_539 = arith.constant 0 : index
    %swap3A_540 = vector.load %arg5[%swap3A_537, %swap3A_538, %swap3A_539] : memref<8x4x300xf32, #tpu.memory_space<vmem>>, vector<1x1x300xf32>
    %swap3A_541 = vector.shape_cast %swap3A_540 : vector<1x1x300xf32> to vector<300xf32>
    %swap3A_542 = vector.shape_cast %mul3A_536 : vector<300xf32> to vector<1x1x300xf32>
    tpu.vector_store %arg5[%swap3A_537, %swap3A_538, %swap3A_539], %swap3A_542 {strides = array<i32>} : memref<8x4x300xf32, #tpu.memory_space<vmem>>, vector<1x1x300xf32>,
    %mul3A_543 = arith.constant 5.000000e-01 : f32
    %mul3A_544 = vector.broadcast %mul3A_543 : f32 to vector<300xf32>
    %mul3A_545 = arith.mulf %mul3A_544, %squeeze3A_530 : vector<300xf32>
    %sub3A_546 = arith.subf %squeeze3A_526, %mul3A_545 : vector<300xf32>
    %mul3A_547 = vector.broadcast %convert_element_type3A_499 : f32 to vector<300xf32>
    %mul3A_548 = arith.mulf %sub3A_546, %mul3A_547 : vector<300xf32>
    %swap3A_549 = arith.constant 4 : index
    %swap3A_550 = arith.constant 1 : index
    %swap3A_551 = arith.constant 0 : index
    %swap3A_552 = vector.load %arg5[%swap3A_549, %swap3A_550, %swap3A_551] : memref<8x4x300xf32, #tpu.memory_space<vmem>>, vector<1x1x300xf32>
    %swap3A_553 = vector.shape_cast %swap3A_552 : vector<1x1x300xf32> to vector<300xf32>
    %swap3A_554 = vector.shape_cast %mul3A_548 : vector<300xf32> to vector<1x1x300xf32>
    tpu.vector_store %arg5[%swap3A_549, %swap3A_550, %swap3A_551], %swap3A_554 {strides = array<i32>} : memref<8x4x300xf32, #tpu.memory_space<vmem>>, vector<1x1x300xf32>,
    %mul3A_555 = arith.constant 5.000000e-01 : f32
    %mul3A_556 = vector.broadcast %mul3A_555 : f32 to vector<300xf32>
    %mul3A_557 = arith.mulf %mul3A_556, %squeeze3A_528 : vector<300xf32>
    %add3A_558 = arith.addf %squeeze3A_524, %mul3A_557 : vector<300xf32>
    %mul3A_559 = vector.broadcast %convert_element_type3A_493 : f32 to vector<300xf32>
    %mul3A_560 = arith.mulf %add3A_558, %mul3A_559 : vector<300xf32>
    %swap3A_561 = arith.constant 4 : index
    %swap3A_562 = arith.constant 2 : index
    %swap3A_563 = arith.constant 0 : index
    %swap3A_564 = vector.load %arg5[%swap3A_561, %swap3A_562, %swap3A_563] : memref<8x4x300xf32, #tpu.memory_space<vmem>>, vector<1x1x300xf32>
    %swap3A_565 = vector.shape_cast %swap3A_564 : vector<1x1x300xf32> to vector<300xf32>
    %swap3A_566 = vector.shape_cast %mul3A_560 : vector<300xf32> to vector<1x1x300xf32>
    tpu.vector_store %arg5[%swap3A_561, %swap3A_562, %swap3A_563], %swap3A_566 {strides = array<i32>} : memref<8x4x300xf32, #tpu.memory_space<vmem>>, vector<1x1x300xf32>,
    %mul3A_567 = arith.constant 5.000000e-01 : f32
    %mul3A_568 = vector.broadcast %mul3A_567 : f32 to vector<300xf32>
    %mul3A_569 = arith.mulf %mul3A_568, %squeeze3A_530 : vector<300xf32>
    %add3A_570 = arith.addf %squeeze3A_526, %mul3A_569 : vector<300xf32>
    %mul3A_571 = vector.broadcast %convert_element_type3A_499 : f32 to vector<300xf32>
    %mul3A_572 = arith.mulf %add3A_570, %mul3A_571 : vector<300xf32>
    %swap3A_573 = arith.constant 4 : index
    %swap3A_574 = arith.constant 3 : index
    %swap3A_575 = arith.constant 0 : index
    %swap3A_576 = vector.load %arg5[%swap3A_573, %swap3A_574, %swap3A_575] : memref<8x4x300xf32, #tpu.memory_space<vmem>>, vector<1x1x300xf32>
    %swap3A_577 = vector.shape_cast %swap3A_576 : vector<1x1x300xf32> to vector<300xf32>
    %swap3A_578 = vector.shape_cast %mul3A_572 : vector<300xf32> to vector<1x1x300xf32>
    tpu.vector_store %arg5[%swap3A_573, %swap3A_574, %swap3A_575], %swap3A_578 {strides = array<i32>} : memref<8x4x300xf32, #tpu.memory_space<vmem>>, vector<1x1x300xf32>,
    %get3A_579 = arith.constant 5 : index
    %get3A_580 = arith.constant 0 : index
    %get3A_581 = arith.constant 0 : index
    %get3A_582 = vector.load %arg1[%get3A_579, %get3A_580, %get3A_581] : memref<8x6x384xf32, #tpu.memory_space<vmem>>, vector<1x6x384xf32>
    %get3A_583 = vector.shape_cast %get3A_582 : vector<1x6x384xf32> to vector<6x384xf32>
    %slice3A_584 = vector.extract_strided_slice %get3A_583 {offsets = [0, 0], sizes = [1, 384], strides = [1, 1]} : vector<6x384xf32> to vector<1x384xf32>
    %squeeze3A_585 = vector.shape_cast %slice3A_584 : vector<1x384xf32> to vector<384xf32>
    %broadcast_in_dim3A_586 = vector.shape_cast %squeeze3A_585 : vector<384xf32> to vector<384x1xf32>
    %broadcast_in_dim3A_587 = vector.shape_cast %squeeze3A_585 : vector<384xf32> to vector<1x384xf32>
    %gt3A_588 = vector.broadcast %broadcast_in_dim3A_587 : vector<1x384xf32> to vector<384x384xf32>
    %gt3A_589 = vector.broadcast %broadcast_in_dim3A_586 : vector<384x1xf32> to vector<384x384xf32>
    %gt3A_590 = arith.cmpf ogt, %gt3A_588, %gt3A_589 : vector<384x384xf32>
    %eq3A_591 = vector.broadcast %broadcast_in_dim3A_587 : vector<1x384xf32> to vector<384x384xf32>
    %eq3A_592 = vector.broadcast %broadcast_in_dim3A_586 : vector<384x1xf32> to vector<384x384xf32>
    %eq3A_593 = arith.cmpf oeq, %eq3A_591, %eq3A_592 : vector<384x384xf32>
    %lt3A_594 = arith.cmpi slt, %iota3A_0, %iota3A : vector<384x384xi32>
    %and3A_595 = arith.andi %eq3A_593, %lt3A_594 : vector<384x384xi1>
    %or3A_596 = arith.ori %gt3A_590, %and3A_595 : vector<384x384xi1>
    %convert_element_type3A_597 = arith.extui %or3A_596 : vector<384x384xi1> to vector<384x384xi32>
    %reduce_sum3A_598 = arith.constant dense<0> : vector<384xi32>
    %reduce_sum3A_599 = vector.multi_reduction <add>, %convert_element_type3A_597, %reduce_sum3A_598 [1] : vector<384x384xi32> to vector<384xi32>
    %broadcast_in_dim3A_600 = vector.shape_cast %reduce_sum3A_599 : vector<384xi32> to vector<384x1xi32>
    %eq3A_601 = vector.broadcast %broadcast_in_dim3A_600 : vector<384x1xi32> to vector<384x384xi32>
    %eq3A_602 = arith.cmpi eq, %eq3A_601, %iota3A_0 : vector<384x384xi32>
    %convert_element_type3A_603 = arith.extui %eq3A_602 : vector<384x384xi1> to vector<384x384xi32>
    %convert_element_type3A_604 = arith.sitofp %convert_element_type3A_603 : vector<384x384xi32> to vector<384x384xf32>
    %dot_general3A_605 = arith.constant dense<0.000000e+00> : vector<6x384xf32>
    %dot_general3A_606 = tpu.matmul %get3A_583, %convert_element_type3A_604, %dot_general3A_605 {dimension_numbers = #tpu.dot_dimension_numbers<[1], [0], [0], [1], [0, 0, 1, 1], [], []>, precision = #tpu.contract_precision<fp32>, transpose_lhs_hint = false} : vector<6x384xf32>, vector<384x384xf32>, vector<6x384xf32> -> vector<6x384xf32>
    %get3A_607 = arith.constant 5 : index
    %get3A_608 = arith.constant 0 : index
    %get3A_609 = arith.constant 0 : index
    %get3A_610 = vector.load %arg2[%get3A_607, %get3A_608, %get3A_609] : memref<8x1x2xi32, #tpu.memory_space<vmem>>, vector<1x1x1xi32>
    %get3A_611 = vector.extract %get3A_610[0, 0, 0] : i32 from vector<1x1x1xi32>
    %convert_element_type3A_612 = arith.sitofp %get3A_611 : i32 to f32
    %get3A_613 = arith.constant 5 : index
    %get3A_614 = arith.constant 0 : index
    %get3A_615 = arith.constant 1 : index
    %get3A_616 = vector.load %arg2[%get3A_613, %get3A_614, %get3A_615] : memref<8x1x2xi32, #tpu.memory_space<vmem>>, vector<1x1x1xi32>
    %get3A_617 = vector.extract %get3A_616[0, 0, 0] : i32 from vector<1x1x1xi32>
    %convert_element_type3A_618 = arith.sitofp %get3A_617 : i32 to f32
    %slice3A_619 = vector.extract_strided_slice %dot_general3A_606 {offsets = [0, 0], sizes = [1, 300], strides = [1, 1]} : vector<6x384xf32> to vector<1x300xf32>
    %squeeze3A_620 = vector.shape_cast %slice3A_619 : vector<1x300xf32> to vector<300xf32>
    %logistic3A_621 = arith.negf %squeeze3A_620 : vector<300xf32>
    %logistic3A_622 = math.exp %logistic3A_621 : vector<300xf32>
    %logistic3A_623 = arith.constant 1.000000e+00 : f32
    %logistic3A_624 = vector.broadcast %logistic3A_623 : f32 to vector<300xf32>
    %logistic3A_625 = arith.addf %logistic3A_624, %logistic3A_622 : vector<300xf32>
    %logistic3A_626 = arith.divf %logistic3A_624, %logistic3A_625 : vector<300xf32>
    %swap3A_627 = arith.constant 5 : index
    %swap3A_628 = arith.constant 0 : index
    %swap3A_629 = arith.constant 0 : index
    %swap3A_630 = vector.load %arg3[%swap3A_627, %swap3A_628, %swap3A_629] : memref<8x1x300xf32, #tpu.memory_space<vmem>>, vector<1x1x300xf32>
    %swap3A_631 = vector.shape_cast %swap3A_630 : vector<1x1x300xf32> to vector<300xf32>
    %swap3A_632 = vector.shape_cast %logistic3A_626 : vector<300xf32> to vector<1x1x300xf32>
    tpu.vector_store %arg3[%swap3A_627, %swap3A_628, %swap3A_629], %swap3A_632 {strides = array<i32>} : memref<8x1x300xf32, #tpu.memory_space<vmem>>, vector<1x1x300xf32>,
    %slice3A_633 = vector.extract_strided_slice %dot_general3A_606 {offsets = [1, 0], sizes = [1, 300], strides = [1, 1]} : vector<6x384xf32> to vector<1x300xf32>
    %squeeze3A_634 = vector.shape_cast %slice3A_633 : vector<1x300xf32> to vector<300xf32>
    %convert_element_type3A_635 = arith.fptosi %squeeze3A_634 : vector<300xf32> to vector<300xi32>
    %swap3A_636 = arith.constant 5 : index
    %swap3A_637 = arith.constant 0 : index
    %swap3A_638 = arith.constant 0 : index
    %swap3A_639 = vector.load %arg4[%swap3A_636, %swap3A_637, %swap3A_638] : memref<8x1x300xi32, #tpu.memory_space<vmem>>, vector<1x1x300xi32>
    %swap3A_640 = vector.shape_cast %swap3A_639 : vector<1x1x300xi32> to vector<300xi32>
    %swap3A_641 = vector.shape_cast %convert_element_type3A_635 : vector<300xi32> to vector<1x1x300xi32>
    tpu.vector_store %arg4[%swap3A_636, %swap3A_637, %swap3A_638], %swap3A_641 {strides = array<i32>} : memref<8x1x300xi32, #tpu.memory_space<vmem>>, vector<1x1x300xi32>,
    %slice3A_642 = vector.extract_strided_slice %dot_general3A_606 {offsets = [2, 0], sizes = [1, 300], strides = [1, 1]} : vector<6x384xf32> to vector<1x300xf32>
    %squeeze3A_643 = vector.shape_cast %slice3A_642 : vector<1x300xf32> to vector<300xf32>
    %slice3A_644 = vector.extract_strided_slice %dot_general3A_606 {offsets = [3, 0], sizes = [1, 300], strides = [1, 1]} : vector<6x384xf32> to vector<1x300xf32>
    %squeeze3A_645 = vector.shape_cast %slice3A_644 : vector<1x300xf32> to vector<300xf32>
    %slice3A_646 = vector.extract_strided_slice %dot_general3A_606 {offsets = [4, 0], sizes = [1, 300], strides = [1, 1]} : vector<6x384xf32> to vector<1x300xf32>
    %squeeze3A_647 = vector.shape_cast %slice3A_646 : vector<1x300xf32> to vector<300xf32>
    %slice3A_648 = vector.extract_strided_slice %dot_general3A_606 {offsets = [5, 0], sizes = [1, 300], strides = [1, 1]} : vector<6x384xf32> to vector<1x300xf32>
    %squeeze3A_649 = vector.shape_cast %slice3A_648 : vector<1x300xf32> to vector<300xf32>
    %mul3A_650 = arith.constant 5.000000e-01 : f32
    %mul3A_651 = vector.broadcast %mul3A_650 : f32 to vector<300xf32>
    %mul3A_652 = arith.mulf %mul3A_651, %squeeze3A_647 : vector<300xf32>
    %sub3A_653 = arith.subf %squeeze3A_643, %mul3A_652 : vector<300xf32>
    %mul3A_654 = vector.broadcast %convert_element_type3A_612 : f32 to vector<300xf32>
    %mul3A_655 = arith.mulf %sub3A_653, %mul3A_654 : vector<300xf32>
    %swap3A_656 = arith.constant 5 : index
    %swap3A_657 = arith.constant 0 : index
    %swap3A_658 = arith.constant 0 : index
    %swap3A_659 = vector.load %arg5[%swap3A_656, %swap3A_657, %swap3A_658] : memref<8x4x300xf32, #tpu.memory_space<vmem>>, vector<1x1x300xf32>
    %swap3A_660 = vector.shape_cast %swap3A_659 : vector<1x1x300xf32> to vector<300xf32>
    %swap3A_661 = vector.shape_cast %mul3A_655 : vector<300xf32> to vector<1x1x300xf32>
    tpu.vector_store %arg5[%swap3A_656, %swap3A_657, %swap3A_658], %swap3A_661 {strides = array<i32>} : memref<8x4x300xf32, #tpu.memory_space<vmem>>, vector<1x1x300xf32>,
    %mul3A_662 = arith.constant 5.000000e-01 : f32
    %mul3A_663 = vector.broadcast %mul3A_662 : f32 to vector<300xf32>
    %mul3A_664 = arith.mulf %mul3A_663, %squeeze3A_649 : vector<300xf32>
    %sub3A_665 = arith.subf %squeeze3A_645, %mul3A_664 : vector<300xf32>
    %mul3A_666 = vector.broadcast %convert_element_type3A_618 : f32 to vector<300xf32>
    %mul3A_667 = arith.mulf %sub3A_665, %mul3A_666 : vector<300xf32>
    %swap3A_668 = arith.constant 5 : index
    %swap3A_669 = arith.constant 1 : index
    %swap3A_670 = arith.constant 0 : index
    %swap3A_671 = vector.load %arg5[%swap3A_668, %swap3A_669, %swap3A_670] : memref<8x4x300xf32, #tpu.memory_space<vmem>>, vector<1x1x300xf32>
    %swap3A_672 = vector.shape_cast %swap3A_671 : vector<1x1x300xf32> to vector<300xf32>
    %swap3A_673 = vector.shape_cast %mul3A_667 : vector<300xf32> to vector<1x1x300xf32>
    tpu.vector_store %arg5[%swap3A_668, %swap3A_669, %swap3A_670], %swap3A_673 {strides = array<i32>} : memref<8x4x300xf32, #tpu.memory_space<vmem>>, vector<1x1x300xf32>,
    %mul3A_674 = arith.constant 5.000000e-01 : f32
    %mul3A_675 = vector.broadcast %mul3A_674 : f32 to vector<300xf32>
    %mul3A_676 = arith.mulf %mul3A_675, %squeeze3A_647 : vector<300xf32>
    %add3A_677 = arith.addf %squeeze3A_643, %mul3A_676 : vector<300xf32>
    %mul3A_678 = vector.broadcast %convert_element_type3A_612 : f32 to vector<300xf32>
    %mul3A_679 = arith.mulf %add3A_677, %mul3A_678 : vector<300xf32>
    %swap3A_680 = arith.constant 5 : index
    %swap3A_681 = arith.constant 2 : index
    %swap3A_682 = arith.constant 0 : index
    %swap3A_683 = vector.load %arg5[%swap3A_680, %swap3A_681, %swap3A_682] : memref<8x4x300xf32, #tpu.memory_space<vmem>>, vector<1x1x300xf32>
    %swap3A_684 = vector.shape_cast %swap3A_683 : vector<1x1x300xf32> to vector<300xf32>
    %swap3A_685 = vector.shape_cast %mul3A_679 : vector<300xf32> to vector<1x1x300xf32>
    tpu.vector_store %arg5[%swap3A_680, %swap3A_681, %swap3A_682], %swap3A_685 {strides = array<i32>} : memref<8x4x300xf32, #tpu.memory_space<vmem>>, vector<1x1x300xf32>,
    %mul3A_686 = arith.constant 5.000000e-01 : f32
    %mul3A_687 = vector.broadcast %mul3A_686 : f32 to vector<300xf32>
    %mul3A_688 = arith.mulf %mul3A_687, %squeeze3A_649 : vector<300xf32>
    %add3A_689 = arith.addf %squeeze3A_645, %mul3A_688 : vector<300xf32>
    %mul3A_690 = vector.broadcast %convert_element_type3A_618 : f32 to vector<300xf32>
    %mul3A_691 = arith.mulf %add3A_689, %mul3A_690 : vector<300xf32>
    %swap3A_692 = arith.constant 5 : index
    %swap3A_693 = arith.constant 3 : index
    %swap3A_694 = arith.constant 0 : index
    %swap3A_695 = vector.load %arg5[%swap3A_692, %swap3A_693, %swap3A_694] : memref<8x4x300xf32, #tpu.memory_space<vmem>>, vector<1x1x300xf32>
    %swap3A_696 = vector.shape_cast %swap3A_695 : vector<1x1x300xf32> to vector<300xf32>
    %swap3A_697 = vector.shape_cast %mul3A_691 : vector<300xf32> to vector<1x1x300xf32>
    tpu.vector_store %arg5[%swap3A_692, %swap3A_693, %swap3A_694], %swap3A_697 {strides = array<i32>} : memref<8x4x300xf32, #tpu.memory_space<vmem>>, vector<1x1x300xf32>,
    %get3A_698 = arith.constant 6 : index
    %get3A_699 = arith.constant 0 : index
    %get3A_700 = arith.constant 0 : index
    %get3A_701 = vector.load %arg1[%get3A_698, %get3A_699, %get3A_700] : memref<8x6x384xf32, #tpu.memory_space<vmem>>, vector<1x6x384xf32>
    %get3A_702 = vector.shape_cast %get3A_701 : vector<1x6x384xf32> to vector<6x384xf32>
    %slice3A_703 = vector.extract_strided_slice %get3A_702 {offsets = [0, 0], sizes = [1, 384], strides = [1, 1]} : vector<6x384xf32> to vector<1x384xf32>
    %squeeze3A_704 = vector.shape_cast %slice3A_703 : vector<1x384xf32> to vector<384xf32>
    %broadcast_in_dim3A_705 = vector.shape_cast %squeeze3A_704 : vector<384xf32> to vector<384x1xf32>
    %broadcast_in_dim3A_706 = vector.shape_cast %squeeze3A_704 : vector<384xf32> to vector<1x384xf32>
    %gt3A_707 = vector.broadcast %broadcast_in_dim3A_706 : vector<1x384xf32> to vector<384x384xf32>
    %gt3A_708 = vector.broadcast %broadcast_in_dim3A_705 : vector<384x1xf32> to vector<384x384xf32>
    %gt3A_709 = arith.cmpf ogt, %gt3A_707, %gt3A_708 : vector<384x384xf32>
    %eq3A_710 = vector.broadcast %broadcast_in_dim3A_706 : vector<1x384xf32> to vector<384x384xf32>
    %eq3A_711 = vector.broadcast %broadcast_in_dim3A_705 : vector<384x1xf32> to vector<384x384xf32>
    %eq3A_712 = arith.cmpf oeq, %eq3A_710, %eq3A_711 : vector<384x384xf32>
    %lt3A_713 = arith.cmpi slt, %iota3A_0, %iota3A : vector<384x384xi32>
    %and3A_714 = arith.andi %eq3A_712, %lt3A_713 : vector<384x384xi1>
    %or3A_715 = arith.ori %gt3A_709, %and3A_714 : vector<384x384xi1>
    %convert_element_type3A_716 = arith.extui %or3A_715 : vector<384x384xi1> to vector<384x384xi32>
    %reduce_sum3A_717 = arith.constant dense<0> : vector<384xi32>
    %reduce_sum3A_718 = vector.multi_reduction <add>, %convert_element_type3A_716, %reduce_sum3A_717 [1] : vector<384x384xi32> to vector<384xi32>
    %broadcast_in_dim3A_719 = vector.shape_cast %reduce_sum3A_718 : vector<384xi32> to vector<384x1xi32>
    %eq3A_720 = vector.broadcast %broadcast_in_dim3A_719 : vector<384x1xi32> to vector<384x384xi32>
    %eq3A_721 = arith.cmpi eq, %eq3A_720, %iota3A_0 : vector<384x384xi32>
    %convert_element_type3A_722 = arith.extui %eq3A_721 : vector<384x384xi1> to vector<384x384xi32>
    %convert_element_type3A_723 = arith.sitofp %convert_element_type3A_722 : vector<384x384xi32> to vector<384x384xf32>
    %dot_general3A_724 = arith.constant dense<0.000000e+00> : vector<6x384xf32>
    %dot_general3A_725 = tpu.matmul %get3A_702, %convert_element_type3A_723, %dot_general3A_724 {dimension_numbers = #tpu.dot_dimension_numbers<[1], [0], [0], [1], [0, 0, 1, 1], [], []>, precision = #tpu.contract_precision<fp32>, transpose_lhs_hint = false} : vector<6x384xf32>, vector<384x384xf32>, vector<6x384xf32> -> vector<6x384xf32>
    %get3A_726 = arith.constant 6 : index
    %get3A_727 = arith.constant 0 : index
    %get3A_728 = arith.constant 0 : index
    %get3A_729 = vector.load %arg2[%get3A_726, %get3A_727, %get3A_728] : memref<8x1x2xi32, #tpu.memory_space<vmem>>, vector<1x1x1xi32>
    %get3A_730 = vector.extract %get3A_729[0, 0, 0] : i32 from vector<1x1x1xi32>
    %convert_element_type3A_731 = arith.sitofp %get3A_730 : i32 to f32
    %get3A_732 = arith.constant 6 : index
    %get3A_733 = arith.constant 0 : index
    %get3A_734 = arith.constant 1 : index
    %get3A_735 = vector.load %arg2[%get3A_732, %get3A_733, %get3A_734] : memref<8x1x2xi32, #tpu.memory_space<vmem>>, vector<1x1x1xi32>
    %get3A_736 = vector.extract %get3A_735[0, 0, 0] : i32 from vector<1x1x1xi32>
    %convert_element_type3A_737 = arith.sitofp %get3A_736 : i32 to f32
    %slice3A_738 = vector.extract_strided_slice %dot_general3A_725 {offsets = [0, 0], sizes = [1, 300], strides = [1, 1]} : vector<6x384xf32> to vector<1x300xf32>
    %squeeze3A_739 = vector.shape_cast %slice3A_738 : vector<1x300xf32> to vector<300xf32>
    %logistic3A_740 = arith.negf %squeeze3A_739 : vector<300xf32>
    %logistic3A_741 = math.exp %logistic3A_740 : vector<300xf32>
    %logistic3A_742 = arith.constant 1.000000e+00 : f32
    %logistic3A_743 = vector.broadcast %logistic3A_742 : f32 to vector<300xf32>
    %logistic3A_744 = arith.addf %logistic3A_743, %logistic3A_741 : vector<300xf32>
    %logistic3A_745 = arith.divf %logistic3A_743, %logistic3A_744 : vector<300xf32>
    %swap3A_746 = arith.constant 6 : index
    %swap3A_747 = arith.constant 0 : index
    %swap3A_748 = arith.constant 0 : index
    %swap3A_749 = vector.load %arg3[%swap3A_746, %swap3A_747, %swap3A_748] : memref<8x1x300xf32, #tpu.memory_space<vmem>>, vector<1x1x300xf32>
    %swap3A_750 = vector.shape_cast %swap3A_749 : vector<1x1x300xf32> to vector<300xf32>
    %swap3A_751 = vector.shape_cast %logistic3A_745 : vector<300xf32> to vector<1x1x300xf32>
    tpu.vector_store %arg3[%swap3A_746, %swap3A_747, %swap3A_748], %swap3A_751 {strides = array<i32>} : memref<8x1x300xf32, #tpu.memory_space<vmem>>, vector<1x1x300xf32>,
    %slice3A_752 = vector.extract_strided_slice %dot_general3A_725 {offsets = [1, 0], sizes = [1, 300], strides = [1, 1]} : vector<6x384xf32> to vector<1x300xf32>
    %squeeze3A_753 = vector.shape_cast %slice3A_752 : vector<1x300xf32> to vector<300xf32>
    %convert_element_type3A_754 = arith.fptosi %squeeze3A_753 : vector<300xf32> to vector<300xi32>
    %swap3A_755 = arith.constant 6 : index
    %swap3A_756 = arith.constant 0 : index
    %swap3A_757 = arith.constant 0 : index
    %swap3A_758 = vector.load %arg4[%swap3A_755, %swap3A_756, %swap3A_757] : memref<8x1x300xi32, #tpu.memory_space<vmem>>, vector<1x1x300xi32>
    %swap3A_759 = vector.shape_cast %swap3A_758 : vector<1x1x300xi32> to vector<300xi32>
    %swap3A_760 = vector.shape_cast %convert_element_type3A_754 : vector<300xi32> to vector<1x1x300xi32>
    tpu.vector_store %arg4[%swap3A_755, %swap3A_756, %swap3A_757], %swap3A_760 {strides = array<i32>} : memref<8x1x300xi32, #tpu.memory_space<vmem>>, vector<1x1x300xi32>,
    %slice3A_761 = vector.extract_strided_slice %dot_general3A_725 {offsets = [2, 0], sizes = [1, 300], strides = [1, 1]} : vector<6x384xf32> to vector<1x300xf32>
    %squeeze3A_762 = vector.shape_cast %slice3A_761 : vector<1x300xf32> to vector<300xf32>
    %slice3A_763 = vector.extract_strided_slice %dot_general3A_725 {offsets = [3, 0], sizes = [1, 300], strides = [1, 1]} : vector<6x384xf32> to vector<1x300xf32>
    %squeeze3A_764 = vector.shape_cast %slice3A_763 : vector<1x300xf32> to vector<300xf32>
    %slice3A_765 = vector.extract_strided_slice %dot_general3A_725 {offsets = [4, 0], sizes = [1, 300], strides = [1, 1]} : vector<6x384xf32> to vector<1x300xf32>
    %squeeze3A_766 = vector.shape_cast %slice3A_765 : vector<1x300xf32> to vector<300xf32>
    %slice3A_767 = vector.extract_strided_slice %dot_general3A_725 {offsets = [5, 0], sizes = [1, 300], strides = [1, 1]} : vector<6x384xf32> to vector<1x300xf32>
    %squeeze3A_768 = vector.shape_cast %slice3A_767 : vector<1x300xf32> to vector<300xf32>
    %mul3A_769 = arith.constant 5.000000e-01 : f32
    %mul3A_770 = vector.broadcast %mul3A_769 : f32 to vector<300xf32>
    %mul3A_771 = arith.mulf %mul3A_770, %squeeze3A_766 : vector<300xf32>
    %sub3A_772 = arith.subf %squeeze3A_762, %mul3A_771 : vector<300xf32>
    %mul3A_773 = vector.broadcast %convert_element_type3A_731 : f32 to vector<300xf32>
    %mul3A_774 = arith.mulf %sub3A_772, %mul3A_773 : vector<300xf32>
    %swap3A_775 = arith.constant 6 : index
    %swap3A_776 = arith.constant 0 : index
    %swap3A_777 = arith.constant 0 : index
    %swap3A_778 = vector.load %arg5[%swap3A_775, %swap3A_776, %swap3A_777] : memref<8x4x300xf32, #tpu.memory_space<vmem>>, vector<1x1x300xf32>
    %swap3A_779 = vector.shape_cast %swap3A_778 : vector<1x1x300xf32> to vector<300xf32>
    %swap3A_780 = vector.shape_cast %mul3A_774 : vector<300xf32> to vector<1x1x300xf32>
    tpu.vector_store %arg5[%swap3A_775, %swap3A_776, %swap3A_777], %swap3A_780 {strides = array<i32>} : memref<8x4x300xf32, #tpu.memory_space<vmem>>, vector<1x1x300xf32>,
    %mul3A_781 = arith.constant 5.000000e-01 : f32
    %mul3A_782 = vector.broadcast %mul3A_781 : f32 to vector<300xf32>
    %mul3A_783 = arith.mulf %mul3A_782, %squeeze3A_768 : vector<300xf32>
    %sub3A_784 = arith.subf %squeeze3A_764, %mul3A_783 : vector<300xf32>
    %mul3A_785 = vector.broadcast %convert_element_type3A_737 : f32 to vector<300xf32>
    %mul3A_786 = arith.mulf %sub3A_784, %mul3A_785 : vector<300xf32>
    %swap3A_787 = arith.constant 6 : index
    %swap3A_788 = arith.constant 1 : index
    %swap3A_789 = arith.constant 0 : index
    %swap3A_790 = vector.load %arg5[%swap3A_787, %swap3A_788, %swap3A_789] : memref<8x4x300xf32, #tpu.memory_space<vmem>>, vector<1x1x300xf32>
    %swap3A_791 = vector.shape_cast %swap3A_790 : vector<1x1x300xf32> to vector<300xf32>
    %swap3A_792 = vector.shape_cast %mul3A_786 : vector<300xf32> to vector<1x1x300xf32>
    tpu.vector_store %arg5[%swap3A_787, %swap3A_788, %swap3A_789], %swap3A_792 {strides = array<i32>} : memref<8x4x300xf32, #tpu.memory_space<vmem>>, vector<1x1x300xf32>,
    %mul3A_793 = arith.constant 5.000000e-01 : f32
    %mul3A_794 = vector.broadcast %mul3A_793 : f32 to vector<300xf32>
    %mul3A_795 = arith.mulf %mul3A_794, %squeeze3A_766 : vector<300xf32>
    %add3A_796 = arith.addf %squeeze3A_762, %mul3A_795 : vector<300xf32>
    %mul3A_797 = vector.broadcast %convert_element_type3A_731 : f32 to vector<300xf32>
    %mul3A_798 = arith.mulf %add3A_796, %mul3A_797 : vector<300xf32>
    %swap3A_799 = arith.constant 6 : index
    %swap3A_800 = arith.constant 2 : index
    %swap3A_801 = arith.constant 0 : index
    %swap3A_802 = vector.load %arg5[%swap3A_799, %swap3A_800, %swap3A_801] : memref<8x4x300xf32, #tpu.memory_space<vmem>>, vector<1x1x300xf32>
    %swap3A_803 = vector.shape_cast %swap3A_802 : vector<1x1x300xf32> to vector<300xf32>
    %swap3A_804 = vector.shape_cast %mul3A_798 : vector<300xf32> to vector<1x1x300xf32>
    tpu.vector_store %arg5[%swap3A_799, %swap3A_800, %swap3A_801], %swap3A_804 {strides = array<i32>} : memref<8x4x300xf32, #tpu.memory_space<vmem>>, vector<1x1x300xf32>,
    %mul3A_805 = arith.constant 5.000000e-01 : f32
    %mul3A_806 = vector.broadcast %mul3A_805 : f32 to vector<300xf32>
    %mul3A_807 = arith.mulf %mul3A_806, %squeeze3A_768 : vector<300xf32>
    %add3A_808 = arith.addf %squeeze3A_764, %mul3A_807 : vector<300xf32>
    %mul3A_809 = vector.broadcast %convert_element_type3A_737 : f32 to vector<300xf32>
    %mul3A_810 = arith.mulf %add3A_808, %mul3A_809 : vector<300xf32>
    %swap3A_811 = arith.constant 6 : index
    %swap3A_812 = arith.constant 3 : index
    %swap3A_813 = arith.constant 0 : index
    %swap3A_814 = vector.load %arg5[%swap3A_811, %swap3A_812, %swap3A_813] : memref<8x4x300xf32, #tpu.memory_space<vmem>>, vector<1x1x300xf32>
    %swap3A_815 = vector.shape_cast %swap3A_814 : vector<1x1x300xf32> to vector<300xf32>
    %swap3A_816 = vector.shape_cast %mul3A_810 : vector<300xf32> to vector<1x1x300xf32>
    tpu.vector_store %arg5[%swap3A_811, %swap3A_812, %swap3A_813], %swap3A_816 {strides = array<i32>} : memref<8x4x300xf32, #tpu.memory_space<vmem>>, vector<1x1x300xf32>,
    %get3A_817 = arith.constant 7 : index
    %get3A_818 = arith.constant 0 : index
    %get3A_819 = arith.constant 0 : index
    %get3A_820 = vector.load %arg1[%get3A_817, %get3A_818, %get3A_819] : memref<8x6x384xf32, #tpu.memory_space<vmem>>, vector<1x6x384xf32>
    %get3A_821 = vector.shape_cast %get3A_820 : vector<1x6x384xf32> to vector<6x384xf32>
    %slice3A_822 = vector.extract_strided_slice %get3A_821 {offsets = [0, 0], sizes = [1, 384], strides = [1, 1]} : vector<6x384xf32> to vector<1x384xf32>
    %squeeze3A_823 = vector.shape_cast %slice3A_822 : vector<1x384xf32> to vector<384xf32>
    %broadcast_in_dim3A_824 = vector.shape_cast %squeeze3A_823 : vector<384xf32> to vector<384x1xf32>
    %broadcast_in_dim3A_825 = vector.shape_cast %squeeze3A_823 : vector<384xf32> to vector<1x384xf32>
    %gt3A_826 = vector.broadcast %broadcast_in_dim3A_825 : vector<1x384xf32> to vector<384x384xf32>
    %gt3A_827 = vector.broadcast %broadcast_in_dim3A_824 : vector<384x1xf32> to vector<384x384xf32>
    %gt3A_828 = arith.cmpf ogt, %gt3A_826, %gt3A_827 : vector<384x384xf32>
    %eq3A_829 = vector.broadcast %broadcast_in_dim3A_825 : vector<1x384xf32> to vector<384x384xf32>
    %eq3A_830 = vector.broadcast %broadcast_in_dim3A_824 : vector<384x1xf32> to vector<384x384xf32>
    %eq3A_831 = arith.cmpf oeq, %eq3A_829, %eq3A_830 : vector<384x384xf32>
    %lt3A_832 = arith.cmpi slt, %iota3A_0, %iota3A : vector<384x384xi32>
    %and3A_833 = arith.andi %eq3A_831, %lt3A_832 : vector<384x384xi1>
    %or3A_834 = arith.ori %gt3A_828, %and3A_833 : vector<384x384xi1>
    %convert_element_type3A_835 = arith.extui %or3A_834 : vector<384x384xi1> to vector<384x384xi32>
    %reduce_sum3A_836 = arith.constant dense<0> : vector<384xi32>
    %reduce_sum3A_837 = vector.multi_reduction <add>, %convert_element_type3A_835, %reduce_sum3A_836 [1] : vector<384x384xi32> to vector<384xi32>
    %broadcast_in_dim3A_838 = vector.shape_cast %reduce_sum3A_837 : vector<384xi32> to vector<384x1xi32>
    %eq3A_839 = vector.broadcast %broadcast_in_dim3A_838 : vector<384x1xi32> to vector<384x384xi32>
    %eq3A_840 = arith.cmpi eq, %eq3A_839, %iota3A_0 : vector<384x384xi32>
    %convert_element_type3A_841 = arith.extui %eq3A_840 : vector<384x384xi1> to vector<384x384xi32>
    %convert_element_type3A_842 = arith.sitofp %convert_element_type3A_841 : vector<384x384xi32> to vector<384x384xf32>
    %dot_general3A_843 = arith.constant dense<0.000000e+00> : vector<6x384xf32>
    %dot_general3A_844 = tpu.matmul %get3A_821, %convert_element_type3A_842, %dot_general3A_843 {dimension_numbers = #tpu.dot_dimension_numbers<[1], [0], [0], [1], [0, 0, 1, 1], [], []>, precision = #tpu.contract_precision<fp32>, transpose_lhs_hint = false} : vector<6x384xf32>, vector<384x384xf32>, vector<6x384xf32> -> vector<6x384xf32>
    %get3A_845 = arith.constant 7 : index
    %get3A_846 = arith.constant 0 : index
    %get3A_847 = arith.constant 0 : index
    %get3A_848 = vector.load %arg2[%get3A_845, %get3A_846, %get3A_847] : memref<8x1x2xi32, #tpu.memory_space<vmem>>, vector<1x1x1xi32>
    %get3A_849 = vector.extract %get3A_848[0, 0, 0] : i32 from vector<1x1x1xi32>
    %convert_element_type3A_850 = arith.sitofp %get3A_849 : i32 to f32
    %get3A_851 = arith.constant 7 : index
    %get3A_852 = arith.constant 0 : index
    %get3A_853 = arith.constant 1 : index
    %get3A_854 = vector.load %arg2[%get3A_851, %get3A_852, %get3A_853] : memref<8x1x2xi32, #tpu.memory_space<vmem>>, vector<1x1x1xi32>
    %get3A_855 = vector.extract %get3A_854[0, 0, 0] : i32 from vector<1x1x1xi32>
    %convert_element_type3A_856 = arith.sitofp %get3A_855 : i32 to f32
    %slice3A_857 = vector.extract_strided_slice %dot_general3A_844 {offsets = [0, 0], sizes = [1, 300], strides = [1, 1]} : vector<6x384xf32> to vector<1x300xf32>
    %squeeze3A_858 = vector.shape_cast %slice3A_857 : vector<1x300xf32> to vector<300xf32>
    %logistic3A_859 = arith.negf %squeeze3A_858 : vector<300xf32>
    %logistic3A_860 = math.exp %logistic3A_859 : vector<300xf32>
    %logistic3A_861 = arith.constant 1.000000e+00 : f32
    %logistic3A_862 = vector.broadcast %logistic3A_861 : f32 to vector<300xf32>
    %logistic3A_863 = arith.addf %logistic3A_862, %logistic3A_860 : vector<300xf32>
    %logistic3A_864 = arith.divf %logistic3A_862, %logistic3A_863 : vector<300xf32>
    %swap3A_865 = arith.constant 7 : index
    %swap3A_866 = arith.constant 0 : index
    %swap3A_867 = arith.constant 0 : index
    %swap3A_868 = vector.load %arg3[%swap3A_865, %swap3A_866, %swap3A_867] : memref<8x1x300xf32, #tpu.memory_space<vmem>>, vector<1x1x300xf32>
    %swap3A_869 = vector.shape_cast %swap3A_868 : vector<1x1x300xf32> to vector<300xf32>
    %swap3A_870 = vector.shape_cast %logistic3A_864 : vector<300xf32> to vector<1x1x300xf32>
    tpu.vector_store %arg3[%swap3A_865, %swap3A_866, %swap3A_867], %swap3A_870 {strides = array<i32>} : memref<8x1x300xf32, #tpu.memory_space<vmem>>, vector<1x1x300xf32>,
    %slice3A_871 = vector.extract_strided_slice %dot_general3A_844 {offsets = [1, 0], sizes = [1, 300], strides = [1, 1]} : vector<6x384xf32> to vector<1x300xf32>
    %squeeze3A_872 = vector.shape_cast %slice3A_871 : vector<1x300xf32> to vector<300xf32>
    %convert_element_type3A_873 = arith.fptosi %squeeze3A_872 : vector<300xf32> to vector<300xi32>
    %swap3A_874 = arith.constant 7 : index
    %swap3A_875 = arith.constant 0 : index
    %swap3A_876 = arith.constant 0 : index
    %swap3A_877 = vector.load %arg4[%swap3A_874, %swap3A_875, %swap3A_876] : memref<8x1x300xi32, #tpu.memory_space<vmem>>, vector<1x1x300xi32>
    %swap3A_878 = vector.shape_cast %swap3A_877 : vector<1x1x300xi32> to vector<300xi32>
    %swap3A_879 = vector.shape_cast %convert_element_type3A_873 : vector<300xi32> to vector<1x1x300xi32>
    tpu.vector_store %arg4[%swap3A_874, %swap3A_875, %swap3A_876], %swap3A_879 {strides = array<i32>} : memref<8x1x300xi32, #tpu.memory_space<vmem>>, vector<1x1x300xi32>,
    %slice3A_880 = vector.extract_strided_slice %dot_general3A_844 {offsets = [2, 0], sizes = [1, 300], strides = [1, 1]} : vector<6x384xf32> to vector<1x300xf32>
    %squeeze3A_881 = vector.shape_cast %slice3A_880 : vector<1x300xf32> to vector<300xf32>
    %slice3A_882 = vector.extract_strided_slice %dot_general3A_844 {offsets = [3, 0], sizes = [1, 300], strides = [1, 1]} : vector<6x384xf32> to vector<1x300xf32>
    %squeeze3A_883 = vector.shape_cast %slice3A_882 : vector<1x300xf32> to vector<300xf32>
    %slice3A_884 = vector.extract_strided_slice %dot_general3A_844 {offsets = [4, 0], sizes = [1, 300], strides = [1, 1]} : vector<6x384xf32> to vector<1x300xf32>
    %squeeze3A_885 = vector.shape_cast %slice3A_884 : vector<1x300xf32> to vector<300xf32>
    %slice3A_886 = vector.extract_strided_slice %dot_general3A_844 {offsets = [5, 0], sizes = [1, 300], strides = [1, 1]} : vector<6x384xf32> to vector<1x300xf32>
    %squeeze3A_887 = vector.shape_cast %slice3A_886 : vector<1x300xf32> to vector<300xf32>
    %mul3A_888 = arith.constant 5.000000e-01 : f32
    %mul3A_889 = vector.broadcast %mul3A_888 : f32 to vector<300xf32>
    %mul3A_890 = arith.mulf %mul3A_889, %squeeze3A_885 : vector<300xf32>
    %sub3A_891 = arith.subf %squeeze3A_881, %mul3A_890 : vector<300xf32>
    %mul3A_892 = vector.broadcast %convert_element_type3A_850 : f32 to vector<300xf32>
    %mul3A_893 = arith.mulf %sub3A_891, %mul3A_892 : vector<300xf32>
    %swap3A_894 = arith.constant 7 : index
    %swap3A_895 = arith.constant 0 : index
    %swap3A_896 = arith.constant 0 : index
    %swap3A_897 = vector.load %arg5[%swap3A_894, %swap3A_895, %swap3A_896] : memref<8x4x300xf32, #tpu.memory_space<vmem>>, vector<1x1x300xf32>
    %swap3A_898 = vector.shape_cast %swap3A_897 : vector<1x1x300xf32> to vector<300xf32>
    %swap3A_899 = vector.shape_cast %mul3A_893 : vector<300xf32> to vector<1x1x300xf32>
    tpu.vector_store %arg5[%swap3A_894, %swap3A_895, %swap3A_896], %swap3A_899 {strides = array<i32>} : memref<8x4x300xf32, #tpu.memory_space<vmem>>, vector<1x1x300xf32>,
    %mul3A_900 = arith.constant 5.000000e-01 : f32
    %mul3A_901 = vector.broadcast %mul3A_900 : f32 to vector<300xf32>
    %mul3A_902 = arith.mulf %mul3A_901, %squeeze3A_887 : vector<300xf32>
    %sub3A_903 = arith.subf %squeeze3A_883, %mul3A_902 : vector<300xf32>
    %mul3A_904 = vector.broadcast %convert_element_type3A_856 : f32 to vector<300xf32>
    %mul3A_905 = arith.mulf %sub3A_903, %mul3A_904 : vector<300xf32>
    %swap3A_906 = arith.constant 7 : index
    %swap3A_907 = arith.constant 1 : index
    %swap3A_908 = arith.constant 0 : index
    %swap3A_909 = vector.load %arg5[%swap3A_906, %swap3A_907, %swap3A_908] : memref<8x4x300xf32, #tpu.memory_space<vmem>>, vector<1x1x300xf32>
    %swap3A_910 = vector.shape_cast %swap3A_909 : vector<1x1x300xf32> to vector<300xf32>
    %swap3A_911 = vector.shape_cast %mul3A_905 : vector<300xf32> to vector<1x1x300xf32>
    tpu.vector_store %arg5[%swap3A_906, %swap3A_907, %swap3A_908], %swap3A_911 {strides = array<i32>} : memref<8x4x300xf32, #tpu.memory_space<vmem>>, vector<1x1x300xf32>,
    %mul3A_912 = arith.constant 5.000000e-01 : f32
    %mul3A_913 = vector.broadcast %mul3A_912 : f32 to vector<300xf32>
    %mul3A_914 = arith.mulf %mul3A_913, %squeeze3A_885 : vector<300xf32>
    %add3A_915 = arith.addf %squeeze3A_881, %mul3A_914 : vector<300xf32>
    %mul3A_916 = vector.broadcast %convert_element_type3A_850 : f32 to vector<300xf32>
    %mul3A_917 = arith.mulf %add3A_915, %mul3A_916 : vector<300xf32>
    %swap3A_918 = arith.constant 7 : index
    %swap3A_919 = arith.constant 2 : index
    %swap3A_920 = arith.constant 0 : index
    %swap3A_921 = vector.load %arg5[%swap3A_918, %swap3A_919, %swap3A_920] : memref<8x4x300xf32, #tpu.memory_space<vmem>>, vector<1x1x300xf32>
    %swap3A_922 = vector.shape_cast %swap3A_921 : vector<1x1x300xf32> to vector<300xf32>
    %swap3A_923 = vector.shape_cast %mul3A_917 : vector<300xf32> to vector<1x1x300xf32>
    tpu.vector_store %arg5[%swap3A_918, %swap3A_919, %swap3A_920], %swap3A_923 {strides = array<i32>} : memref<8x4x300xf32, #tpu.memory_space<vmem>>, vector<1x1x300xf32>,
    %mul3A_924 = arith.constant 5.000000e-01 : f32
    %mul3A_925 = vector.broadcast %mul3A_924 : f32 to vector<300xf32>
    %mul3A_926 = arith.mulf %mul3A_925, %squeeze3A_887 : vector<300xf32>
    %add3A_927 = arith.addf %squeeze3A_883, %mul3A_926 : vector<300xf32>
    %mul3A_928 = vector.broadcast %convert_element_type3A_856 : f32 to vector<300xf32>
    %mul3A_929 = arith.mulf %add3A_927, %mul3A_928 : vector<300xf32>
    %swap3A_930 = arith.constant 7 : index
    %swap3A_931 = arith.constant 3 : index
    %swap3A_932 = arith.constant 0 : index
    %swap3A_933 = vector.load %arg5[%swap3A_930, %swap3A_931, %swap3A_932] : memref<8x4x300xf32, #tpu.memory_space<vmem>>, vector<1x1x300xf32>
    %swap3A_934 = vector.shape_cast %swap3A_933 : vector<1x1x300xf32> to vector<300xf32>
    %swap3A_935 = vector.shape_cast %mul3A_929 : vector<300xf32> to vector<1x1x300xf32>
    tpu.vector_store %arg5[%swap3A_930, %swap3A_931, %swap3A_932], %swap3A_935 {strides = array<i32>} : memref<8x4x300xf32, #tpu.memory_space<vmem>>, vector<1x1x300xf32>,
    return
  }
  func.func @transform_0(%arg0: i32) -> (i32, i32, i32) {
    %c0_i32 = arith.constant 0 : i32
    %c0_i32_0 = arith.constant 0 : i32
    %c0_i32_1 = arith.constant 0 : i32
    return %arg0, %c0_i32, %c0_i32_0 : i32, i32, i32
  }
  func.func @transform_1(%arg0: i32) -> (i32, i32, i32) {
    %c0_i32 = arith.constant 0 : i32
    %c0_i32_0 = arith.constant 0 : i32
    %c0_i32_1 = arith.constant 0 : i32
    return %arg0, %c0_i32, %c0_i32_0 : i32, i32, i32
  }
  func.func @transform_2(%arg0: i32) -> (i32, i32, i32) {
    %c0_i32 = arith.constant 0 : i32
    %c0_i32_0 = arith.constant 0 : i32
    %c0_i32_1 = arith.constant 0 : i32
    return %arg0, %c0_i32, %c0_i32_0 : i32, i32, i32
  }
  func.func @transform_3(%arg0: i32) -> (i32, i32, i32) {
    %c0_i32 = arith.constant 0 : i32
    %c0_i32_0 = arith.constant 0 : i32
    %c0_i32_1 = arith.constant 0 : i32
    return %arg0, %c0_i32, %c0_i32_0 : i32, i32, i32
  }
  func.func @transform_4(%arg0: i32) -> (i32, i32, i32) {
    %c0_i32 = arith.constant 0 : i32
    %c0_i32_0 = arith.constant 0 : i32
    %c0_i32_1 = arith.constant 0 : i32
    return %arg0, %c0_i32, %c0_i32_0 : i32, i32, i32
  }
}

</mosaic_0001>

<sc_bundles>
// kernel: kernel.4.cloned.1.call-start
scs
__scs_entry_jumppad:
0x0: {  	(pc) =	sbr.rel $0x88, $3  }
0x1: {  	(tag) =	ssettag $0x0;
	lr =	simm.s32 $0x1  }
0x2: {  	[smem:$0x3F9E] =	sst lr;
	_ =	strace $0xD0000000  }
0x3: {  	_ = 	snop  }
0x4: {  	_ = 	snop  }
0x5: {  	_ = 	snop  }
0x6: {  	_ = 	snop  }
0x7: {  	_ = 	snop  }
__scs_overlays_trampoline_lowered:
0x8: {  	[smem:$0x3FAD] =	sst s0  }
0x9: {  	[smem:$0x3FAE] =	sst s1  }
0xa: {  	[smem:$0x3FAF] =	sst s2  }
0xb: {  	[smem:$0x3FB0] =	sst s3  }
0xc: {  	[smem:$0x3FB1] =	sst s4  }
0xd: {  	[smem:$0x3FB2] =	sst s5  }
0xe: {  	[smem:$0x3FB3] =	sst s6  }
0xf: {  	[smem:$0x3FB4] =	sst s7  }
0x10: {  	[smem:$0x3FB5] =	sst s8  }
0x11: {  	[smem:$0x3FB6] =	sst s9;
	s0 =	simm.s32 @!p0 $0x0  }
0x12: {  	s1 =	sld [smem:$0x3F9C];
	s0 =	simm.s32 @p0 $0x1  }
0x13: {  	[smem:$0x3FB7] =	sst s0;
	s0 =	simm.s32 @!p1 $0x0  }
0x14: {  	s2 =	sld [smem:$0x3F9B];
	s0 =	simm.s32 @p1 $0x1  }
0x15: {  	[smem:$0x3FB8] =	sst s0;
	s0 =	simm.s32 @!p2 $0x0  }
0x16: {  	s3 =	sld [smem:$0x3FDB];
	s0 =	simm.s32 @p2 $0x1  }
0x17: {  	s4 =	simm.s32 $0x1BF5;
	[smem:$0x3FBA] =	sst s0  }
0x18: {  	s0 =	sld [smem:$0x3F9D];
	_ =	swait.ge [sflag:s4], $0x0  }
0x19: {  	s7 =	sld [smem:$0x3F9E]  }
0x1a: {  	s8 =	sadd.s32 $0xFFFFE003, lr  }
0x1b: {  	s9 =	sadd.s32 $0xFFFFFEF7, lr;
	s5 =	simm.s32 $0xFFFFFFFF;
	p2 =	slt.u32 s8, $0xFFFFF086  }
0x1c: {  	p1 =	slt.u32 s9, $0xF7A;
	s5 =	simm.s32 @!p2 $0x0  }
0x1d: {  	s5 =	simm.s32 @p1 $0x1;
	p0 =	seq.s32 s7, s2  }
0x1e: {  	s7 =	smul.u32 @!p0 $0xF7A, s2;
	p2 =	seq.s32 @!p0 s5, $0x0  }
0x1f: {  	s9 =	smul.u32 $0xF7A, s1;
	s8 =	simm.s32 @!p0 $0x1BF5;
	p2 =	por !p2, p0  }
0x20: {  	[sflag:s8] =	ssyncset.s32 @!p0 $0xFFFFF086;
	s6 =	sadd.s32 @!p0 s3, s7;
	s7 =	simm.s32 @!p0 $0x108  }
0x21: {  	s3 =	sadd.s32 s3, s9;
	s6 =	sadd.s32 @!p0 $0x88, s6;
	s7 =	simm.s32 @p2 $0x1082  }
0x22: {  	[simem:s7], [sflag:s8] =	dma.local @!p0 [hbm:s6], $0xF7A  }
0x23: {  	s9 =	sor.u32 $0xD0000000, s2;
	s6 =	simm.s32 $0x108;
	_ =	swait.ge @!p0 [sflag:s8], $0x0  }
0x24: {  	s3 =	sadd.s32 $0x88, s3;
	s6 =	simm.s32 @!p1 $0x1082;
	[sflag:s4] =	ssyncset.s32 $0xFFFFF086  }
0x25: {  	[simem:s6], [sflag:s4] =	dma.local [hbm:s3], $0xF7A  }
0x26: {  	[smem:$0x3F9E] =	sst s1;
	(tag) =	ssettag s2;
	_ =	strace s9  }
0x27: {  	s1 =	sld [smem:$0x3FAE]  }
0x28: {  	s2 =	sld [smem:$0x3FAF]  }
0x29: {  	s4 =	sld [smem:$0x3FB1]  }
0x2a: {  	p0 =	seq.s32 s5, $0x0;
	s5 =	sld [smem:$0x3FB2]  }
0x2b: {  	s6 =	sld [smem:$0x3FB3]  }
0x2c: {  	s7 =	sld [smem:$0x3FB4]  }
0x2d: {  	s3 =	simm.s32 $0x108;
	s8 =	sld [smem:$0x3FB5]  }
0x2e: {  	s3 =	simm.s32 @!p0 $0x1082;
	s9 =	sld [smem:$0x3FB6]  }
0x2f: {  	lr =	sadd.s32 s0, s3;
	s0 =	sld [smem:$0x3FAD]  }
0x30: {  	s3 =	sld [smem:$0x3FB0]  }
0x31: {  	[smem:$0x3FB9] =	sst s10  }
0x32: {  	s10 =	sld [smem:$0x3FB7];
	_ =	sdelay $0x3  }
0x33: {  	p0 =	seq.s32 s10, $0x1;
	s10 =	sld [smem:$0x3FB9];
	_ =	sdelay $0x3  }
0x34: {  	[smem:$0x3FB9] =	sst s10  }
0x35: {  	s10 =	sld [smem:$0x3FB8];
	_ =	sdelay $0x3  }
0x36: {  	p1 =	seq.s32 s10, $0x1;
	s10 =	sld [smem:$0x3FB9];
	_ =	sdelay $0x3  }
0x37: {  	[smem:$0x3FB9] =	sst s10  }
0x38: {  	s10 =	sld [smem:$0x3FBA]  }
0x39: {  	_ = 	snop;
	(pc) =	sbr.ind lr, $3  }
0x3a: {  	_ = 	snop  }
0x3b: {  	_ = 	snop  }
0x3c: {  	p2 =	seq.s32 s10, $0x1;
	s10 =	sld [smem:$0x3FB9]  }
0x3d: {  	_ =	shalt  }
0x3e: {  	_ =	shalt  }
0x3f: {  	_ =	shalt  }
0x40: {  	_ =	shalt  }
0x41: {  	_ =	shalt  }
0x42: {  	_ =	shalt  }
0x43: {  	_ =	shalt  }
0x44: {  	_ =	shalt  }
0x45: {  	_ =	shalt  }
0x46: {  	_ =	shalt  }
0x47: {  	_ =	shalt  }
0x48: {  	_ =	shalt  }
0x49: {  	_ =	shalt  }
0x4a: {  	_ =	shalt  }
0x4b: {  	_ =	shalt  }
0x4c: {  	_ =	shalt  }
0x4d: {  	_ =	shalt  }
0x4e: {  	_ =	shalt  }
0x4f: {  	_ =	shalt  }
0x50: {  	_ =	shalt  }
0x51: {  	_ =	shalt  }
0x52: {  	_ =	shalt  }
0x53: {  	_ =	shalt  }
0x54: {  	_ =	shalt  }
0x55: {  	_ =	shalt  }
0x56: {  	_ =	shalt  }
0x57: {  	_ =	shalt  }
0x58: {  	_ =	shalt  }
0x59: {  	_ =	shalt  }
0x5a: {  	_ =	shalt  }
0x5b: {  	_ =	shalt  }
0x5c: {  	_ =	shalt  }
0x5d: {  	_ =	shalt  }
0x5e: {  	_ =	shalt  }
0x5f: {  	_ =	shalt  }
0x60: {  	_ =	shalt  }
0x61: {  	_ =	shalt  }
0x62: {  	_ =	shalt  }
0x63: {  	_ =	shalt  }
0x64: {  	_ =	shalt  }
0x65: {  	_ =	shalt  }
0x66: {  	_ =	shalt  }
0x67: {  	_ =	shalt  }
0x68: {  	_ =	shalt  }
0x69: {  	_ =	shalt  }
0x6a: {  	_ =	shalt  }
0x6b: {  	_ =	shalt  }
0x6c: {  	_ =	shalt  }
0x6d: {  	_ =	shalt  }
0x6e: {  	_ =	shalt  }
0x6f: {  	_ =	shalt  }
0x70: {  	_ =	shalt  }
0x71: {  	_ =	shalt  }
0x72: {  	_ =	shalt  }
0x73: {  	_ =	shalt  }
0x74: {  	_ =	shalt  }
0x75: {  	_ =	shalt  }
0x76: {  	_ =	shalt  }
0x77: {  	_ =	shalt  }
0x78: {  	_ =	shalt  }
0x79: {  	_ =	shalt  }
0x7a: {  	_ =	shalt  }
0x7b: {  	_ =	shalt  }
0x7c: {  	_ =	shalt  }
0x7d: {  	_ =	shalt  }
0x7e: {  	_ =	shalt  }
0x7f: {  	_ =	shalt  }
0x80: {  	_ =	shalt  }
0x81: {  	_ =	shalt  }
0x82: {  	_ =	shalt  }
0x83: {  	_ =	shalt  }
0x84: {  	_ =	shalt  }
0x85: {  	_ =	shalt  }
0x86: {  	_ =	shalt  }
0x87: {  	_ =	shalt  }
.Lfunc_end0:
.L_simem_size_0:
called_computation_lowered:
.L_overlay_start_0:
0x88: {  	s2 =	sld [smem:$0x3FD9]  }
0x89: {  	s3 =	sld [smem:$0x3FFE];
	_ =	sdelay $0x1  }
0x8a: {  	s1 =	srdreg.scid  }
0x8b: {  	s0 =	sand.u32 $0x1, s1  }
0x8c: {  	s14 =	sshll.u32 s0, $0xA;
	s2 =	sadd.s32 s3, s2  }
0x8d: {  	s2 =	sadd.s32 s2, s14  }
0x8e: {  	[smem:$0x3FC5] =	sst s2  }
0x8f: {  	_ = 	snop  }
0x90: {  	s2 =	sld [smem:$0x3FD0];
	_ =	sdelay $0x2  }
0x91: {  	s15 =	simm.s32 $0xA;
	s4 =	simm.s32 $0x10  }
0x92: {  	[smem:s4], [sflag:s15] =	dma.local [hbm:s2], $0x1  }
0x93: {  	_ =	swait.eq [sflag:s15], $0x1  }
0x94: {  	[sflag:s15] =	ssyncset.done $0x0  }
0x95: {  	[sflag:s15] =	ssyncadd.s32 $0xFFFFFFFF  }
0x96: {  	s16 =	sld [smem:$0x11];
	(tm) =	ssettm $0x1  }
0x97: {  	s17 =	sld [smem:$0x3FFB];
	_ =	sdelay $0x3  }
0x98: {  	_ =	strace s17  }
0x99: {  	s3 =	sld [smem:$0x3FFC];
	_ =	sdelay $0x3  }
0x9a: {  	_ =	strace s3  }
0x9b: {  	s3 =	sld [smem:$0x3FFD];
	_ =	sdelay $0x3  }
0x9c: {  	_ =	strace s3  }
0x9d: {  	_ =	strace $0x8FFFFFFF  }
0x9e: {  	s18 =	sld [smem:$0x3FDB];
	_ =	sdelay $0x1  }
0x9f: {  	s19 =	simm.s32 $_scs_section_size  }
0xa0: {  	s5 =	simm.s32 $_size__tile_overlayer_lowered;
	s6 =	simm.s32 $_tile_overlayer_lowered  }
0xa1: {  	s22 =	simm.s32 $0x1BFF;
	s21 =	sshll.u32 s6, $0x1;
	s3 =	sadd.s32 s19, s18  }
0xa2: {  	s7 =	simm.s32 $0x0;
	s20 =	sshll.u32 s5, $0x1;
	s5 =	sadd.s32 s21, s3  }
0xa3: {  	[timem:s7], [sflag:s22] =	dma.local [hbm:s5], s20  }
0xa4: {  	_ =	swait.ge [sflag:s22], s20  }
0xa5: {  	s4 =	ssub.s32 $0x0, s20;
	[sflag:s22] =	ssyncset.done $0x0  }
0xa6: {  	[sflag:s22] =	ssyncadd.s32 s4;
	_ =	sdelay $0x1  }
0xa7: {  	s23 =	simm.s32 $0x1B8B  }
0xa8: {  	_ =	swait.ge [sflag:s23], $0x1  }
0xa9: {  	[sflag:s23] =	ssyncset.done $0x0  }
0xaa: {  	s25 =	simm.s32 $0x1B8E;
	s24 =	sld [smem:$0x3FFE];
	[sflag:s23] =	ssyncadd.s32 $0xFFFFFFFF  }
0xab: {  	s26 =	simm.s32 $execute0_lowered;
	[smem:$0x3FD2] =	sst s25  }
0xac: {  	s5 =	sshll.u32 s26, $0x1;
	_ =	strace $0x80000046;
	[dreg:$0x1] =	wrdreg $0xFFFFFFFF  }
0xad: {  	s28 =	simm.s32 $_size_execute0_lowered;
	s3 =	sadd.s32 s3, s5;
	[dreg:$0x0] =	wrdreg $0x0  }
0xae: {  	s5 =	sshll.u32 s28, $0x1;
	[dreg:$0x2] =	wrdreg s3  }
0xaf: {  	[dreg:$0x3] =	wrdreg s5  }
0xb0: {  	[dreg:$0x4] =	wrdreg $0xC0  }
0xb1: {  	_ =	task [dreg:s7], $0x5FFFF  }
0xb2: {  	[dreg:$0x1] =	wrdreg $0xFFFFFFFF  }
0xb3: {  	[dreg:$0x0] =	wrdreg $0x60  }
0xb4: {  	[dreg:$0x2] =	wrdreg s24  }
0xb5: {  	[dreg:$0x3] =	wrdreg s16  }
0xb6: {  	[dreg:$0x4] =	wrdreg $0x9  }
0xb7: {  	_ =	task.clear_ibuf [dreg:s7], $0x5FFFF;
	_ =	strace $0x90000046  }
0xb8: {  	s29 =	simm.s32 $0x9;
	_ =	strace $0x80000048  }
0xb9: {  	_ =	swait.ge [sflag:s29], $0x1  }
0xba: {  	[sflag:s29] =	ssyncadd.s32 $0xFFFFFFFF  }
0xbb: {  	_ =	strace $0x90000048  }
0xbc: {  	_ =	sfence  }
0xbd: {  	s30 =	sld [smem:$0x0];
	_ =	sdelay $0x2  }
0xbe: {  	s31 =	sshll.u32 s1, $0xD;
	s1 =	sshrl.u32 s1, $0x2  }
0xbf: {  	s3 =	sand.u32 $0x4000, s31;
	s1 =	sadd.s32 s1, s30  }
0xc0: {  	s0 =	sor.u32 s3, s0;
	s1 =	sshll.u32 s1, $0x11  }
0xc1: {  	s0 =	sor.u32 s1, s0  }
0xc2: {  	s0 =	sadd.s32 $0x8F2B, s0  }
0xc3: {  	[sflag:s0] =	ssyncadd.remote.s32 $0x1  }
0xc4: {  	_ =	sfence.sel $0xFFFF  }
0xc5: {  	[dreg:$0x0] =	wrdreg $0xFFFFFFFF;
	(pc) =	sbr.abs _section_cstart, $3  }
0xc6: {  	[dreg:$0x1] =	wrdreg $0xFFFFFFFF  }
0xc7: {  	_ =	task.clear_ibuf [dreg:s7], $0x2FFFF;
	_ =	strace $0x9FFFFFFF  }
0xc8: {  	(tm) =	ssettm $0x7FFFFFFF  }
0xc9: {  	_ =	shalt  }
tec
execute0_lowered:
.L_overlay_start_1:
0x0: {  	(tag) =	ssettag $0x1  }
0x1: {  	s0 =	rddreg [dreg:$0x0];
	s1 =	simm.s32 $0x0  }
0x2: {  	s26 =	srdreg.scid;
	s4 =	stileid.u32;
	s8 =	simm.s32 $0x13880  }
0x3: {  	s9 =	simm.s32 $0x13CF0;
	[smem:$0x7FF] =	sst s1;
	s2 =	sadd.s32 $0x233800, s0  }
0x4: {  	v0 =	vimm.s32 $0x0;
	v1 =	vlaneseq.u32;
	s28 =	sadd.s32 $0x1000, s0;
	s1 =	sand.u32 $0x1, s26;
	s29 =	sadd.s32 $0x57800, s0  }
0x5: {  	v4 =	vimm.s32 $0xECA86420;
	v2 =	vimm.s32 $0x80000000;
	vm1 =	vcmask $0xB08;
	s4 =	sshll.u32 s4, $0x3;
	_ =	strace $0x80000047;
	[dreg:$0x8] =	wrdreg s2  }
0x6: {  	vm2 =	vcmask $0x1310;
	vm3 =	vcmask $0x1B18;
	vm4 =	vcmask $0x300;
	s0 =	sadd.s32 $0x3F800, s0;
	[dreg:$0x9] =	wrdreg s28;
	s30 =	ssub.s32 $0x2, s1  }
0x7: {  	vm5 =	vcmask $0x2320;
	vm6 =	vcmask $0x2B28;
	vm7 =	vcmask $0x3330;
	[dreg:$0xa] =	wrdreg s29;
	s1 =	sshll.u32 s1, $0x2;
	s3 =	sshrl.u32 s30, $0x1  }
0x8: {  	vm8 =	vcmask $0x3B38;
	vm14 =	vcmask $0x1714;
	v5 =	vunpack.c.l.s4.s8 v4;
	[dreg:$0xb] =	wrdreg s0;
	s1 =	sor.u32 s1, s4;
	s31 =	ssub.s32 s30, s3  }
0x9: {  	s10 =	simm.s32 $0x80000000;
	vm15 =	vcmask $0x1F1C;
	vm13 =	vcmask $0x2724;
	vm12 =	vcmask $0x3734;
	[dreg:$0xc] =	wrdreg s1;
	s0 =	smax.u32 s31, $0x1  }
0xa: {  	v3 =	vor.u32 $0x120, v1;
	v4 =	vimm.f32 $-Inf;
	v5 =	vunpack.c.0.s8.s32 v5;
	s3 =	simm.s32 $0x2;
	s1 =	simm.s32 $0x0;
	[dreg:$0xd] =	wrdreg s0  }
.LBB2_1:
0xb: {  	[dreg:$0xe] =	wrdreg s1;
	s1 =	simm.s32 $0x0  }
.LBB2_2:
0xc: {  	s0 =	rddreg [dreg:$0xc]  }
0xd: {  	s13 =	sadd.s32 s0, s1  }
0xe: {  	s0 =	smul.u32 $0x2710, s13  }
0xf: {  	s31 =	rddreg [dreg:$0x8]  }
0x10: {  	s26 =	simm.s32 $0x0;
	s0 =	sadd.s32 s31, s0  }
0x11: {  	[tilespmem:s26], [sflag:$0x2] =	stream.linear.gather [hbm4b:s0+s26], $0x13880, $0x38;
	[tilespmem:$0x160E0] =	vst v63  }
.Ltmp0:
0x12: {  	[dreg:$0xf] =	wrdreg s1;
	(pc) =	sbr.rel .LBB2_3-.Ltmp0, $4  }
0x13: {  	_ =	swait.ge [sflag:s3], $0x13880  }
0x14: {  	[sflag:s3] =	ssyncset.done $0x0  }
0x15: {  	v7 =	vimm.f32 $-Inf;
	[sflag:s3] =	ssyncadd.s32 $0xFFFEC780  }
0x16: {  	v6 =	vimm.s32 $0x0;
	[tilespmem:$0x160D0] =	vst v7  }
.LBB2_15:
0x17: {  	s26 =	sadd.s32 $0x1, s26  }
0x18: {  	p0 =	seq.s32 s26, $0x271  }
.Ltmp1:
0x19: {  	_ = 	snop;
	(pc) =	sbr.rel @p0 .LBB2_16-.Ltmp1, $2  }
0x1a: {  	_ =	sdelay $0x2  }
0x1b: {  	v7 =	vld [tilespmem:$0x160D0]  }
.LBB2_3:
0x1c: {  	s0 =	sshll.u32 s26, $0x7  }
0x1d: {  	v8 =	vld [tilespmem:s0+$0x0];
	_ =	sdelay $0x4  }
0x1e: {  	vm0 =	vgt.f32 v8, v7  }
0x1f: {  	v9 =	vsel vm0, $0x1, v0  }
0x20: {  	(xrf0) =	vadd.scan.msk.s32 $0xffff, v9;
	_ =	sdelay $0x5  }
0x21: {  	v9, _, _ =	vpop (xrf0)  }
0x22: {  	v9 =	vadd.s32 v9, v6  }
0x23: {  	v9 =	vadd.s32 $0xFFFFFFFF, v9;
	_ =	sdelay $0x4  }
0x24: {  	[tilespmem:v9+s8+$0x0] =	vst.idx.msk vm0, v8;
	v8 =	vor.u32 s0, v1  }
0x25: {  	[tilespmem:v9+s9+$0x0] =	vst.idx.msk vm0, v8  }
0x26: {  	v8 =	vld [tilespmem:s0+$0x10];
	_ =	sdelay $0x4  }
0x27: {  	vm9 =	vgt.f32 v8, v7  }
0x28: {  	v45 =	vsel vm9, $0x1, v0  }
0x29: {  	(xrf0) =	vadd.scan.msk.s32 $0xffff, v45;
	_ =	sdelay $0x3  }
0x2a: {  	v46 =	vmpcnt.ones.xlane vm0;
	_ =	sdelay $0x1  }
0x2b: {  	v6 =	vadd.s32 v6, v46;
	v47, _, _ =	vpop (xrf0)  }
0x2c: {  	v9 =	vadd.s32 v47, v6  }
0x2d: {  	v9 =	vadd.s32 $0xFFFFFFFF, v9;
	_ =	sdelay $0x3  }
0x2e: {  	s1 =	sor.u32 $0x10, s0  }
0x2f: {  	[tilespmem:v9+s8+$0x0] =	vst.idx.msk vm9, v8;
	v8 =	vor.u32 s1, v1  }
0x30: {  	[tilespmem:v9+s9+$0x0] =	vst.idx.msk vm9, v8  }
0x31: {  	v8 =	vld [tilespmem:s0+$0x20];
	_ =	sdelay $0x4  }
0x32: {  	vm0 =	vgt.f32 v8, v7  }
0x33: {  	v48 =	vsel vm0, $0x1, v0  }
0x34: {  	(xrf0) =	vadd.scan.msk.s32 $0xffff, v48;
	_ =	sdelay $0x3  }
0x35: {  	v49 =	vmpcnt.ones.xlane vm9;
	_ =	sdelay $0x1  }
0x36: {  	v6 =	vadd.s32 v6, v49;
	v50, _, _ =	vpop (xrf0)  }
0x37: {  	v9 =	vadd.s32 v50, v6  }
0x38: {  	v9 =	vadd.s32 $0xFFFFFFFF, v9;
	_ =	sdelay $0x3  }
0x39: {  	s24 =	sor.u32 $0x20, s0  }
0x3a: {  	[tilespmem:v9+s8+$0x0] =	vst.idx.msk vm0, v8;
	v8 =	vor.u32 s24, v1  }
0x3b: {  	[tilespmem:v9+s9+$0x0] =	vst.idx.msk vm0, v8  }
0x3c: {  	v8 =	vld [tilespmem:s0+$0x30];
	_ =	sdelay $0x4  }
0x3d: {  	vm9 =	vgt.f32 v8, v7  }
0x3e: {  	v51 =	vsel vm9, $0x1, v0  }
0x3f: {  	(xrf0) =	vadd.scan.msk.s32 $0xffff, v51;
	_ =	sdelay $0x3  }
0x40: {  	v52 =	vmpcnt.ones.xlane vm0;
	_ =	sdelay $0x1  }
0x41: {  	v6 =	vadd.s32 v6, v52;
	v53, _, _ =	vpop (xrf0)  }
0x42: {  	v9 =	vadd.s32 v53, v6  }
0x43: {  	v9 =	vadd.s32 $0xFFFFFFFF, v9;
	_ =	sdelay $0x3  }
0x44: {  	s25 =	sor.u32 $0x30, s0  }
0x45: {  	[tilespmem:v9+s8+$0x0] =	vst.idx.msk vm9, v8;
	v8 =	vor.u32 s25, v1  }
0x46: {  	[tilespmem:v9+s9+$0x0] =	vst.idx.msk vm9, v8  }
0x47: {  	v8 =	vld [tilespmem:s0+$0x40];
	_ =	sdelay $0x4  }
0x48: {  	vm0 =	vgt.f32 v8, v7  }
0x49: {  	v54 =	vsel vm0, $0x1, v0  }
0x4a: {  	(xrf0) =	vadd.scan.msk.s32 $0xffff, v54;
	_ =	sdelay $0x3  }
0x4b: {  	v55 =	vmpcnt.ones.xlane vm9;
	_ =	sdelay $0x1  }
0x4c: {  	v6 =	vadd.s32 v6, v55;
	v56, _, _ =	vpop (xrf0)  }
0x4d: {  	v9 =	vadd.s32 v56, v6  }
0x4e: {  	v9 =	vadd.s32 $0xFFFFFFFF, v9;
	_ =	sdelay $0x3  }
0x4f: {  	s28 =	sor.u32 $0x40, s0  }
0x50: {  	[tilespmem:v9+s8+$0x0] =	vst.idx.msk vm0, v8;
	v8 =	vor.u32 s28, v1  }
0x51: {  	[tilespmem:v9+s9+$0x0] =	vst.idx.msk vm0, v8  }
0x52: {  	v8 =	vld [tilespmem:s0+$0x50];
	_ =	sdelay $0x4  }
0x53: {  	vm9 =	vgt.f32 v8, v7  }
0x54: {  	v57 =	vsel vm9, $0x1, v0  }
0x55: {  	(xrf0) =	vadd.scan.msk.s32 $0xffff, v57;
	_ =	sdelay $0x3  }
0x56: {  	v58 =	vmpcnt.ones.xlane vm0;
	_ =	sdelay $0x1  }
0x57: {  	v6 =	vadd.s32 v6, v58;
	v59, _, _ =	vpop (xrf0)  }
0x58: {  	v9 =	vadd.s32 v59, v6  }
0x59: {  	v9 =	vadd.s32 $0xFFFFFFFF, v9;
	_ =	sdelay $0x3  }
0x5a: {  	s29 =	sor.u32 $0x50, s0  }
0x5b: {  	[tilespmem:v9+s8+$0x0] =	vst.idx.msk vm9, v8;
	v8 =	vor.u32 s29, v1  }
0x5c: {  	[tilespmem:v9+s9+$0x0] =	vst.idx.msk vm9, v8  }
0x5d: {  	v8 =	vld [tilespmem:s0+$0x60];
	_ =	sdelay $0x4  }
0x5e: {  	vm0 =	vgt.f32 v8, v7  }
0x5f: {  	v60 =	vsel vm0, $0x1, v0  }
0x60: {  	(xrf0) =	vadd.scan.msk.s32 $0xffff, v60;
	_ =	sdelay $0x3  }
0x61: {  	v61 =	vmpcnt.ones.xlane vm9;
	_ =	sdelay $0x1  }
0x62: {  	v6 =	vadd.s32 v6, v61;
	v62, _, _ =	vpop (xrf0)  }
0x63: {  	v9 =	vadd.s32 v62, v6  }
0x64: {  	v9 =	vadd.s32 $0xFFFFFFFF, v9;
	_ =	sdelay $0x3  }
0x65: {  	s30 =	sor.u32 $0x60, s0  }
0x66: {  	[tilespmem:v9+s8+$0x0] =	vst.idx.msk vm0, v8;
	v8 =	vor.u32 s30, v1  }
0x67: {  	[tilespmem:v9+s9+$0x0] =	vst.idx.msk vm0, v8  }
0x68: {  	v8 =	vld [tilespmem:s0+$0x70];
	_ =	sdelay $0x4  }
0x69: {  	v63 =	vmpcnt.ones.xlane vm0;
	vm0 =	vgt.f32 v8, v7  }
0x6a: {  	v7 =	vmpcnt.ones.xlane vm0  }
0x6b: {  	v9 =	vadd.s32 v6, v63  }
0x6c: {  	v6 =	vadd.s32 v9, v7  }
0x6d: {  	(v2sf) =	vpush v6, $0x0;
	_ =	sdelay $0x5  }
0x6e: {  	v7 =	vsel vm0, $0x1, v0  }
0x6f: {  	(xrf0) =	vadd.scan.msk.s32 $0xffff, v7;
	_ =	sdelay $0x5  }
0x70: {  	v7, _, _ =	vpop (xrf0)  }
0x71: {  	v7 =	vadd.s32 v7, v9  }
0x72: {  	v7 =	vadd.s32 $0xFFFFFFFF, v7;
	s31 =	spop (v2sf)  }
0x73: {  	p0 =	sgt.s32 s31, $0x3EF  }
.Ltmp2:
0x74: {  	_ = 	snop;
	(pc) =	sbr.rel @!p0 .LBB2_15-.Ltmp2, $4  }
0x75: {  	_ = 	snop  }
0x76: {  	s0 =	sor.u32 $0x70, s0  }
0x77: {  	[tilespmem:v7+s8+$0x0] =	vst.idx.msk vm0, v8;
	v8 =	vor.u32 s0, v1  }
0x78: {  	[tilespmem:v7+s9+$0x0] =	vst.idx.msk vm0, v8  }
0x79: {  	s0 =	simm.s32 $0x0  }
0x7a: {  	s1 =	simm.s32 $0x40;
	v7 =	vld [tilespmem:s0+$0x13880]  }
.LBB2_5:
0x7b: {  	_ =	sdelay $0x1  }
0x7c: {  	p0 =	seq.s32 s1, $0x1180  }
.Ltmp3:
0x7d: {  	_ = 	snop;
	(pc) =	sbr.rel @!p0 .LBB2_5-.Ltmp3, $4  }
0x7e: {  	v8 =	vshra.s32 v7, $0x1F  }
0x7f: {  	v9 =	vmov v7;
	v8 =	vor.u32 $0x80000000, v8  }
0x80: {  	s2 =	sshra.s32 s1, $0x2;
	v8 =	vxor.u32 v9, v8  }
0x81: {  	s1 =	sadd.s32 $0x40, s1;
	v7 =	vld [tilespmem:s2+$0x13880];
	[tilespmem:s0+$0x14160] =	vst v8;
	s0 =	smov.u32 s2  }
0x82: {  	_ =	sdelay $0x3  }
0x83: {  	v8 =	vshra.s32 v7, $0x1F  }
0x84: {  	v8 =	vor.u32 $0x80000000, v8  }
0x85: {  	v7 =	vxor.u32 v7, v8  }
0x86: {  	v6 =	vbroadcast v6, $0x0;
	s1 =	simm.s32 $0x0;
	s2 =	simm.s32 $0x0;
	[tilespmem:s0+$0x14160] =	vst v7;
	s0 =	simm.s32 $0x0  }
.LBB2_7:
0x87: {  	s3 =	simm.s32 $0x14160  }
0x88: {  	v9 =	vld [tilespmem:s3+$0x0];
	_ =	sdelay $0x1  }
0x89: {  	s31 =	sshrl.u32 s10, s2  }
0x8a: {  	s3 =	sor.u32 s31, s0  }
0x8b: {  	v10 =	vor.u32 s1, v1;
	v8 =	vmov s3  }
0x8c: {  	v7 =	vimm.s32 $0x0;
	s4 =	simm.s32 $0x10;
	s5 =	simm.s32 $0x14170;
	vm0 =	vlt.s32 v10, v6;
	vm9 =	vge.u32 v9, v8  }
.LBB2_8:
0x8d: {  	v9 =	vld [tilespmem:s5+$0x0];
	p0 =	sne.s32 s4, $0x460;
	vm0 =	vmand vm0, vm9;
	s6 =	smov.u32 s4;
	s4 =	sadd.s32 $0x10, s4  }
.Ltmp4:
0x8e: {  	v10 =	vsel vm0, $0x1, v0;
	(pc) =	sbr.rel @p0 .LBB2_8-.Ltmp4, $3  }
0x8f: {  	v7 =	vadd.s32 v10, v7;
	_ =	sdelay $0x1  }
0x90: {  	v10 =	vor.u32 s6, v1  }
0x91: {  	s5 =	sadd.s32 $0x10, s5;
	vm0 =	vlt.s32 v10, v6;
	vm9 =	vge.u32 v9, v8  }
0x92: {  	vm0 =	vmand vm0, vm9  }
0x93: {  	v8 =	vsel vm0, $0x1, v0  }
0x94: {  	v7 =	vadd.s32 v8, v7  }
0x95: {  	(xrf0) =	vadd.scan.msk.s32 $0xffff, v7;
	_ =	sdelay $0x5  }
0x96: {  	v7, _, _ =	vpop (xrf0)  }
0x97: {  	(v2sf) =	vpush v7, $0xF;
	_ =	sdelay $0xa  }
0x98: {  	s2 =	sadd.s32 $0x1, s2  }
0x99: {  	p1 =	sne.s32 s2, $0x20  }
.Ltmp5:
0x9a: {  	_ = 	snop;
	(pc) =	sbr.rel @p1 .LBB2_7-.Ltmp5, $4  }
0x9b: {  	_ = 	snop  }
0x9c: {  	s4 =	spop (v2sf)  }
0x9d: {  	p0 =	sgt.s32 s4, $0x12B  }
0x9e: {  	s0 =	smov.u32 @p0 s3  }
0x9f: {  	s1 =	simm.s32 $0x14160  }
0xa0: {  	v9 =	vld [tilespmem:s1+$0x0];
	_ =	sdelay $0x2  }
0xa1: {  	s31 =	sadd.s32 $0x1, s0;
	s2 =	simm.s32 $0x0  }
0xa2: {  	v8 =	vmov s31;
	v10 =	vor.u32 s2, v1  }
0xa3: {  	v7 =	vimm.s32 $0x0;
	s1 =	simm.s32 $0x10;
	s2 =	simm.s32 $0x14170;
	vm0 =	vlt.s32 v10, v6;
	vm9 =	vge.u32 v9, v8  }
.LBB2_11:
0xa4: {  	v9 =	vld [tilespmem:s2+$0x0];
	p0 =	sne.s32 s1, $0x460;
	vm0 =	vmand vm0, vm9;
	s3 =	smov.u32 s1;
	s1 =	sadd.s32 $0x10, s1  }
.Ltmp6:
0xa5: {  	v10 =	vsel vm0, $0x1, v0;
	(pc) =	sbr.rel @p0 .LBB2_11-.Ltmp6, $3  }
0xa6: {  	v7 =	vadd.s32 v10, v7;
	_ =	sdelay $0x1  }
0xa7: {  	v10 =	vor.u32 s3, v1  }
0xa8: {  	s2 =	sadd.s32 $0x10, s2;
	vm0 =	vlt.s32 v10, v6;
	vm9 =	vge.u32 v9, v8  }
0xa9: {  	vm0 =	vmand vm0, vm9  }
0xaa: {  	v8 =	vsel vm0, $0x1, v0  }
0xab: {  	v7 =	vadd.s32 v8, v7  }
0xac: {  	(xrf0) =	vadd.scan.msk.s32 $0xffff, v7;
	_ =	sdelay $0x5  }
0xad: {  	v7, _, _ =	vpop (xrf0)  }
0xae: {  	(v2sf) =	vpush v7, $0xF  }
0xaf: {  	s1 =	simm.s32 $0x14160  }
0xb0: {  	v9 =	vld [tilespmem:s1+$0x0];
	_ =	sdelay $0x2  }
0xb1: {  	s2 =	simm.s32 $0x0  }
0xb2: {  	v8 =	vor.u32 s2, v1;
	v7 =	vmov s0  }
0xb3: {  	vm0 =	vlt.s32 v8, v6;
	vm9 =	veq.s32 v9, v7  }
0xb4: {  	vm9 =	vmand vm0, vm9  }
0xb5: {  	vm10 =	vgt.u32 v9, v7;
	v8 =	vsel vm9, $0x1, v0;
	v9 =	vmpcnt.ones.xlane vm9  }
0xb6: {  	(xrf0) =	vadd.scan.msk.s32 $0xffff, v8  }
0xb7: {  	(v2sf) =	vpush v9, $0x0;
	_ =	sdelay $0x3  }
0xb8: {  	s0 =	simm.s32 $0x13880;
	s31 =	spop (v2sf)  }
0xb9: {  	s1 =	simm.s32 $0x13CF0;
	v10 =	vld [tilespmem:s0+$0x0];
	v11, _, _ =	vpop (xrf0);
	s3 =	ssub.s32 $0x12C, s31  }
0xba: {  	v12 =	vld [tilespmem:s1+$0x0];
	v11 =	vadd.s32 s2, v11;
	v8 =	vmov s3  }
0xbb: {  	vm11 =	vle.s32 v11, v8  }
0xbc: {  	vm0 =	vmand vm0, vm10;
	vm10 =	vmand vm9, vm11  }
0xbd: {  	vm0 =	vmor vm0, vm10  }
0xbe: {  	[tilespmem:s2+$0x13880] =	vst.msk vm0, v10;
	v10 =	vmpcnt.ones.xlane vm0  }
0xbf: {  	s4 =	simm.s32 $0x14170;
	[tilespmem:s2+$0x13CF0] =	vst.msk vm0, v12  }
0xc0: {  	s5 =	simm.s32 $0x10;
	s6 =	simm.s32 $0x20;
	s3 =	simm.s32 $0x0;
	v9 =	vld [tilespmem:s4+$0x0];
	(v2sf) =	vpush v10, $0x0  }
.LBB2_13:
0xc1: {  	p0 =	sne.s32 s6, $0x460;
	_ =	sdelay $0x1  }
0xc2: {  	s7 =	spop (v2sf)  }
0xc3: {  	v10 =	vor.u32 s5, v1;
	s5 =	smov.u32 s6;
	s2 =	sadd.s32 s2, s7  }
0xc4: {  	vm0 =	vlt.s32 v10, v6;
	vm9 =	veq.s32 v9, v7  }
0xc5: {  	vm9 =	vmand vm0, vm9  }
0xc6: {  	v10 =	vsel vm9, $0x1, v0;
	v11 =	vmpcnt.ones.xlane vm9  }
0xc7: {  	(xrf0) =	vadd.scan.msk.s32 $0xffff, v10  }
0xc8: {  	(v2sf) =	vpush v11, $0x0;
	_ =	sdelay $0x3  }
0xc9: {  	s0 =	sadd.s32 $0x10, s0  }
0xca: {  	s1 =	sadd.s32 $0x10, s1;
	v10 =	vld [tilespmem:s0+$0x0];
	v11, _, _ =	vpop (xrf0)  }
0xcb: {  	v12 =	vld [tilespmem:s1+$0x0];
	v11 =	vadd.s32 s2, v11;
	s7 =	spop (v2sf)  }
0xcc: {  	vm10 =	vgt.u32 v9, v7;
	vm11 =	vle.s32 v11, v8;
	s3 =	sadd.s32 s3, s7  }
.Ltmp7:
0xcd: {  	vm0 =	vmand vm0, vm10;
	vm9 =	vmand vm9, vm11;
	(pc) =	sbr.rel @p0 .LBB2_13-.Ltmp7, $4  }
0xce: {  	vm0 =	vmor vm0, vm9  }
0xcf: {  	[tilespmem:s3+$0x13880] =	vst.msk vm0, v10;
	v10 =	vmpcnt.ones.xlane vm0  }
0xd0: {  	s4 =	sadd.s32 $0x10, s4;
	[tilespmem:s3+$0x13CF0] =	vst.msk vm0, v12  }
0xd1: {  	s6 =	sadd.s32 $0x10, s6;
	v9 =	vld [tilespmem:s4+$0x0];
	(v2sf) =	vpush v10, $0x0  }
0xd2: {  	_ =	sdelay $0x2  }
0xd3: {  	v10 =	vor.u32 s5, v1  }
0xd4: {  	vm0 =	vlt.s32 v10, v6;
	vm9 =	veq.s32 v9, v7  }
0xd5: {  	vm9 =	vmand vm0, vm9  }
0xd6: {  	v6 =	vsel vm9, $0x1, v0  }
0xd7: {  	(xrf0) =	vadd.scan.msk.s32 $0xffff, v6;
	_ =	sdelay $0x4  }
0xd8: {  	s4 =	spop (v2sf)  }
0xd9: {  	s2 =	sadd.s32 s2, s4;
	v6, _, _ =	vpop (xrf0)  }
0xda: {  	v6 =	vadd.s32 s2, v6  }
0xdb: {  	vm10 =	vgt.u32 v9, v7;
	vm11 =	vle.s32 v6, v8  }
0xdc: {  	vm0 =	vmand vm0, vm10;
	vm10 =	vmand vm9, vm11  }
0xdd: {  	v6 =	vmpcnt.ones.xlane vm9;
	vm0 =	vmor vm0, vm10  }
0xde: {  	v8 =	vmpcnt.ones.xlane vm0  }
0xdf: {  	(v2sf) =	vpush v6, $0x0  }
0xe0: {  	(v2sf) =	vpush v8, $0x0;
	_ =	sdelay $0x6  }
0xe1: {  	s0 =	sadd.s32 $0x10, s0  }
0xe2: {  	s28 =	sadd.s32 $0x10, s1;
	v6 =	vld [tilespmem:s0+$0x0]  }
0xe3: {  	v8 =	vld [tilespmem:s28+$0x0];
	_ =	sdelay $0x1  }
.Ltmp8:
0xe4: {  	s29 =	spop (v2sf);
	(pc) =	sbr.rel .LBB2_15-.Ltmp8, $4  }
0xe5: {  	vm9 =	vgt.s32 v7, $0xFFFFFFFF;
	s0 =	sadd.s32 s3, s29  }
0xe6: {  	[tilespmem:s0+$0x13880] =	vst.msk vm0, v6;
	v6 =	vsel vm9, $0xFFFFFFFF, v2  }
0xe7: {  	v6 =	vxor.u32 v7, v6;
	[tilespmem:s0+$0x13CF0] =	vst.msk vm0, v8;
	s30 =	spop (v2sf)  }
0xe8: {  	[tilespmem:$0x160D0] =	vst v6;
	v6 =	vimm.s32 $0x12C;
	s31 =	spop (v2sf)  }
.LBB2_16:
0xe9: {  	s0 =	simm.s32 $0x0  }
0xea: {  	s1 =	simm.s32 $0x40;
	v7 =	vld [tilespmem:s0+$0x13880]  }
.LBB2_17:
0xeb: {  	_ =	sdelay $0x1  }
0xec: {  	p0 =	seq.s32 s1, $0x1180  }
.Ltmp9:
0xed: {  	_ = 	snop;
	(pc) =	sbr.rel @!p0 .LBB2_17-.Ltmp9, $4  }
0xee: {  	v8 =	vshra.s32 v7, $0x1F  }
0xef: {  	v9 =	vmov v7;
	v8 =	vor.u32 $0x80000000, v8  }
0xf0: {  	s2 =	sshra.s32 s1, $0x2;
	v8 =	vxor.u32 v9, v8  }
0xf1: {  	s1 =	sadd.s32 $0x40, s1;
	v7 =	vld [tilespmem:s2+$0x13880];
	[tilespmem:s0+$0x14160] =	vst v8;
	s0 =	smov.u32 s2  }
0xf2: {  	_ =	sdelay $0x3  }
0xf3: {  	v8 =	vshra.s32 v7, $0x1F  }
0xf4: {  	v8 =	vor.u32 $0x80000000, v8  }
0xf5: {  	v7 =	vxor.u32 v7, v8  }
0xf6: {  	v6 =	vbroadcast v6, $0x0;
	s1 =	simm.s32 $0x0;
	s2 =	simm.s32 $0x0;
	[tilespmem:s0+$0x14160] =	vst v7;
	s0 =	simm.s32 $0x0  }
.LBB2_19:
0xf7: {  	s3 =	simm.s32 $0x14160  }
0xf8: {  	v9 =	vld [tilespmem:s3+$0x0];
	_ =	sdelay $0x1  }
0xf9: {  	s31 =	sshrl.u32 s10, s2  }
0xfa: {  	s3 =	sor.u32 s31, s1  }
0xfb: {  	v10 =	vor.u32 s0, v1;
	v8 =	vmov s3  }
0xfc: {  	v7 =	vimm.s32 $0x0;
	s4 =	simm.s32 $0x10;
	s5 =	simm.s32 $0x14170;
	vm0 =	vlt.s32 v10, v6;
	vm9 =	vge.u32 v9, v8  }
.LBB2_20:
0xfd: {  	v9 =	vld [tilespmem:s5+$0x0];
	p0 =	sne.s32 s4, $0x460;
	vm0 =	vmand vm0, vm9;
	s6 =	smov.u32 s4;
	s4 =	sadd.s32 $0x10, s4  }
.Ltmp10:
0xfe: {  	v10 =	vsel vm0, $0x1, v0;
	(pc) =	sbr.rel @p0 .LBB2_20-.Ltmp10, $3  }
0xff: {  	v7 =	vadd.s32 v10, v7;
	_ =	sdelay $0x1  }
0x100: {  	v10 =	vor.u32 s6, v1  }
0x101: {  	s5 =	sadd.s32 $0x10, s5;
	vm0 =	vlt.s32 v10, v6;
	vm9 =	vge.u32 v9, v8  }
0x102: {  	vm0 =	vmand vm0, vm9  }
0x103: {  	v8 =	vsel vm0, $0x1, v0  }
0x104: {  	v7 =	vadd.s32 v8, v7  }
0x105: {  	(xrf0) =	vadd.scan.msk.s32 $0xffff, v7;
	_ =	sdelay $0x5  }
0x106: {  	v7, _, _ =	vpop (xrf0)  }
0x107: {  	(v2sf) =	vpush v7, $0xF;
	_ =	sdelay $0xa  }
0x108: {  	s2 =	sadd.s32 $0x1, s2  }
0x109: {  	p1 =	sne.s32 s2, $0x20  }
.Ltmp11:
0x10a: {  	_ = 	snop;
	(pc) =	sbr.rel @p1 .LBB2_19-.Ltmp11, $4  }
0x10b: {  	_ = 	snop  }
0x10c: {  	s4 =	spop (v2sf)  }
0x10d: {  	p0 =	sgt.s32 s4, $0x12B  }
0x10e: {  	s1 =	smov.u32 @p0 s3  }
0x10f: {  	s0 =	simm.s32 $0x14160  }
0x110: {  	v9 =	vld [tilespmem:s0+$0x0];
	_ =	sdelay $0x2  }
0x111: {  	s31 =	sadd.s32 $0x1, s1;
	s2 =	simm.s32 $0x0  }
0x112: {  	v8 =	vmov s31;
	v10 =	vor.u32 s2, v1  }
0x113: {  	v7 =	vimm.s32 $0x0;
	s0 =	simm.s32 $0x10;
	s2 =	simm.s32 $0x14170;
	vm0 =	vlt.s32 v10, v6;
	vm9 =	vge.u32 v9, v8  }
.LBB2_23:
0x114: {  	v9 =	vld [tilespmem:s2+$0x0];
	p0 =	sne.s32 s0, $0x460;
	vm0 =	vmand vm0, vm9;
	s3 =	smov.u32 s0;
	s0 =	sadd.s32 $0x10, s0  }
.Ltmp12:
0x115: {  	v10 =	vsel vm0, $0x1, v0;
	(pc) =	sbr.rel @p0 .LBB2_23-.Ltmp12, $3  }
0x116: {  	v7 =	vadd.s32 v10, v7;
	_ =	sdelay $0x1  }
0x117: {  	v10 =	vor.u32 s3, v1  }
0x118: {  	s2 =	sadd.s32 $0x10, s2;
	vm0 =	vlt.s32 v10, v6;
	vm9 =	vge.u32 v9, v8  }
0x119: {  	vm0 =	vmand vm0, vm9  }
0x11a: {  	v8 =	vsel vm0, $0x1, v0  }
0x11b: {  	v7 =	vadd.s32 v8, v7  }
0x11c: {  	(xrf0) =	vadd.scan.msk.s32 $0xffff, v7;
	_ =	sdelay $0x5  }
0x11d: {  	v7, _, _ =	vpop (xrf0)  }
0x11e: {  	(v2sf) =	vpush v7, $0xF  }
0x11f: {  	s0 =	simm.s32 $0x14160  }
0x120: {  	v9 =	vld [tilespmem:s0+$0x0];
	_ =	sdelay $0x2  }
0x121: {  	s0 =	simm.s32 $0x0  }
0x122: {  	v8 =	vor.u32 s0, v1;
	v7 =	vmov s1  }
0x123: {  	vm0 =	vlt.s32 v8, v6;
	vm9 =	veq.s32 v9, v7  }
0x124: {  	vm9 =	vmand vm0, vm9  }
0x125: {  	vm10 =	vgt.u32 v9, v7;
	v8 =	vsel vm9, $0x1, v0;
	v9 =	vmpcnt.ones.xlane vm9  }
0x126: {  	(xrf0) =	vadd.scan.msk.s32 $0xffff, v8  }
0x127: {  	(v2sf) =	vpush v9, $0x0;
	_ =	sdelay $0x3  }
0x128: {  	s2 =	simm.s32 $0x13880;
	s31 =	spop (v2sf)  }
0x129: {  	v10 =	vld [tilespmem:s2+$0x0];
	s1 =	simm.s32 $0x13CF0;
	v11, _, _ =	vpop (xrf0);
	s3 =	ssub.s32 $0x12C, s31  }
0x12a: {  	v12 =	vld [tilespmem:s1+$0x0];
	v11 =	vadd.s32 s0, v11;
	v8 =	vmov s3  }
0x12b: {  	vm11 =	vle.s32 v11, v8  }
0x12c: {  	vm0 =	vmand vm0, vm10;
	vm10 =	vmand vm9, vm11  }
0x12d: {  	vm0 =	vmor vm0, vm10  }
0x12e: {  	[tilespmem:s0+$0x13880] =	vst.msk vm0, v10;
	v10 =	vmpcnt.ones.xlane vm0  }
0x12f: {  	s4 =	simm.s32 $0x14170;
	[tilespmem:s0+$0x13CF0] =	vst.msk vm0, v12  }
0x130: {  	s5 =	simm.s32 $0x10;
	s6 =	simm.s32 $0x20;
	s3 =	simm.s32 $0x0;
	v9 =	vld [tilespmem:s4+$0x0];
	(v2sf) =	vpush v10, $0x0  }
.LBB2_25:
0x131: {  	p0 =	sne.s32 s6, $0x460;
	_ =	sdelay $0x1  }
0x132: {  	s7 =	spop (v2sf)  }
0x133: {  	v10 =	vor.u32 s5, v1;
	s5 =	smov.u32 s6;
	s0 =	sadd.s32 s0, s7  }
0x134: {  	vm0 =	vlt.s32 v10, v6;
	vm9 =	veq.s32 v9, v7  }
0x135: {  	vm9 =	vmand vm0, vm9  }
0x136: {  	v10 =	vsel vm9, $0x1, v0;
	v11 =	vmpcnt.ones.xlane vm9  }
0x137: {  	(xrf0) =	vadd.scan.msk.s32 $0xffff, v10  }
0x138: {  	(v2sf) =	vpush v11, $0x0;
	_ =	sdelay $0x3  }
0x139: {  	s2 =	sadd.s32 $0x10, s2  }
0x13a: {  	s1 =	sadd.s32 $0x10, s1;
	v10 =	vld [tilespmem:s2+$0x0];
	v11, _, _ =	vpop (xrf0)  }
0x13b: {  	v12 =	vld [tilespmem:s1+$0x0];
	v11 =	vadd.s32 s0, v11;
	s7 =	spop (v2sf)  }
0x13c: {  	vm10 =	vgt.u32 v9, v7;
	vm11 =	vle.s32 v11, v8;
	s3 =	sadd.s32 s3, s7  }
.Ltmp13:
0x13d: {  	vm0 =	vmand vm0, vm10;
	vm9 =	vmand vm9, vm11;
	(pc) =	sbr.rel @p0 .LBB2_25-.Ltmp13, $4  }
0x13e: {  	vm0 =	vmor vm0, vm9  }
0x13f: {  	[tilespmem:s3+$0x13880] =	vst.msk vm0, v10;
	v10 =	vmpcnt.ones.xlane vm0  }
0x140: {  	s4 =	sadd.s32 $0x10, s4;
	[tilespmem:s3+$0x13CF0] =	vst.msk vm0, v12  }
0x141: {  	s6 =	sadd.s32 $0x10, s6;
	v9 =	vld [tilespmem:s4+$0x0];
	(v2sf) =	vpush v10, $0x0  }
0x142: {  	_ =	sdelay $0x2  }
0x143: {  	v10 =	vor.u32 s5, v1  }
0x144: {  	vm9 =	vlt.s32 v10, v6;
	vm0 =	veq.s32 v9, v7  }
0x145: {  	vm0 =	vmand vm9, vm0  }
0x146: {  	v6 =	vsel vm0, $0x1, v0  }
0x147: {  	(xrf0) =	vadd.scan.msk.s32 $0xffff, v6;
	_ =	sdelay $0x4  }
0x148: {  	s2 =	sadd.s32 $0x10, s2;
	s4 =	spop (v2sf)  }
0x149: {  	s0 =	sadd.s32 s0, s4;
	v6 =	vld [tilespmem:s2+$0x0];
	v10, _, _ =	vpop (xrf0)  }
0x14a: {  	v10 =	vadd.s32 s0, v10  }
0x14b: {  	vm10 =	vgt.u32 v9, v7;
	vm11 =	vle.s32 v10, v8  }
0x14c: {  	s1 =	sadd.s32 $0x10, s1;
	vm9 =	vmand vm9, vm10;
	s17 =	spop (v2sf);
	vm10 =	vmand vm0, vm11  }
0x14d: {  	v11 =	vld [tilespmem:s1+$0x0];
	s0 =	sadd.s32 s3, s17;
	vm9 =	vmor vm9, vm10;
	vm10 =	vgt.s32 v7, $0xFFFFFFFF  }
0x14e: {  	[tilespmem:s0+$0x13880] =	vst.msk vm9, v6;
	v6 =	vsel vm10, $0xFFFFFFFF, v2;
	vm10 =	vcmask $0x3F30;
	_ =	sdelay $0x3  }
0x14f: {  	[tilespmem:s0+$0x13CF0] =	vst.msk vm9, v11;
	v6 =	vxor.u32 v7, v6  }
0x150: {  	[tilespmem:$0x160D0] =	vst v6  }
0x151: {  	[tilespmem:v3+s8+$0x0] =	vst.idx.msk vm10, v4  }
0x152: {  	[tilespmem:v3+s9+$0x0] =	vst.idx.msk vm10, v0  }
0x153: {  	[tilespmem:$0x139B0] =	vst v4  }
0x154: {  	[tilespmem:$0x13E20] =	vst v0  }
0x155: {  	[tilespmem:$0x139C0] =	vst v4  }
0x156: {  	[tilespmem:$0x13E30] =	vst v0  }
0x157: {  	[tilespmem:$0x139D0] =	vst v4  }
0x158: {  	[tilespmem:$0x13E40] =	vst v0  }
0x159: {  	[tilespmem:$0x139E0] =	vst v4  }
0x15a: {  	[tilespmem:$0x13E50] =	vst v0  }
0x15b: {  	[tilespmem:$0x139F0] =	vst v4  }
0x15c: {  	s26 =	simm.s32 $0x0;
	[tilespmem:$0x13E60] =	vst v0  }
0x15d: {  	v6 =	vld [tilespmem:s26+$0x13CF0]  }
0x15e: {  	v7 =	vmpcnt.ones.xlane vm0  }
0x15f: {  	v8 =	vmpcnt.ones.xlane vm9  }
0x160: {  	(v2sf) =	vpush v7, $0x0  }
0x161: {  	(v2sf) =	vpush v8, $0x0  }
0x162: {  	(v2sf) =	vpush v6, $0xC  }
0x163: {  	(v2sf) =	vpush v6, $0x4;
	_ =	sdelay $0x1  }
0x164: {  	(v2sf) =	vpush v6, $0x2;
	_ =	sdelay $0x1  }
0x165: {  	(v2sf) =	vpush v6, $0x7;
	_ =	sdelay $0x1  }
0x166: {  	(v2sf) =	vpush v6, $0xD  }
0x167: {  	(v2sf) =	vpush v6, $0x0;
	_ =	sdelay $0x1  }
0x168: {  	(v2sf) =	vpush v6, $0xE  }
0x169: {  	(v2sf) =	vpush v6, $0xB  }
0x16a: {  	(v2sf) =	vpush v6, $0x3  }
0x16b: {  	s18 =	spop (v2sf);
	(v2sf) =	vpush v6, $0xF  }
0x16c: {  	s19 =	spop (v2sf);
	(v2sf) =	vpush v6, $0x8  }
0x16d: {  	(v2sf) =	vpush v6, $0x9;
	s0 =	spop (v2sf)  }
0x16e: {  	s20 =	spop (v2sf);
	s4 =	smulhi.u32 $0x66666667, s0  }
0x16f: {  	s0 =	sshra.s32 s0, $0x1F;
	s6 =	smulhi.u32 $0x66666667, s20  }
0x170: {  	s21 =	spop (v2sf);
	s16 =	smul.u32 $0x66666667, s0  }
0x171: {  	(v2sf) =	vpush v6, $0x1;
	s1 =	sshra.s32 s20, $0x1F;
	s23 =	smulhi.u32 $0x66666667, s21  }
0x172: {  	(v2sf) =	vpush v6, $0xA;
	s22 =	spop (v2sf);
	s1 =	smul.u32 $0x66666667, s1  }
0x173: {  	[dreg:$0x10] =	wrdreg s13;
	s24 =	sshra.s32 s22, $0x1F;
	s5 =	smulhi.u32 $0x66666667, s22  }
0x174: {  	s7 =	spop (v2sf);
	s11 =	smul.u32 $0x66666667, s24  }
0x175: {  	(v2sf) =	vpush v6, $0x5;
	s8 =	spop (v2sf);
	s14 =	smulhi.u32 $0x66666667, s7  }
0x176: {  	(v2sf) =	vpush v6, $0x6;
	[dreg:$0x3] =	wrdreg s23;
	s7 =	sshra.s32 s7, $0x1F;
	s19 =	smulhi.u32 $0x66666667, s8  }
0x177: {  	s10 =	spop (v2sf);
	s7 =	smul.u32 $0x66666667, s7  }
0x178: {  	s23 =	sshra.s32 s21, $0x1F;
	s12 =	spop (v2sf);
	s21 =	smulhi.u32 $0x66666667, s10  }
0x179: {  	s10 =	sshra.s32 s10, $0x1F;
	s18 =	spop (v2sf);
	s15 =	smulhi.u32 $0x66666667, s12  }
0x17a: {  	s10 =	smul.u32 $0x66666667, s10;
	s2 =	spop (v2sf)  }
0x17b: {  	s25 =	smulhi.u32 $0x66666667, s18;
	s9 =	spop (v2sf)  }
0x17c: {  	s8 =	sshra.s32 s8, $0x1F;
	s17 =	spop (v2sf);
	s20 =	smulhi.u32 $0x66666667, s9  }
0x17d: {  	[dreg:$0x4] =	wrdreg s25;
	s28 =	sshra.s32 s9, $0x1F;
	s25 =	smulhi.u32 $0x66666667, s17  }
0x17e: {  	s0 =	sadd.s32 s11, s5;
	s9 =	sshra.s32 s2, $0x1F;
	s28 =	smul.u32 $0x66666667, s28  }
0x17f: {  	s12 =	sshra.s32 s12, $0x1F;
	s5 =	sshra.s32 s18, $0x1F;
	s11 =	smul.u32 $0x66666667, s9  }
0x180: {  	s22 =	sshra.s32 s17, $0x1F;
	s9 =	smul.u32 $0x66666667, s8;
	s24 =	spop (v2sf)  }
0x181: {  	s17 =	sadd.s32 s7, s14;
	s22 =	smul.u32 $0x66666667, s22;
	s29 =	spop (v2sf)  }
0x182: {  	s30 =	sshra.s32 s24, $0x1F;
	s3 =	smulhi.u32 $0x66666667, s29;
	s14 =	sshra.s32 s29, $0x1F  }
0x183: {  	s29 =	sadd.s32 s16, s4;
	s4 =	sadd.s32 s22, s25;
	s7 =	smul.u32 $0x66666667, s14  }
0x184: {  	s25 =	spop (v2sf);
	s14 =	smulhi.u32 $0x66666667, s24;
	s24 =	sadd.s32 s28, s20  }
0x185: {  	s20 =	smulhi.u32 $0x66666667, s25;
	s28 =	sadd.s32 s1, s6;
	s6 =	spop (v2sf)  }
0x186: {  	s31 =	sshrl.u32 s29, $0x1F;
	s8 =	smulhi.u32 $0x66666667, s6;
	s1 =	sshrl.u32 s28, $0x1F  }
0x187: {  	s22 =	sshra.s32 s28, $0x5;
	v9 =	vmov s31;
	s31 =	simm.s32 $0x10;
	s16 =	sadd.s32 s7, s3  }
0x188: {  	s7 =	sshra.s32 s29, $0x5;
	s3 =	smulhi.u32 $0x66666667, s2;
	s2 =	sshra.s32 s25, $0x1F  }
0x189: {  	s25 =	sshra.s32 s6, $0x1F;
	s6 =	sadd.s32 s10, s21;
	s10 =	smul.u32 $0x66666667, s30  }
0x18a: {  	s29 =	sshrl.u32 s4, $0x1F;
	s21 =	smul.u32 $0x66666667, s25;
	s25 =	sadd.s32 s9, s19  }
0x18b: {  	s19 =	sshra.s32 s28, $0x1F;
	s18 =	sadd.s32 s11, s3;
	s3 =	sshrl.u32 s24, $0x1F  }
0x18c: {  	s9 =	smul.u32 $0x3E8, s13;
	s28 =	simm.s32 $0x0;
	s13 =	sshra.s32 s0, $0x1F;
	v8 =	vmov s3  }
0x18d: {  	vm11 =	vcmask $0x2F2C;
	s30 =	sshrl.u32 s16, $0x1F;
	s11 =	smul.u32 $0x66666667, s12;
	v11 =	vmov s13;
	v8 =	vsel vm1, s29, v8;
	s29 =	sshrl.u32 s17, $0x1F  }
0x18e: {  	s24 =	sshra.s32 s24, $0x5;
	v7 =	vmov s9;
	v9 =	vsel vm1, s29, v9;
	v10 =	vsel vm2, s30, v8;
	s30 =	simm.s32 $0x40;
	s29 =	simm.s32 $0x0  }
.LBB2_27:
0x18f: {  	s12 =	smul.u32 $0x66666667, s23  }
0x190: {  	s3 =	sshra.s32 s25, $0x5;
	s2 =	smul.u32 $0x66666667, s2  }
0x191: {  	s5 =	smul.u32 $0x66666667, s5;
	s9 =	sshra.s32 s25, $0x1F;
	s4 =	sshra.s32 s4, $0x5  }
0x192: {  	s11 =	sadd.s32 s11, s15;
	s10 =	sadd.s32 s10, s14;
	v8 =	vsel vm4, s3, v11;
	s3 =	rddreg [dreg:$0x3]  }
0x193: {  	vm0 =	vcmask $0x704;
	v11 =	vmov s24;
	s24 =	sshra.s32 s17, $0x5;
	s17 =	sshra.s32 s6, $0x5;
	s12 =	sadd.s32 s12, s3  }
0x194: {  	v12 =	vmov s7;
	s3 =	sadd.s32 s2, s20;
	s2 =	sadd.s32 s21, s8;
	v8 =	vsel vm0, s9, v8;
	s21 =	sshra.s32 s10, $0x5  }
0x195: {  	s13 =	sshrl.u32 s11, $0x1F;
	s9 =	rddreg [dreg:$0x4];
	s23 =	sshra.s32 s10, $0x1F;
	vm0 =	vcmask $0xF0C;
	v12 =	vsel vm1, s24, v12;
	v8 =	vsel vm1, s21, v8  }
0x196: {  	v11 =	vsel vm1, s4, v11;
	s20 =	sshra.s32 s16, $0x5;
	s8 =	sshrl.u32 s6, $0x1F;
	v10 =	vsel vm3, s13, v10;
	s14 =	sshra.s32 s12, $0x5;
	v8 =	vsel vm0, s23, v8  }
0x197: {  	s5 =	sadd.s32 s5, s9;
	s9 =	sshra.s32 s18, $0x5;
	s21 =	sshra.s32 s12, $0x1F;
	v12 =	vsel vm2, s17, v12;
	v11 =	vsel vm2, s20, v11;
	v8 =	vsel vm2, s14, v8  }
0x198: {  	s24 =	sshra.s32 s11, $0x5;
	v9 =	vsel vm2, s8, v9;
	s23 =	sshrl.u32 s25, $0x1F;
	s25 =	sshra.s32 s5, $0x5;
	v12 =	vsel vm3, s9, v12;
	v8 =	vsel vm14, s21, v8  }
0x199: {  	v11 =	vsel vm3, s24, v11;
	s7 =	sshra.s32 s5, $0x1F;
	v13 =	vmov s23;
	v8 =	vsel vm3, s25, v8  }
0x19a: {  	s9 =	sshrl.u32 s10, $0x1F;
	s10 =	sshrl.u32 s18, $0x1F;
	v11 =	vcombine.low v11, v12;
	v62 =	vnsel vm4, $0x0, v13;
	v8 =	vsel vm15, s7, v8  }
0x19b: {  	s11 =	sshrl.u32 s12, $0x1F;
	v9 =	vsel vm3, s10, v9;
	v12 =	vsel vm1, s9, v62;
	v8 =	vsel vm5, s22, v8  }
0x19c: {  	s13 =	sshra.s32 s3, $0x5;
	s12 =	sshrl.u32 s5, $0x1F;
	v9 =	vcombine.low v10, v9;
	v10 =	vsel vm2, s11, v12;
	v8 =	vsel vm13, s19, v8  }
0x19d: {  	s14 =	sshra.s32 s3, $0x1F;
	v10 =	vsel vm3, s12, v10;
	v8 =	vsel vm6, s13, v8  }
0x19e: {  	s16 =	sshra.s32 s2, $0x5;
	s3 =	sshrl.u32 s3, $0x1F;
	v10 =	vsel vm5, s1, v10;
	v63 =	vsel vm11, s14, v8  }
0x19f: {  	s17 =	sshrl.u32 s2, $0x1F;
	s2 =	sshra.s32 s2, $0x1F;
	v11 =	vperm.xlane v11, v5;
	v10 =	vsel vm6, s3, v10;
	v12 =	vsel vm7, s16, v63  }
0x1a0: {  	s18 =	sshrl.u32 s0, $0x1F;
	s19 =	sshra.s32 s0, $0x5;
	v8 =	vmul.u32 $0x2, v1;
	v10 =	vsel vm7, s17, v10;
	v12 =	vsel vm12, s2, v12  }
0x1a1: {  	v9 =	vperm.xlane v9, v5;
	v10 =	vsel vm8, s18, v10;
	v12 =	vsel vm8, s19, v12  }
0x1a2: {  	v10 =	vperm.xlane v10, v8;
	v12 =	vperm.xlane v12, v8  }
0x1a3: {  	vm0 =	vmmov $0xff  }
0x1a4: {  	v9 =	vsel vm0, v10, v9;
	v11 =	vsel vm0, v12, v11  }
0x1a5: {  	v9 =	vadd.s32 v9, v11  }
0x1a6: {  	v10 =	vmul.u32 $0xFFFFFFB0, v9  }
0x1a7: {  	v11 =	vsub.s32 $0x0, v6  }
0x1a8: {  	vm9 =	vlt.s32 v6, $0x1;
	vm10 =	vne.s32 v10, v11  }
0x1a9: {  	vm9 =	vmand vm9, vm10  }
0x1aa: {  	v10 =	vsel vm9, $0xFFFFFFFF, v0  }
0x1ab: {  	v9 =	vadd.s32 v10, v9  }
0x1ac: {  	v10 =	vmul.u32 $0xFFFFFFB0, v9  }
0x1ad: {  	s21 =	sand.u32 $0x600, s28  }
0x1ae: {  	s15 =	smov.u32 s30;
	s23 =	sand.u32 $0x70, s29;
	s1 =	sshrl.u32 s21, $0x2;
	v6 =	vadd.s32 v6, v10  }
0x1af: {  	s20 =	sshra.s32 s15, $0x2;
	s1 =	sor.u32 s23, s1;
	[tilespmem:s26+$0x14750] =	vst v6;
	v6 =	vadd.s32 v7, v9  }
0x1b0: {  	s25 =	smov.u32 s20;
	[tilespmem:s1+$0x145D0] =	vst v6  }
0x1b1: {  	v6 =	vld [tilespmem:s25+$0x13CF0];
	_ =	sdelay $0x4  }
0x1b2: {  	(v2sf) =	vpush v6, $0xC  }
0x1b3: {  	(v2sf) =	vpush v6, $0x4;
	_ =	sdelay $0x1  }
0x1b4: {  	(v2sf) =	vpush v6, $0x2;
	_ =	sdelay $0x1  }
0x1b5: {  	(v2sf) =	vpush v6, $0x7;
	_ =	sdelay $0x1  }
0x1b6: {  	(v2sf) =	vpush v6, $0xD  }
0x1b7: {  	(v2sf) =	vpush v6, $0x0  }
0x1b8: {  	(v2sf) =	vpush v6, $0xE  }
0x1b9: {  	(v2sf) =	vpush v6, $0xB;
	_ =	sdelay $0x1  }
0x1ba: {  	(v2sf) =	vpush v6, $0x3  }
0x1bb: {  	(v2sf) =	vpush v6, $0xF  }
0x1bc: {  	(v2sf) =	vpush v6, $0x8  }
0x1bd: {  	(v2sf) =	vpush v6, $0x9;
	s26 =	spop (v2sf)  }
0x1be: {  	s24 =	smov.u32 s31;
	s5 =	spop (v2sf);
	s4 =	smulhi.u32 $0x66666667, s26  }
0x1bf: {  	[dreg:$0x7] =	wrdreg s24;
	(v2sf) =	vpush v6, $0x1;
	s0 =	sshra.s32 s26, $0x1F;
	s1 =	smulhi.u32 $0x66666667, s5  }
0x1c0: {  	s6 =	spop (v2sf);
	s26 =	smul.u32 $0x66666667, s0  }
0x1c1: {  	[dreg:$0x6] =	wrdreg s25;
	s2 =	sshra.s32 s5, $0x1F;
	s3 =	smulhi.u32 $0x66666667, s6  }
0x1c2: {  	s22 =	smov.u32 s15;
	(v2sf) =	vpush v6, $0xA;
	s7 =	spop (v2sf);
	s18 =	smul.u32 $0x66666667, s2  }
0x1c3: {  	[dreg:$0x5] =	wrdreg s22;
	s8 =	sshra.s32 s7, $0x1F;
	s5 =	smulhi.u32 $0x66666667, s7  }
0x1c4: {  	p0 =	sne.s32 s30, $0x5C0;
	(v2sf) =	vpush v6, $0x5;
	s9 =	spop (v2sf);
	s14 =	smul.u32 $0x66666667, s8  }
0x1c5: {  	s30 =	sadd.s32 $0x40, s30;
	(v2sf) =	vpush v6, $0x6;
	s16 =	spop (v2sf);
	s7 =	smulhi.u32 $0x66666667, s9  }
0x1c6: {  	s10 =	sshra.s32 s9, $0x1F;
	s12 =	spop (v2sf);
	s25 =	smulhi.u32 $0x66666667, s16  }
0x1c7: {  	s23 =	sshra.s32 s6, $0x1F;
	s2 =	smul.u32 $0x66666667, s10;
	s17 =	spop (v2sf)  }
0x1c8: {  	s19 =	sshra.s32 s12, $0x1F;
	s12 =	smulhi.u32 $0x66666667, s12;
	s6 =	sshra.s32 s17, $0x1F  }
0x1c9: {  	s13 =	spop (v2sf);
	s15 =	smulhi.u32 $0x66666667, s17;
	s17 =	sadd.s32 s2, s7  }
0x1ca: {  	s7 =	sadd.s32 s26, s4;
	s24 =	smulhi.u32 $0x66666667, s13;
	s21 =	spop (v2sf)  }
0x1cb: {  	s22 =	sshra.s32 s21, $0x1F;
	s20 =	spop (v2sf);
	s21 =	smulhi.u32 $0x66666667, s21  }
0x1cc: {  	s4 =	sshrl.u32 s7, $0x1F;
	s11 =	spop (v2sf);
	s26 =	smulhi.u32 $0x66666667, s20  }
0x1cd: {  	v9 =	vmov s4;
	[dreg:$0x4] =	wrdreg s24;
	s24 =	sshra.s32 s20, $0x1F;
	s4 =	smulhi.u32 $0x66666667, s11  }
0x1ce: {  	s0 =	sadd.s32 s14, s5;
	s9 =	spop (v2sf);
	s24 =	smul.u32 $0x66666667, s24  }
0x1cf: {  	s8 =	sshrl.u32 s17, $0x1F;
	s28 =	sshra.s32 s11, $0x1F;
	s14 =	smulhi.u32 $0x66666667, s9  }
0x1d0: {  	s31 =	sadd.s32 $0x10, s31;
	[dreg:$0x3] =	wrdreg s3;
	v9 =	vsel vm1, s8, v9;
	s8 =	smul.u32 $0x66666667, s28  }
0x1d1: {  	s29 =	spop (v2sf);
	s24 =	sadd.s32 s24, s26;
	s26 =	smul.u32 $0x66666667, s19  }
0x1d2: {  	s10 =	sshra.s32 s9, $0x1F;
	s9 =	sshra.s32 s29, $0x1F;
	s19 =	smul.u32 $0x66666667, s22  }
0x1d3: {  	s3 =	sshra.s32 s0, $0x1F;
	s9 =	smul.u32 $0x66666667, s9;
	s11 =	spop (v2sf)  }
0x1d4: {  	s5 =	sshra.s32 s13, $0x1F;
	s20 =	smulhi.u32 $0x66666667, s11;
	s13 =	spop (v2sf)  }
0x1d5: {  	s7 =	sshra.s32 s7, $0x5;
	s4 =	sadd.s32 s8, s4;
	s8 =	smulhi.u32 $0x66666667, s13  }
0x1d6: {  	s2 =	sshra.s32 s11, $0x1F;
	s11 =	sshra.s32 s13, $0x1F;
	s13 =	smulhi.u32 $0x66666667, s29  }
0x1d7: {  	s28 =	sshra.s32 s16, $0x1F;
	s10 =	smul.u32 $0x66666667, s10;
	s16 =	sshrl.u32 s24, $0x1F  }
0x1d8: {  	v10 =	vmov s16;
	s29 =	sshrl.u32 s4, $0x1F;
	s16 =	sadd.s32 s9, s13;
	s13 =	smul.u32 $0x66666667, s28  }
.Ltmp14:
0x1d9: {  	s24 =	sshra.s32 s24, $0x5;
	v10 =	vsel vm1, s29, v10;
	s29 =	rddreg [dreg:$0x7];
	(pc) =	sbr.rel @p0 .LBB2_27-.Ltmp14, $4  }
0x1da: {  	s9 =	sadd.s32 s18, s1;
	s18 =	sadd.s32 s19, s21;
	s21 =	smul.u32 $0x66666667, s11  }
0x1db: {  	s28 =	rddreg [dreg:$0x5];
	s11 =	smul.u32 $0x66666667, s6;
	s1 =	sshrl.u32 s9, $0x1F  }
0x1dc: {  	s22 =	sshra.s32 s9, $0x5;
	s19 =	sshra.s32 s9, $0x1F;
	s9 =	sshrl.u32 s16, $0x1F  }
0x1dd: {  	v11 =	vmov s3;
	s6 =	sadd.s32 s26, s12;
	s26 =	rddreg [dreg:$0x6];
	v10 =	vsel vm2, s9, v10;
	s25 =	sadd.s32 s13, s25  }
0x1de: {  	s3 =	sshra.s32 s25, $0x5;
	s9 =	sadd.s32 s10, s14;
	s31 =	smul.u32 $0x66666667, s23  }
0x1df: {  	s12 =	sshra.s32 s25, $0x1F;
	vm9 =	vcmask $0x704;
	s11 =	sadd.s32 s11, s15;
	s15 =	rddreg [dreg:$0x4];
	v11 =	vsel vm4, s3, v11  }
0x1e0: {  	s5 =	smul.u32 $0x66666667, s5;
	s13 =	sshra.s32 s9, $0x5;
	v11 =	vsel vm9, s12, v11;
	s12 =	rddreg [dreg:$0x3]  }
0x1e1: {  	s30 =	sshra.s32 s17, $0x5;
	s14 =	sshra.s32 s9, $0x1F;
	vm9 =	vcmask $0xF0C;
	s3 =	sadd.s32 s31, s12;
	v11 =	vsel vm1, s13, v11  }
0x1e2: {  	v12 =	vmov s24;
	v13 =	vmov s7;
	s4 =	sshra.s32 s4, $0x5;
	s24 =	sshrl.u32 s11, $0x1F;
	v11 =	vsel vm9, s14, v11;
	s23 =	sshra.s32 s3, $0x5  }
0x1e3: {  	v13 =	vsel vm1, s30, v13;
	v12 =	vsel vm1, s4, v12;
	s5 =	sadd.s32 s5, s15;
	s12 =	sshrl.u32 s25, $0x1F;
	s31 =	sshra.s32 s3, $0x1F;
	v11 =	vsel vm2, s23, v11  }
0x1e4: {  	s2 =	smul.u32 $0x66666667, s2;
	s16 =	sshra.s32 s16, $0x5;
	v10 =	vsel vm3, s24, v10;
	s13 =	sshra.s32 s5, $0x5;
	v14 =	vmov s12;
	v11 =	vsel vm14, s31, v11  }
0x1e5: {  	s17 =	sshrl.u32 s9, $0x1F;
	s30 =	sshrl.u32 s6, $0x1F;
	v12 =	vsel vm2, s16, v12;
	s15 =	sshra.s32 s5, $0x1F;
	v14 =	vnsel vm4, $0x0, v14;
	v11 =	vsel vm3, s13, v11  }
0x1e6: {  	v9 =	vsel vm2, s30, v9;
	s14 =	sshra.s32 s6, $0x5;
	s3 =	sshrl.u32 s3, $0x1F;
	v14 =	vsel vm1, s17, v14;
	v11 =	vsel vm15, s15, v11  }
0x1e7: {  	s2 =	sadd.s32 s2, s20;
	s5 =	sshrl.u32 s5, $0x1F;
	v13 =	vsel vm2, s14, v13;
	s23 =	sshra.s32 s11, $0x5;
	v14 =	vsel vm2, s3, v14;
	v11 =	vsel vm5, s22, v11  }
0x1e8: {  	s24 =	sshra.s32 s2, $0x5;
	v12 =	vsel vm3, s23, v12;
	v14 =	vsel vm3, s5, v14;
	s5 =	sshrl.u32 s18, $0x1F;
	v11 =	vsel vm13, s19, v11  }
0x1e9: {  	s25 =	sadd.s32 s21, s8;
	s31 =	sshra.s32 s2, $0x1F;
	s22 =	sshra.s32 s18, $0x5;
	v14 =	vsel vm5, s1, v14;
	v9 =	vsel vm3, s5, v9;
	v11 =	vsel vm6, s24, v11  }
0x1ea: {  	s6 =	sshra.s32 s25, $0x5;
	s2 =	sshrl.u32 s2, $0x1F;
	v13 =	vsel vm3, s22, v13;
	v9 =	vcombine.low v10, v9;
	v11 =	vsel vm11, s31, v11  }
0x1eb: {  	s8 =	sshra.s32 s25, $0x1F;
	s9 =	sshrl.u32 s25, $0x1F;
	v14 =	vsel vm6, s2, v14;
	v12 =	vcombine.low v12, v13;
	v11 =	vsel vm7, s6, v11  }
0x1ec: {  	s10 =	sshra.s32 s0, $0x5;
	s11 =	sshrl.u32 s0, $0x1F;
	v59 =	vsel vm7, s9, v14;
	v9 =	vperm.xlane v9, v5;
	v58 =	vsel vm12, s8, v11  }
0x1ed: {  	v12 =	vperm.xlane v12, v5;
	v11 =	vsel vm8, s11, v59;
	v10 =	vsel vm8, s10, v58  }
0x1ee: {  	v60 =	vperm.xlane v11, v8;
	v10 =	vperm.xlane v10, v8;
	_ =	sdelay $0x1  }
0x1ef: {  	v8 =	vsel vm0, v60, v9;
	v10 =	vsel vm0, v10, v12  }
0x1f0: {  	v8 =	vadd.s32 v8, v10  }
0x1f1: {  	v61 =	vmul.u32 $0xFFFFFFB0, v8  }
0x1f2: {  	v62 =	vsub.s32 $0x0, v6  }
0x1f3: {  	vm0 =	vlt.s32 v6, $0x1;
	vm9 =	vne.s32 v61, v62  }
0x1f4: {  	vm0 =	vmand vm0, vm9  }
0x1f5: {  	v63 =	vsel vm0, $0xFFFFFFFF, v0  }
0x1f6: {  	v8 =	vadd.s32 v63, v8  }
0x1f7: {  	v9 =	vmul.u32 $0xFFFFFFB0, v8  }
0x1f8: {  	s12 =	sand.u32 $0x600, s28  }
0x1f9: {  	s0 =	sshrl.u32 s12, $0x2;
	s13 =	sand.u32 $0x70, s29;
	v6 =	vadd.s32 v6, v9  }
0x1fa: {  	s16 =	simm.s32 $0x145D0;
	s0 =	sor.u32 s13, s0;
	[tilespmem:s26+$0x14750] =	vst v6;
	v6 =	vadd.s32 v7, v8  }
0x1fb: {  	s14 =	rddreg [dreg:$0x9];
	s17 =	simm.s32 $0x148D0;
	s15 =	simm.s32 $0x80;
	[tilespmem:s0+$0x145D0] =	vst v6  }
0x1fc: {  	[tilespmem:s17], [sflag:$0x1] =	stream.indirect.gather [hbm4b:s14+s15], $0x10, s16, s15, $0xb8;
	[tilespmem:$0x160E0] =	vst v63  }
0x1fd: {  	s18 =	simm.s32 $0x14650;
	s19 =	simm.s32 $0x150D0  }
0x1fe: {  	[tilespmem:s19], [sflag:$0x1] =	stream.indirect.gather [hbm4b:s14+s15], $0x10, s18, s15, $0xb8;
	[tilespmem:$0x160E0] =	vst v63  }
0x1ff: {  	s20 =	simm.s32 $0x146D0;
	s21 =	simm.s32 $0x158D0;
	s22 =	simm.s32 $0x1  }
0x200: {  	[tilespmem:s21], [sflag:$0x1] =	stream.indirect.gather [hbm4b:s14+s15], $0x10, s20, s15, $0xb8;
	[tilespmem:$0x160E0] =	vst v63  }
0x201: {  	_ =	swait.ge [sflag:s22], $0x800  }
0x202: {  	[sflag:s22] =	ssyncset.done $0x0  }
0x203: {  	[sflag:s22] =	ssyncadd.s32 $0xFFFFF800  }
0x204: {  	_ =	swait.ge [sflag:s22], $0x800  }
0x205: {  	[sflag:s22] =	ssyncset.done $0x0  }
0x206: {  	[sflag:s22] =	ssyncadd.s32 $0xFFFFF800  }
0x207: {  	_ =	swait.ge [sflag:s22], $0x800  }
0x208: {  	s23 =	rddreg [dreg:$0x10];
	[sflag:s22] =	ssyncset.done $0x0  }
0x209: {  	s24 =	smul.u32 $0x30, s23;
	[sflag:s22] =	ssyncadd.s32 $0xFFFFF800  }
0x20a: {  	s25 =	simm.s32 $0x0;
	s1 =	rddreg [dreg:$0x1]  }
0x20b: {  	s3 =	simm.s32 $0x2;
	s8 =	simm.s32 $0x13880;
	s1 =	sadd.s32 s1, s24  }
0x20c: {  	[hbm4b:s1+s25] =	stream.linear.scatter [tilespmem:s8], [sflag:$0x2], $0x180, $0x38;
	[tilespmem:$0x160E0] =	vst v63  }
0x20d: {  	_ =	swait.ge [sflag:s3], $0x180  }
0x20e: {  	[sflag:s3] =	ssyncset.done $0x0;
	s26 =	rddreg [dreg:$0xa]  }
0x20f: {  	s28 =	simm.s32 $0x14750;
	[sflag:s3] =	ssyncadd.s32 $0xFFFFFE80;
	s0 =	sadd.s32 s26, s24  }
0x210: {  	[hbm4b:s0+s25] =	stream.linear.scatter [tilespmem:s28], [sflag:$0x2], $0x180, $0x38;
	[tilespmem:$0x160E0] =	vst v63  }
0x211: {  	s29 =	smul.u32 $0x300, s23;
	_ =	swait.ge [sflag:s3], $0x180  }
0x212: {  	[sflag:s3] =	ssyncset.done $0x0;
	s30 =	rddreg [dreg:$0xb]  }
0x213: {  	[sflag:s3] =	ssyncadd.s32 $0xFFFFFE80;
	s0 =	sadd.s32 s30, s29  }
0x214: {  	[hbm4b:s0+s25] =	stream.linear.scatter [tilespmem:s17], [sflag:$0x2], $0x1800, $0x38;
	[tilespmem:$0x160E0] =	vst v63  }
0x215: {  	_ =	swait.ge [sflag:s3], $0x1800  }
0x216: {  	s31 =	rddreg [dreg:$0xf]  }
0x217: {  	s1 =	sadd.s32 $0x1, s31  }
0x218: {  	p0 =	sne.s32 s1, $0x4  }
.Ltmp15:
0x219: {  	_ = 	snop;
	(pc) =	sbr.rel @p0 .LBB2_2-.Ltmp15, $3  }
0x21a: {  	_ =	sdelay $0x1  }
0x21b: {  	[sflag:s3] =	ssyncset.done $0x0  }
0x21c: {  	s9 =	simm.s32 $0x13CF0;
	s10 =	simm.s32 $0x80000000;
	[sflag:s3] =	ssyncadd.s32 $0xFFFFE800  }
0x21d: {  	s1 =	rddreg [dreg:$0xe]  }
0x21e: {  	s0 =	rddreg [dreg:$0xd];
	s1 =	sadd.s32 $0x1, s1  }
0x21f: {  	p0 =	sne.s32 s1, s0  }
.Ltmp16:
0x220: {  	_ = 	snop;
	(pc) =	sbr.rel @p0 .LBB2_1-.Ltmp16, $1  }
0x221: {  	_ =	sdelay $0x3  }
0x222: {  	_ =	sfence.sel $0x180000  }
0x223: {  	[bflag:$0x0] =	sbarrier.arrive $0xFFFF  }
0x224: {  	_ =	strace $0x90000047  }
0x225: {  	s0 =	stileid.u32;
	[bflag:$0x2] =	sbarrier.arrive $0xFFFF  }
0x226: {  	p0 =	sne.s32 s0, $0x0;
	s0 =	rddreg [dreg:$0x2]  }
0x227: {  	s0 =	sadd.s32 @!p0 $0x100000, s0  }
0x228: {  	[sflag:s0] =	ssyncadd.tile.s32 @!p0 $0x1;
	_ =	shalt  }
.Lfunc_end2:
_tile_overlayer_lowered:
.L_overlay_start_2:
0x229: {  	(tag) =	ssettag $0x2  }
0x22a: {  	s0 =	rddreg [dreg:$0x0];
	s2 =	stileid.u32  }
0x22b: {  	s1 =	rddreg [dreg:$0x1];
	p0 =	sne.s32 s2, $0x0  }
0x22c: {  	s3 =	rddreg [dreg:$0x2];
	[bflag:$0x3] =	sbarrier.arrive $0xFFFF;
	s2 =	simm.s32 @!p0 $0x1C02  }
0x22d: {  	[timem:s3], [sflag:s2] =	dma.local @!p0 [hbm:s0], s1  }
0x22e: {  	s0 =	simm.s32 @!p0 $0x2  }
0x22f: {  	_ =	swait.ge @!p0 [sflag:s0], s1  }
0x230: {  	s1 =	ssub.s32 @!p0 $0x0, s1;
	[sflag:s0] =	ssyncset.done @!p0 $0x0  }
0x231: {  	[sflag:s0] =	ssyncadd.s32 @!p0 s1  }
0x232: {  	[bflag:$0x3] =	sbarrier.arrive $0xFFFF  }
0x233: {  	_ =	shalt  }

</sc_bundles>
